<compile_context>
chip_gen: v7x
topology: tpu7x:2x2x1
jax: 0.10.2.dev20260603
libtpu: 0.0.44.dev20260713+nightly
codegen_flags: <defaults>
</compile_context>

<pallas_src>
import functools

import jax
import jax.numpy as jnp
from jax import lax
from jax.experimental import pallas as pl
from jax.experimental.pallas import tpu as pltpu
from jax.experimental.pallas import tpu_sc as plsc

N = 10000
E = 320000
C_IN = 128
H = 32
C_OUT = 32

NW = 32
NPW = 320
NP = NW * NPW
CH = 1024
KCH = CH // 128
EP = ((E + CH + 127) // 128) * 128
RSP = NP + 16

_BL1 = 1024
_BL2 = 1024


def _mm1_body(x_ref, w_ref, b1_ref, a_ref, b_ref):
    x = x_ref[...]
    h1 = jnp.dot(x, w_ref[:C_IN, :], preferred_element_type=jnp.float32)
    h2 = jnp.dot(x, w_ref[C_IN:, :], preferred_element_type=jnp.float32)
    pad = jnp.zeros((_BL1, 128 - H), jnp.float32)
    a_ref[...] = h1
    b_ref[...] = jnp.concatenate([h2 + b1_ref[...], pad], axis=1)


_mm1 = pl.pallas_call(
    _mm1_body,
    grid=(NP // _BL1,),
    in_specs=[
        pl.BlockSpec((_BL1, C_IN), lambda i: (i, 0)),
        pl.BlockSpec((2 * C_IN, H), lambda i: (0, 0)),
        pl.BlockSpec((1, H), lambda i: (0, 0)),
    ],
    out_specs=[
        pl.BlockSpec((_BL1, H), lambda i: (i, 0)),
        pl.BlockSpec((_BL1, 128), lambda i: (i, 0)),
    ],
    out_shape=[
        jax.ShapeDtypeStruct((NP, H), jnp.float32),
        jax.ShapeDtypeStruct((NP, 128), jnp.float32),
    ],
)


def _mm2_body(s_ref, w2_ref, b2_ref, o_ref):
    s = s_ref[:, :H]
    msk = s_ref[:, H:H + 1]
    o = jnp.dot(s, w2_ref[...], preferred_element_type=jnp.float32)
    o_ref[...] = o + b2_ref[...] * msk


_mm2 = pl.pallas_call(
    _mm2_body,
    grid=(NP // _BL2,),
    in_specs=[
        pl.BlockSpec((_BL2, 128), lambda i: (i, 0)),
        pl.BlockSpec((H, C_OUT), lambda i: (0, 0)),
        pl.BlockSpec((1, C_OUT), lambda i: (0, 0)),
    ],
    out_specs=pl.BlockSpec((_BL2, C_OUT), lambda i: (i, 0)),
    out_shape=jax.ShapeDtypeStruct((N, C_OUT), jnp.float32),
)


_mesh = plsc.VectorSubcoreMesh(core_axis_name="c", subcore_axis_name="s")


@functools.partial(
    pl.kernel,
    mesh=_mesh,
    compiler_params=pltpu.CompilerParams(use_tc_tiling_on_sc=False),
    out_type=jax.ShapeDtypeStruct((NP * 128,), jnp.float32),
    scratch_types=[
        pltpu.VMEM((2 * KCH, 128), jnp.int32),
        pltpu.VMEM((2 * CH, H), jnp.float32),
        pltpu.VMEM((NPW, H), jnp.float32),
        pltpu.VMEM((NPW + 16,), jnp.int32),
        pltpu.VMEM((NPW * 128,), jnp.float32),
        pltpu.SemaphoreType.DMA,
        pltpu.SemaphoreType.DMA,
        pltpu.SemaphoreType.DMA,
        pltpu.SemaphoreType.DMA,
    ],
)
def _sc_seg(a_hbm, bb_hbm, nbr_hbm, rs_hbm, out_hbm,
            idx_v, rows_v, bb_v, rs_v, s_v,
            rsem0, rsem1, isem0, isem1):
    nc = 2
    wid = lax.axis_index("s") * nc + lax.axis_index("c")
    n0 = wid * NPW
    pltpu.sync_copy(rs_hbm.at[pl.ds(n0, NPW + 16)], rs_v)
    pltpu.sync_copy(bb_hbm.at[pl.ds(n0, NPW), pl.ds(0, H)], bb_v)

    rsems = (rsem0, rsem1)
    isems = (isem0, isem1)
    zero = jnp.zeros((16,), jnp.float32)
    ones = jnp.full((16,), 1.0)

    def rs_at(i):
        return rs_v[pl.ds(i, 16)][0]

    def idx_start(b, cb):
        pltpu.async_copy(
            nbr_hbm.at[pl.ds(cb // 128, KCH)],
            idx_v.at[pl.ds(b * KCH, KCH)],
            isems[b],
        )

    def idx_wait(b):
        pltpu.make_async_copy(
            nbr_hbm.at[pl.ds(0, KCH)],
            idx_v.at[pl.ds(b * KCH, KCH)],
            isems[b],
        ).wait()

    def gathers_start(b):
        for k in range(KCH):
            pltpu.async_copy(
                a_hbm.at[idx_v.at[b * KCH + k]],
                rows_v.at[pl.ds(b * CH + k * 128, 128)],
                rsems[b],
            )

    def gathers_wait(b):
        for k in range(KCH):
            pltpu.make_async_copy(
                a_hbm.at[idx_v.at[b * KCH + k]],
                rows_v.at[pl.ds(b * CH + k * 128, 128)],
                rsems[b],
            ).wait()

    def edge_loop(off, lo, hi, bb0, bb1, a0, a1):
        nb4 = (hi - lo) // 4

        def blk(k, st4):
            a0, a1, c0, c1 = st4
            p = off + lo + k * 4
            v00 = rows_v[p, pl.ds(0, 16)]
            v01 = rows_v[p, pl.ds(16, 16)]
            v10 = rows_v[p + 1, pl.ds(0, 16)]
            v11 = rows_v[p + 1, pl.ds(16, 16)]
            v20 = rows_v[p + 2, pl.ds(0, 16)]
            v21 = rows_v[p + 2, pl.ds(16, 16)]
            v30 = rows_v[p + 3, pl.ds(0, 16)]
            v31 = rows_v[p + 3, pl.ds(16, 16)]
            a0 = a0 + jnp.maximum(v00 + bb0, 0.0)
            a1 = a1 + jnp.maximum(v01 + bb1, 0.0)
            c0 = c0 + jnp.maximum(v10 + bb0, 0.0)
            c1 = c1 + jnp.maximum(v11 + bb1, 0.0)
            a0 = a0 + jnp.maximum(v20 + bb0, 0.0)
            a1 = a1 + jnp.maximum(v21 + bb1, 0.0)
            c0 = c0 + jnp.maximum(v30 + bb0, 0.0)
            c1 = c1 + jnp.maximum(v31 + bb1, 0.0)
            return a0, a1, c0, c1

        a0, a1, c0, c1 = plsc.parallel_loop(
            0, nb4, 1, unroll=2, carry=(a0, a1, zero, zero)
        )(blk)

        def rem(p, st2):
            a0, a1 = st2
            v0 = rows_v[off + p, pl.ds(0, 16)]
            v1 = rows_v[off + p, pl.ds(16, 16)]
            return a0 + jnp.maximum(v0 + bb0, 0.0), a1 + jnp.maximum(v1 + bb1, 0.0)

        a0, a1 = lax.fori_loop(lo + nb4 * 4, hi, rem, (a0, a1))
        return a0 + c0, a1 + c1

    def finalize(j, cnt, a0, a1):
        den = jnp.maximum(jnp.full((16,), cnt.astype(jnp.float32)), 1.0)
        s_v[pl.ds(j * 128, 16)] = a0 / den
        s_v[pl.ds(j * 128 + 16, 16)] = a1 / den
        s_v[pl.ds(j * 128 + 32, 16)] = jnp.where(cnt > 0, ones, zero)

    def process(off, cb, j0, a00, a10):
        ce = cb + CH

        def bs(_, lohi):
            lo, hi = lohi
            active = lo < hi
            mid = (lo + hi) // 2
            pred = rs_at(mid) < ce
            lo2 = jnp.where(active & pred, mid + 1, lo)
            hi2 = jnp.where(active & (~pred), mid, hi)
            return lo2, hi2

        k, _ = lax.fori_loop(0, 9, bs, (j0, jnp.int32(NPW)))

        def nbody(j, carry):
            a0, a1 = carry
            s = rs_at(j)
            t = rs_at(j + 1)
            bb0 = bb_v[j, pl.ds(0, 16)]
            bb1 = bb_v[j, pl.ds(16, 16)]
            lo = jnp.maximum(s, cb) - cb
            hi = jnp.minimum(t, ce) - cb
            a0, a1 = edge_loop(off, lo, hi, bb0, bb1, a0, a1)
            fin = t <= ce

            @pl.when(fin)
            def _():
                finalize(j, t - s, a0, a1)

            a0 = jnp.where(fin, zero, a0)
            a1 = jnp.where(fin, zero, a1)
            return a0, a1

        a0, a1 = lax.fori_loop(j0, k, nbody, (a00, a10))
        t_last = rs_at(k)
        jn = jnp.where((k > j0) & (t_last > ce), k - 1, k)
        return jn, a0, a1

    e0 = rs_at(0)
    e1 = rs_at(NPW)
    cb0 = (e0 // 128) * 128
    nch = (e1 - cb0 + (CH - 1)) // CH

    @pl.when(nch > 0)
    def _():
        pltpu.sync_copy(nbr_hbm.at[pl.ds(cb0 // 128, KCH)], idx_v.at[pl.ds(0, KCH)])
        gathers_start(0)

    @pl.when(nch > 1)
    def _():
        idx_start(1, cb0 + CH)

    def chunk_body(ci, carry):
        j, a0, a1 = carry
        cb = cb0 + ci * CH
        par = ci % 2
        for b in (0, 1):
            @pl.when(par == b)
            def _():
                gathers_wait(b)

            @pl.when((par == b) & (ci + 1 < nch))
            def _():
                idx_wait(1 - b)
                gathers_start(1 - b)

            @pl.when((par == b) & (ci + 2 < nch))
            def _():
                idx_start(b, cb + 2 * CH)

        return process(par * CH, cb, j, a0, a1)

    jf, _, _ = lax.fori_loop(0, nch, chunk_body, (jnp.int32(0), zero, zero))

    def tail_body(j, carry):
        s_v[pl.ds(j * 128, 16)] = zero
        s_v[pl.ds(j * 128 + 16, 16)] = zero
        s_v[pl.ds(j * 128 + 32, 16)] = zero
        return carry

    lax.fori_loop(jf, NPW, tail_body, 0)

    pltpu.sync_copy(s_v, out_hbm.at[pl.ds(n0 * 128, NPW * 128)])


def kernel(in_features, neighbors_index, neighbors_row_splits, W1, b1, W2, b2):
    ap, bp = _mm1(in_features, W1, b1[None, :])
    nbr2 = jnp.pad(neighbors_index, (0, EP - E)).reshape(EP // 128, 128)
    rsp = jnp.pad(
        neighbors_row_splits, (0, RSP - (N + 1)), constant_values=E
    ).astype(jnp.int32)
    s = _sc_seg(ap, bp, nbr2, rsp)
    return _mm2(s.reshape(NP, 128), W2, b2[None, :])

# --- scband reference (transcript-rebuilt; emitter-appended) ---
"""Pipeline reference for scband-distributed-integral-transform-69295002354191 (READ-ONLY COPY).

The authoritative reference and input builder live on the scoring server;
editing this copy changes nothing except your own understanding.
"""

import jax, jax.numpy as jnp
import numpy as np

N = 10000
E = 320000
C_IN = 128
HIDDEN = 32
C_OUT = 32


def setup_inputs(seed: int = 0) -> dict:
    key = jax.random.key(seed)
    ks = jax.random.split(key, 6)
    in_features = jax.random.normal(ks[0], (N, C_IN), dtype=jnp.float32)
    neighbors_index = jax.random.randint(ks[1], (E,), 0, N, dtype=jnp.int32)
    rs = jnp.sort(jax.random.randint(ks[2], (N + 1,), 0, E + 1, dtype=jnp.int32))
    neighbors_row_splits = rs.at[0].set(0).at[-1].set(E)
    W1 = jax.random.normal(ks[3], (2 * C_IN, HIDDEN), dtype=jnp.float32) * (1.0 / np.sqrt(2 * C_IN))
    b1 = jnp.zeros((HIDDEN,), dtype=jnp.float32)
    W2 = jax.random.normal(ks[4], (HIDDEN, C_OUT), dtype=jnp.float32) * (1.0 / np.sqrt(HIDDEN))
    b2 = jnp.zeros((C_OUT,), dtype=jnp.float32)
    return {
        "in_features": in_features,
        "neighbors_index": neighbors_index,
        "neighbors_row_splits": neighbors_row_splits,
        "W1": W1,
        "b1": b1,
        "W2": W2,
        "b2": b2,
    }


def reference(in_features, neighbors_index, neighbors_row_splits, W1, b1, W2, b2):
    num_edges = neighbors_index.shape[0]
    num_nodes = neighbors_row_splits.shape[0] - 1
    # segment id for each edge (CSR row decode); equals repeat_interleave of node ids
    seg_ids = jnp.searchsorted(neighbors_row_splits, jnp.arange(num_edges, dtype=neighbors_row_splits.dtype), side='right') - 1
    # gather neighbor (source) features: in_features[neighbor_index]
    gathered = jnp.take(in_features, neighbors_index, axis=0)
    # self features repeated per CSR row (node_features defaults to in_features)
    self_feats = jnp.take(in_features, seg_ids, axis=0)
    agg = jnp.concatenate([gathered, self_feats], axis=1)
    # MLP: Linear(2*C_IN -> HIDDEN), ReLU, Linear(HIDDEN -> C_OUT)
    h = jax.nn.relu(agg @ W1 + b1)
    h = h @ W2 + b2
    # segment_csr with reduce='mean'
    sums = jax.ops.segment_sum(h, seg_ids, num_segments=num_nodes)
    counts = (neighbors_row_splits[1:] - neighbors_row_splits[:-1]).astype(jnp.float32)
    out = sums / jnp.maximum(counts, 1.0)[:, None]
    return out

if __name__ == "__main__":
    import jax
    _d = setup_inputs()
    print(jax.jit(kernel)(*tuple(_d.values())))

</pallas_src>

<mosaic_0001>
#map = affine_map<(d0, d1) -> (0, 0)>
#map1 = affine_map<(d0, d1) -> (0)>
module attributes {stable_mosaic.version = 14 : i64} {
  func.func @_sc_seg(%arg0: i32, %arg1: i32, %arg2: memref<10240x32xf32, #tpu.memory_space<hbm>>, %arg3: memref<10240x128xf32, #tpu.memory_space<hbm>>, %arg4: memref<2508x128xi32, #tpu.memory_space<hbm>>, %arg5: memref<10256xi32, #tpu.memory_space<hbm>>, %arg6: memref<1310720xf32, #tpu.memory_space<hbm>>, %arg7: memref<16x128xi32, #tpu.memory_space<vmem>>, %arg8: memref<2048x32xf32, #tpu.memory_space<vmem>>, %arg9: memref<320x32xf32, #tpu.memory_space<vmem>>, %arg10: memref<336xi32, #tpu.memory_space<vmem>>, %arg11: memref<40960xf32, #tpu.memory_space<vmem>>, %arg12: memref<!tpu.dma_semaphore, #tpu.memory_space<semaphore_mem>>, %arg13: memref<!tpu.dma_semaphore, #tpu.memory_space<semaphore_mem>>, %arg14: memref<!tpu.dma_semaphore, #tpu.memory_space<semaphore_mem>>, %arg15: memref<!tpu.dma_semaphore, #tpu.memory_space<semaphore_mem>>) attributes {dimension_semantics = [#tpu.dimension_semantics<core_parallel>, #tpu.dimension_semantics<subcore_parallel>], iteration_bounds = array<i64: 2, 16>, scalar_prefetch = 0 : i64, scratch_operands = 9 : i64, tpu.core_type = #tpu.core_type<sc_vector_subcore>, window_params = [{transform_indices = #map}, {transform_indices = #map}, {transform_indices = #map}, {transform_indices = #map1}, {transform_indices = #map1}]} {
    %mul3A = arith.constant 2 : i32
    %mul3A_0 = arith.muli %arg1, %mul3A : i32
    %add3A = arith.addi %mul3A_0, %arg0 : i32
    %mul3A_1 = arith.constant 320 : i32
    %mul3A_2 = arith.muli %add3A, %mul3A_1 : i32
    "tpu.region"() ({
      %run_scoped3A = tpu.sem_alloc : memref<!tpu.dma_semaphore, #tpu.memory_space<semaphore_mem>>
      %dma_start3A = tpu.memref_slice %arg5[%mul3A_2] : memref<10256xi32, #tpu.memory_space<hbm>> -> memref<336xi32, #tpu.memory_space<hbm>>
      %dma_start3A_88 = tpu.memref_slice %arg5[%mul3A_2] : memref<10256xi32, #tpu.memory_space<hbm>> -> memref<336xi32, #tpu.memory_space<hbm>>
      tpu.enqueue_dma source(%dma_start3A_88 : memref<336xi32, #tpu.memory_space<hbm>>) target(%arg10 : memref<336xi32, #tpu.memory_space<vmem>>) target_semaphore(%run_scoped3A : memref<!tpu.dma_semaphore, #tpu.memory_space<semaphore_mem>>)
      %dma_wait3A = tpu.memref_slice %arg5[%mul3A_2] : memref<10256xi32, #tpu.memory_space<hbm>> -> memref<336xi32, #tpu.memory_space<hbm>>
      %dma_wait3A_89 = tpu.memref_slice %arg5[%mul3A_2] : memref<10256xi32, #tpu.memory_space<hbm>> -> memref<336xi32, #tpu.memory_space<hbm>>
      tpu.wait_dma2 semaphore(%run_scoped3A : memref<!tpu.dma_semaphore, #tpu.memory_space<semaphore_mem>>) src(%dma_wait3A_89 : memref<336xi32, #tpu.memory_space<hbm>>) dst(%arg10 : memref<336xi32, #tpu.memory_space<vmem>>)
      tpu.yield
    }) : () -> ()
    "tpu.region"() ({
      %run_scoped3A = tpu.sem_alloc : memref<!tpu.dma_semaphore, #tpu.memory_space<semaphore_mem>>
      %dma_start3A = arith.constant 0 : i32
      %dma_start3A_88 = tpu.memref_slice %arg3[%mul3A_2, %dma_start3A] : memref<10240x128xf32, #tpu.memory_space<hbm>> -> memref<320x32xf32, #tpu.memory_space<hbm>>
      %dma_start3A_89 = arith.constant 0 : i32
      %dma_start3A_90 = tpu.memref_slice %arg3[%mul3A_2, %dma_start3A_89] : memref<10240x128xf32, #tpu.memory_space<hbm>> -> memref<320x32xf32, #tpu.memory_space<hbm>>
      tpu.enqueue_dma source(%dma_start3A_90 : memref<320x32xf32, #tpu.memory_space<hbm>>) target(%arg9 : memref<320x32xf32, #tpu.memory_space<vmem>>) target_semaphore(%run_scoped3A : memref<!tpu.dma_semaphore, #tpu.memory_space<semaphore_mem>>)
      %dma_wait3A = arith.constant 0 : i32
      %dma_wait3A_91 = tpu.memref_slice %arg3[%mul3A_2, %dma_wait3A] : memref<10240x128xf32, #tpu.memory_space<hbm>> -> memref<320x32xf32, #tpu.memory_space<hbm>>
      %dma_wait3A_92 = arith.constant 0 : i32
      %dma_wait3A_93 = tpu.memref_slice %arg3[%mul3A_2, %dma_wait3A_92] : memref<10240x128xf32, #tpu.memory_space<hbm>> -> memref<320x32xf32, #tpu.memory_space<hbm>>
      tpu.wait_dma2 semaphore(%run_scoped3A : memref<!tpu.dma_semaphore, #tpu.memory_space<semaphore_mem>>) src(%dma_wait3A_93 : memref<320x32xf32, #tpu.memory_space<hbm>>) dst(%arg9 : memref<320x32xf32, #tpu.memory_space<vmem>>)
      tpu.yield
    }) : () -> ()
    %broadcast_in_dim3A = arith.constant 0.000000e+00 : f32
    %broadcast_in_dim3A_3 = vector.broadcast %broadcast_in_dim3A : f32 to vector<16xf32>
    %broadcast_in_dim3A_4 = arith.constant 1.000000e+00 : f32
    %broadcast_in_dim3A_5 = vector.broadcast %broadcast_in_dim3A_4 : f32 to vector<16xf32>
    %get3A = arith.constant 0 : index
    %get3A_6 = tpu.vector_load %arg10[%get3A] {strides = array<i32>} : memref<336xi32, #tpu.memory_space<vmem>>, vector<16xi32>,
    %get3A_7 = vector.shape_cast %get3A_6 : vector<16xi32> to vector<16xi32>
    %slice3A = vector.extract_strided_slice %get3A_7 {offsets = [0], sizes = [1], strides = [1]} : vector<16xi32> to vector<1xi32>
    %squeeze3A = vector.extract %slice3A[0] : i32 from vector<1xi32>
    %get3A_8 = arith.constant 320 : index
    %get3A_9 = tpu.vector_load %arg10[%get3A_8] {strides = array<i32>} : memref<336xi32, #tpu.memory_space<vmem>>, vector<16xi32>,
    %get3A_10 = vector.shape_cast %get3A_9 : vector<16xi32> to vector<16xi32>
    %slice3A_11 = vector.extract_strided_slice %get3A_10 {offsets = [0], sizes = [1], strides = [1]} : vector<16xi32> to vector<1xi32>
    %squeeze3A_12 = vector.extract %slice3A_11[0] : i32 from vector<1xi32>
    %jit3A = arith.constant 128 : i32
    %div3A = arith.divsi %squeeze3A, %jit3A : i32
    %sign3A = arith.constant 0 : i32
    %sign3A_13 = arith.cmpi sgt, %squeeze3A, %sign3A : i32
    %sign3A_14 = arith.extui %sign3A_13 : i1 to i32
    %sign3A_15 = arith.constant 0 : i32
    %sign3A_16 = arith.cmpi slt, %squeeze3A, %sign3A_15 : i32
    %sign3A_17 = arith.extui %sign3A_16 : i1 to i32
    %sign3A_18 = arith.subi %sign3A_14, %sign3A_17 : i32
    %sign3A_19 = arith.constant 0 : i32
    %sign3A_20 = arith.cmpi sgt, %jit3A, %sign3A_19 : i32
    %sign3A_21 = arith.extui %sign3A_20 : i1 to i32
    %sign3A_22 = arith.constant 0 : i32
    %sign3A_23 = arith.cmpi slt, %jit3A, %sign3A_22 : i32
    %sign3A_24 = arith.extui %sign3A_23 : i1 to i32
    %sign3A_25 = arith.subi %sign3A_21, %sign3A_24 : i32
    %ne3A = arith.cmpi ne, %sign3A_18, %sign3A_25 : i32
    %rem3A = arith.remsi %squeeze3A, %jit3A : i32
    %ne3A_26 = arith.constant 0 : i32
    %ne3A_27 = arith.cmpi ne, %rem3A, %ne3A_26 : i32
    %and3A = arith.andi %ne3A, %ne3A_27 : i1
    %sub3A = arith.constant 1 : i32
    %sub3A_28 = arith.subi %div3A, %sub3A : i32
    %select_n3A = arith.select %and3A, %sub3A_28, %div3A : i32
    %mul3A_29 = arith.constant 128 : i32
    %mul3A_30 = arith.muli %select_n3A, %mul3A_29 : i32
    %sub3A_31 = arith.subi %squeeze3A_12, %mul3A_30 : i32
    %add3A_32 = arith.constant 1023 : i32
    %add3A_33 = arith.addi %sub3A_31, %add3A_32 : i32
    %jit3A_34 = arith.constant 1024 : i32
    %div3A_35 = arith.divsi %add3A_33, %jit3A_34 : i32
    %sign3A_36 = arith.constant 0 : i32
    %sign3A_37 = arith.cmpi sgt, %add3A_33, %sign3A_36 : i32
    %sign3A_38 = arith.extui %sign3A_37 : i1 to i32
    %sign3A_39 = arith.constant 0 : i32
    %sign3A_40 = arith.cmpi slt, %add3A_33, %sign3A_39 : i32
    %sign3A_41 = arith.extui %sign3A_40 : i1 to i32
    %sign3A_42 = arith.subi %sign3A_38, %sign3A_41 : i32
    %sign3A_43 = arith.constant 0 : i32
    %sign3A_44 = arith.cmpi sgt, %jit3A_34, %sign3A_43 : i32
    %sign3A_45 = arith.extui %sign3A_44 : i1 to i32
    %sign3A_46 = arith.constant 0 : i32
    %sign3A_47 = arith.cmpi slt, %jit3A_34, %sign3A_46 : i32
    %sign3A_48 = arith.extui %sign3A_47 : i1 to i32
    %sign3A_49 = arith.subi %sign3A_45, %sign3A_48 : i32
    %ne3A_50 = arith.cmpi ne, %sign3A_42, %sign3A_49 : i32
    %rem3A_51 = arith.remsi %add3A_33, %jit3A_34 : i32
    %ne3A_52 = arith.constant 0 : i32
    %ne3A_53 = arith.cmpi ne, %rem3A_51, %ne3A_52 : i32
    %and3A_54 = arith.andi %ne3A_50, %ne3A_53 : i1
    %sub3A_55 = arith.constant 1 : i32
    %sub3A_56 = arith.subi %div3A_35, %sub3A_55 : i32
    %select_n3A_57 = arith.select %and3A_54, %sub3A_56, %div3A_35 : i32
    %gt3A = arith.constant 0 : i32
    %gt3A_58 = arith.cmpi sgt, %select_n3A_57, %gt3A : i32
    %convert_element_type3A = arith.extui %gt3A_58 : i1 to i32
    %cond3A = arith.constant 0 : i32
    %cond3A_59 = arith.cmpi ne, %convert_element_type3A, %cond3A : i32
    scf.if %cond3A_59 {
      %jit3A_88 = arith.constant 128 : i32
      %div3A_89 = arith.divsi %mul3A_30, %jit3A_88 : i32
      %sign3A_90 = arith.constant 0 : i32
      %sign3A_91 = arith.cmpi sgt, %mul3A_30, %sign3A_90 : i32
      %sign3A_92 = arith.extui %sign3A_91 : i1 to i32
      %sign3A_93 = arith.constant 0 : i32
      %sign3A_94 = arith.cmpi slt, %mul3A_30, %sign3A_93 : i32
      %sign3A_95 = arith.extui %sign3A_94 : i1 to i32
      %sign3A_96 = arith.subi %sign3A_92, %sign3A_95 : i32
      %sign3A_97 = arith.constant 0 : i32
      %sign3A_98 = arith.cmpi sgt, %jit3A_88, %sign3A_97 : i32
      %sign3A_99 = arith.extui %sign3A_98 : i1 to i32
      %sign3A_100 = arith.constant 0 : i32
      %sign3A_101 = arith.cmpi slt, %jit3A_88, %sign3A_100 : i32
      %sign3A_102 = arith.extui %sign3A_101 : i1 to i32
      %sign3A_103 = arith.subi %sign3A_99, %sign3A_102 : i32
      %ne3A_104 = arith.cmpi ne, %sign3A_96, %sign3A_103 : i32
      %rem3A_105 = arith.remsi %mul3A_30, %jit3A_88 : i32
      %ne3A_106 = arith.constant 0 : i32
      %ne3A_107 = arith.cmpi ne, %rem3A_105, %ne3A_106 : i32
      %and3A_108 = arith.andi %ne3A_104, %ne3A_107 : i1
      %sub3A_109 = arith.constant 1 : i32
      %sub3A_110 = arith.subi %div3A_89, %sub3A_109 : i32
      %select_n3A_111 = arith.select %and3A_108, %sub3A_110, %div3A_89 : i32
      "tpu.region"() ({
        %run_scoped3A = tpu.sem_alloc : memref<!tpu.dma_semaphore, #tpu.memory_space<semaphore_mem>>
        %dma_start3A_191 = arith.constant 0 : i32
        %dma_start3A_192 = arith.constant 0 : i32
        %dma_start3A_193 = tpu.memref_slice %arg7[%dma_start3A_191, %dma_start3A_192] : memref<16x128xi32, #tpu.memory_space<vmem>> -> memref<8x128xi32, #tpu.memory_space<vmem>>
        %dma_start3A_194 = arith.constant 0 : i32
        %dma_start3A_195 = tpu.memref_slice %arg4[%select_n3A_111, %dma_start3A_194] : memref<2508x128xi32, #tpu.memory_space<hbm>> -> memref<8x128xi32, #tpu.memory_space<hbm>>
        %dma_start3A_196 = arith.constant 0 : i32
        %dma_start3A_197 = arith.constant 0 : i32
        %dma_start3A_198 = tpu.memref_slice %arg7[%dma_start3A_196, %dma_start3A_197] : memref<16x128xi32, #tpu.memory_space<vmem>> -> memref<8x128xi32, #tpu.memory_space<vmem>>
        %dma_start3A_199 = arith.constant 0 : i32
        %dma_start3A_200 = tpu.memref_slice %arg4[%select_n3A_111, %dma_start3A_199] : memref<2508x128xi32, #tpu.memory_space<hbm>> -> memref<8x128xi32, #tpu.memory_space<hbm>>
        tpu.enqueue_dma source(%dma_start3A_200 : memref<8x128xi32, #tpu.memory_space<hbm>>) target(%dma_start3A_198 : memref<8x128xi32, #tpu.memory_space<vmem>>) target_semaphore(%run_scoped3A : memref<!tpu.dma_semaphore, #tpu.memory_space<semaphore_mem>>)
        %dma_wait3A = arith.constant 0 : i32
        %dma_wait3A_201 = arith.constant 0 : i32
        %dma_wait3A_202 = tpu.memref_slice %arg7[%dma_wait3A, %dma_wait3A_201] : memref<16x128xi32, #tpu.memory_space<vmem>> -> memref<8x128xi32, #tpu.memory_space<vmem>>
        %dma_wait3A_203 = arith.constant 0 : i32
        %dma_wait3A_204 = tpu.memref_slice %arg4[%select_n3A_111, %dma_wait3A_203] : memref<2508x128xi32, #tpu.memory_space<hbm>> -> memref<8x128xi32, #tpu.memory_space<hbm>>
        %dma_wait3A_205 = arith.constant 0 : i32
        %dma_wait3A_206 = arith.constant 0 : i32
        %dma_wait3A_207 = tpu.memref_slice %arg7[%dma_wait3A_205, %dma_wait3A_206] : memref<16x128xi32, #tpu.memory_space<vmem>> -> memref<8x128xi32, #tpu.memory_space<vmem>>
        %dma_wait3A_208 = arith.constant 0 : i32
        %dma_wait3A_209 = tpu.memref_slice %arg4[%select_n3A_111, %dma_wait3A_208] : memref<2508x128xi32, #tpu.memory_space<hbm>> -> memref<8x128xi32, #tpu.memory_space<hbm>>
        tpu.wait_dma2 semaphore(%run_scoped3A : memref<!tpu.dma_semaphore, #tpu.memory_space<semaphore_mem>>) src(%dma_wait3A_209 : memref<8x128xi32, #tpu.memory_space<hbm>>) dst(%dma_wait3A_207 : memref<8x128xi32, #tpu.memory_space<vmem>>)
        tpu.yield
      }) : () -> ()
      %dma_start3A = arith.constant 0 : i32
      %dma_start3A_112 = arith.constant 0 : i32
      %dma_start3A_113 = arith.constant 0 : i32
      %dma_start3A_114 = tpu.memref_slice %arg8[%dma_start3A_112, %dma_start3A_113] : memref<2048x32xf32, #tpu.memory_space<vmem>> -> memref<128x32xf32, #tpu.memory_space<vmem>>
      %dma_start3A_115 = arith.constant 0 : i32
      %dma_start3A_116 = tpu.memref_slice %arg7[%dma_start3A, %dma_start3A_115] : memref<16x128xi32, #tpu.memory_space<vmem>> -> memref<1x128xi32, #tpu.memory_space<vmem>>
      %dma_start3A_117 = tpu.memref_squeeze %dma_start3A_116 : memref<1x128xi32, #tpu.memory_space<vmem>> -> memref<128xi32, #tpu.memory_space<vmem>>
      %dma_start3A_118 = arith.constant 0 : i32
      %dma_start3A_119 = arith.constant 0 : i32
      %dma_start3A_120 = tpu.memref_slice %arg2[%dma_start3A_118, %dma_start3A_119] : memref<10240x32xf32, #tpu.memory_space<hbm>> -> memref<10240x32xf32, #tpu.memory_space<hbm>>
      tpu.enqueue_indirect_dma source(%dma_start3A_120 : memref<10240x32xf32, #tpu.memory_space<hbm>>) target(%dma_start3A_114 : memref<128x32xf32, #tpu.memory_space<vmem>>) offsets(%dma_start3A_117 : memref<128xi32, #tpu.memory_space<vmem>>) semaphore(%arg12 : memref<!tpu.dma_semaphore, #tpu.memory_space<semaphore_mem>>)
      %dma_start3A_121 = arith.constant 1 : i32
      %dma_start3A_122 = arith.constant 128 : i32
      %dma_start3A_123 = arith.constant 0 : i32
      %dma_start3A_124 = tpu.memref_slice %arg8[%dma_start3A_122, %dma_start3A_123] : memref<2048x32xf32, #tpu.memory_space<vmem>> -> memref<128x32xf32, #tpu.memory_space<vmem>>
      %dma_start3A_125 = arith.constant 0 : i32
      %dma_start3A_126 = tpu.memref_slice %arg7[%dma_start3A_121, %dma_start3A_125] : memref<16x128xi32, #tpu.memory_space<vmem>> -> memref<1x128xi32, #tpu.memory_space<vmem>>
      %dma_start3A_127 = tpu.memref_squeeze %dma_start3A_126 : memref<1x128xi32, #tpu.memory_space<vmem>> -> memref<128xi32, #tpu.memory_space<vmem>>
      %dma_start3A_128 = arith.constant 0 : i32
      %dma_start3A_129 = arith.constant 0 : i32
      %dma_start3A_130 = tpu.memref_slice %arg2[%dma_start3A_128, %dma_start3A_129] : memref<10240x32xf32, #tpu.memory_space<hbm>> -> memref<10240x32xf32, #tpu.memory_space<hbm>>
      tpu.enqueue_indirect_dma source(%dma_start3A_130 : memref<10240x32xf32, #tpu.memory_space<hbm>>) target(%dma_start3A_124 : memref<128x32xf32, #tpu.memory_space<vmem>>) offsets(%dma_start3A_127 : memref<128xi32, #tpu.memory_space<vmem>>) semaphore(%arg12 : memref<!tpu.dma_semaphore, #tpu.memory_space<semaphore_mem>>)
      %dma_start3A_131 = arith.constant 2 : i32
      %dma_start3A_132 = arith.constant 256 : i32
      %dma_start3A_133 = arith.constant 0 : i32
      %dma_start3A_134 = tpu.memref_slice %arg8[%dma_start3A_132, %dma_start3A_133] : memref<2048x32xf32, #tpu.memory_space<vmem>> -> memref<128x32xf32, #tpu.memory_space<vmem>>
      %dma_start3A_135 = arith.constant 0 : i32
      %dma_start3A_136 = tpu.memref_slice %arg7[%dma_start3A_131, %dma_start3A_135] : memref<16x128xi32, #tpu.memory_space<vmem>> -> memref<1x128xi32, #tpu.memory_space<vmem>>
      %dma_start3A_137 = tpu.memref_squeeze %dma_start3A_136 : memref<1x128xi32, #tpu.memory_space<vmem>> -> memref<128xi32, #tpu.memory_space<vmem>>
      %dma_start3A_138 = arith.constant 0 : i32
      %dma_start3A_139 = arith.constant 0 : i32
      %dma_start3A_140 = tpu.memref_slice %arg2[%dma_start3A_138, %dma_start3A_139] : memref<10240x32xf32, #tpu.memory_space<hbm>> -> memref<10240x32xf32, #tpu.memory_space<hbm>>
      tpu.enqueue_indirect_dma source(%dma_start3A_140 : memref<10240x32xf32, #tpu.memory_space<hbm>>) target(%dma_start3A_134 : memref<128x32xf32, #tpu.memory_space<vmem>>) offsets(%dma_start3A_137 : memref<128xi32, #tpu.memory_space<vmem>>) semaphore(%arg12 : memref<!tpu.dma_semaphore, #tpu.memory_space<semaphore_mem>>)
      %dma_start3A_141 = arith.constant 3 : i32
      %dma_start3A_142 = arith.constant 384 : i32
      %dma_start3A_143 = arith.constant 0 : i32
      %dma_start3A_144 = tpu.memref_slice %arg8[%dma_start3A_142, %dma_start3A_143] : memref<2048x32xf32, #tpu.memory_space<vmem>> -> memref<128x32xf32, #tpu.memory_space<vmem>>
      %dma_start3A_145 = arith.constant 0 : i32
      %dma_start3A_146 = tpu.memref_slice %arg7[%dma_start3A_141, %dma_start3A_145] : memref<16x128xi32, #tpu.memory_space<vmem>> -> memref<1x128xi32, #tpu.memory_space<vmem>>
      %dma_start3A_147 = tpu.memref_squeeze %dma_start3A_146 : memref<1x128xi32, #tpu.memory_space<vmem>> -> memref<128xi32, #tpu.memory_space<vmem>>
      %dma_start3A_148 = arith.constant 0 : i32
      %dma_start3A_149 = arith.constant 0 : i32
      %dma_start3A_150 = tpu.memref_slice %arg2[%dma_start3A_148, %dma_start3A_149] : memref<10240x32xf32, #tpu.memory_space<hbm>> -> memref<10240x32xf32, #tpu.memory_space<hbm>>
      tpu.enqueue_indirect_dma source(%dma_start3A_150 : memref<10240x32xf32, #tpu.memory_space<hbm>>) target(%dma_start3A_144 : memref<128x32xf32, #tpu.memory_space<vmem>>) offsets(%dma_start3A_147 : memref<128xi32, #tpu.memory_space<vmem>>) semaphore(%arg12 : memref<!tpu.dma_semaphore, #tpu.memory_space<semaphore_mem>>)
      %dma_start3A_151 = arith.constant 4 : i32
      %dma_start3A_152 = arith.constant 512 : i32
      %dma_start3A_153 = arith.constant 0 : i32
      %dma_start3A_154 = tpu.memref_slice %arg8[%dma_start3A_152, %dma_start3A_153] : memref<2048x32xf32, #tpu.memory_space<vmem>> -> memref<128x32xf32, #tpu.memory_space<vmem>>
      %dma_start3A_155 = arith.constant 0 : i32
      %dma_start3A_156 = tpu.memref_slice %arg7[%dma_start3A_151, %dma_start3A_155] : memref<16x128xi32, #tpu.memory_space<vmem>> -> memref<1x128xi32, #tpu.memory_space<vmem>>
      %dma_start3A_157 = tpu.memref_squeeze %dma_start3A_156 : memref<1x128xi32, #tpu.memory_space<vmem>> -> memref<128xi32, #tpu.memory_space<vmem>>
      %dma_start3A_158 = arith.constant 0 : i32
      %dma_start3A_159 = arith.constant 0 : i32
      %dma_start3A_160 = tpu.memref_slice %arg2[%dma_start3A_158, %dma_start3A_159] : memref<10240x32xf32, #tpu.memory_space<hbm>> -> memref<10240x32xf32, #tpu.memory_space<hbm>>
      tpu.enqueue_indirect_dma source(%dma_start3A_160 : memref<10240x32xf32, #tpu.memory_space<hbm>>) target(%dma_start3A_154 : memref<128x32xf32, #tpu.memory_space<vmem>>) offsets(%dma_start3A_157 : memref<128xi32, #tpu.memory_space<vmem>>) semaphore(%arg12 : memref<!tpu.dma_semaphore, #tpu.memory_space<semaphore_mem>>)
      %dma_start3A_161 = arith.constant 5 : i32
      %dma_start3A_162 = arith.constant 640 : i32
      %dma_start3A_163 = arith.constant 0 : i32
      %dma_start3A_164 = tpu.memref_slice %arg8[%dma_start3A_162, %dma_start3A_163] : memref<2048x32xf32, #tpu.memory_space<vmem>> -> memref<128x32xf32, #tpu.memory_space<vmem>>
      %dma_start3A_165 = arith.constant 0 : i32
      %dma_start3A_166 = tpu.memref_slice %arg7[%dma_start3A_161, %dma_start3A_165] : memref<16x128xi32, #tpu.memory_space<vmem>> -> memref<1x128xi32, #tpu.memory_space<vmem>>
      %dma_start3A_167 = tpu.memref_squeeze %dma_start3A_166 : memref<1x128xi32, #tpu.memory_space<vmem>> -> memref<128xi32, #tpu.memory_space<vmem>>
      %dma_start3A_168 = arith.constant 0 : i32
      %dma_start3A_169 = arith.constant 0 : i32
      %dma_start3A_170 = tpu.memref_slice %arg2[%dma_start3A_168, %dma_start3A_169] : memref<10240x32xf32, #tpu.memory_space<hbm>> -> memref<10240x32xf32, #tpu.memory_space<hbm>>
      tpu.enqueue_indirect_dma source(%dma_start3A_170 : memref<10240x32xf32, #tpu.memory_space<hbm>>) target(%dma_start3A_164 : memref<128x32xf32, #tpu.memory_space<vmem>>) offsets(%dma_start3A_167 : memref<128xi32, #tpu.memory_space<vmem>>) semaphore(%arg12 : memref<!tpu.dma_semaphore, #tpu.memory_space<semaphore_mem>>)
      %dma_start3A_171 = arith.constant 6 : i32
      %dma_start3A_172 = arith.constant 768 : i32
      %dma_start3A_173 = arith.constant 0 : i32
      %dma_start3A_174 = tpu.memref_slice %arg8[%dma_start3A_172, %dma_start3A_173] : memref<2048x32xf32, #tpu.memory_space<vmem>> -> memref<128x32xf32, #tpu.memory_space<vmem>>
      %dma_start3A_175 = arith.constant 0 : i32
      %dma_start3A_176 = tpu.memref_slice %arg7[%dma_start3A_171, %dma_start3A_175] : memref<16x128xi32, #tpu.memory_space<vmem>> -> memref<1x128xi32, #tpu.memory_space<vmem>>
      %dma_start3A_177 = tpu.memref_squeeze %dma_start3A_176 : memref<1x128xi32, #tpu.memory_space<vmem>> -> memref<128xi32, #tpu.memory_space<vmem>>
      %dma_start3A_178 = arith.constant 0 : i32
      %dma_start3A_179 = arith.constant 0 : i32
      %dma_start3A_180 = tpu.memref_slice %arg2[%dma_start3A_178, %dma_start3A_179] : memref<10240x32xf32, #tpu.memory_space<hbm>> -> memref<10240x32xf32, #tpu.memory_space<hbm>>
      tpu.enqueue_indirect_dma source(%dma_start3A_180 : memref<10240x32xf32, #tpu.memory_space<hbm>>) target(%dma_start3A_174 : memref<128x32xf32, #tpu.memory_space<vmem>>) offsets(%dma_start3A_177 : memref<128xi32, #tpu.memory_space<vmem>>) semaphore(%arg12 : memref<!tpu.dma_semaphore, #tpu.memory_space<semaphore_mem>>)
      %dma_start3A_181 = arith.constant 7 : i32
      %dma_start3A_182 = arith.constant 896 : i32
      %dma_start3A_183 = arith.constant 0 : i32
      %dma_start3A_184 = tpu.memref_slice %arg8[%dma_start3A_182, %dma_start3A_183] : memref<2048x32xf32, #tpu.memory_space<vmem>> -> memref<128x32xf32, #tpu.memory_space<vmem>>
      %dma_start3A_185 = arith.constant 0 : i32
      %dma_start3A_186 = tpu.memref_slice %arg7[%dma_start3A_181, %dma_start3A_185] : memref<16x128xi32, #tpu.memory_space<vmem>> -> memref<1x128xi32, #tpu.memory_space<vmem>>
      %dma_start3A_187 = tpu.memref_squeeze %dma_start3A_186 : memref<1x128xi32, #tpu.memory_space<vmem>> -> memref<128xi32, #tpu.memory_space<vmem>>
      %dma_start3A_188 = arith.constant 0 : i32
      %dma_start3A_189 = arith.constant 0 : i32
      %dma_start3A_190 = tpu.memref_slice %arg2[%dma_start3A_188, %dma_start3A_189] : memref<10240x32xf32, #tpu.memory_space<hbm>> -> memref<10240x32xf32, #tpu.memory_space<hbm>>
      tpu.enqueue_indirect_dma source(%dma_start3A_190 : memref<10240x32xf32, #tpu.memory_space<hbm>>) target(%dma_start3A_184 : memref<128x32xf32, #tpu.memory_space<vmem>>) offsets(%dma_start3A_187 : memref<128xi32, #tpu.memory_space<vmem>>) semaphore(%arg12 : memref<!tpu.dma_semaphore, #tpu.memory_space<semaphore_mem>>)
    } else {
    }
    %gt3A_60 = arith.constant 1 : i32
    %gt3A_61 = arith.cmpi sgt, %select_n3A_57, %gt3A_60 : i32
    %convert_element_type3A_62 = arith.extui %gt3A_61 : i1 to i32
    %cond3A_63 = arith.constant 0 : i32
    %cond3A_64 = arith.cmpi ne, %convert_element_type3A_62, %cond3A_63 : i32
    scf.if %cond3A_64 {
      %add3A_88 = arith.constant 1024 : i32
      %add3A_89 = arith.addi %mul3A_30, %add3A_88 : i32
      %jit3A_90 = arith.constant 128 : i32
      %div3A_91 = arith.divsi %add3A_89, %jit3A_90 : i32
      %sign3A_92 = arith.constant 0 : i32
      %sign3A_93 = arith.cmpi sgt, %add3A_89, %sign3A_92 : i32
      %sign3A_94 = arith.extui %sign3A_93 : i1 to i32
      %sign3A_95 = arith.constant 0 : i32
      %sign3A_96 = arith.cmpi slt, %add3A_89, %sign3A_95 : i32
      %sign3A_97 = arith.extui %sign3A_96 : i1 to i32
      %sign3A_98 = arith.subi %sign3A_94, %sign3A_97 : i32
      %sign3A_99 = arith.constant 0 : i32
      %sign3A_100 = arith.cmpi sgt, %jit3A_90, %sign3A_99 : i32
      %sign3A_101 = arith.extui %sign3A_100 : i1 to i32
      %sign3A_102 = arith.constant 0 : i32
      %sign3A_103 = arith.cmpi slt, %jit3A_90, %sign3A_102 : i32
      %sign3A_104 = arith.extui %sign3A_103 : i1 to i32
      %sign3A_105 = arith.subi %sign3A_101, %sign3A_104 : i32
      %ne3A_106 = arith.cmpi ne, %sign3A_98, %sign3A_105 : i32
      %rem3A_107 = arith.remsi %add3A_89, %jit3A_90 : i32
      %ne3A_108 = arith.constant 0 : i32
      %ne3A_109 = arith.cmpi ne, %rem3A_107, %ne3A_108 : i32
      %and3A_110 = arith.andi %ne3A_106, %ne3A_109 : i1
      %sub3A_111 = arith.constant 1 : i32
      %sub3A_112 = arith.subi %div3A_91, %sub3A_111 : i32
      %select_n3A_113 = arith.select %and3A_110, %sub3A_112, %div3A_91 : i32
      %dma_start3A = arith.constant 8 : i32
      %dma_start3A_114 = arith.constant 0 : i32
      %dma_start3A_115 = tpu.memref_slice %arg7[%dma_start3A, %dma_start3A_114] : memref<16x128xi32, #tpu.memory_space<vmem>> -> memref<8x128xi32, #tpu.memory_space<vmem>>
      %dma_start3A_116 = arith.constant 0 : i32
      %dma_start3A_117 = tpu.memref_slice %arg4[%select_n3A_113, %dma_start3A_116] : memref<2508x128xi32, #tpu.memory_space<hbm>> -> memref<8x128xi32, #tpu.memory_space<hbm>>
      %dma_start3A_118 = arith.constant 8 : i32
      %dma_start3A_119 = arith.constant 0 : i32
      %dma_start3A_120 = tpu.memref_slice %arg7[%dma_start3A_118, %dma_start3A_119] : memref<16x128xi32, #tpu.memory_space<vmem>> -> memref<8x128xi32, #tpu.memory_space<vmem>>
      %dma_start3A_121 = arith.constant 0 : i32
      %dma_start3A_122 = tpu.memref_slice %arg4[%select_n3A_113, %dma_start3A_121] : memref<2508x128xi32, #tpu.memory_space<hbm>> -> memref<8x128xi32, #tpu.memory_space<hbm>>
      tpu.enqueue_dma source(%dma_start3A_122 : memref<8x128xi32, #tpu.memory_space<hbm>>) target(%dma_start3A_120 : memref<8x128xi32, #tpu.memory_space<vmem>>) target_semaphore(%arg15 : memref<!tpu.dma_semaphore, #tpu.memory_space<semaphore_mem>>)
    } else {
    }
    %while3A = arith.constant 0 : i32
    %while3A_65 = arith.constant 0 : i32
    %while3A_66 = arith.subi %select_n3A_57, %while3A : i32
    %while3A_67 = arith.addi %while3A, %while3A_66 : i32
    %while3A_68 = arith.constant 1 : i32
    %while3A_69 = arith.divsi %while3A_66, %while3A_68 : i32
    %while3A_70 = arith.muli %while3A_69, %while3A_68 : i32
    %while3A_71 = arith.addi %while3A, %while3A_70 : i32
    %while3A_72 = arith.constant 1 : i32
    %while3A_73:3 = scf.for %while3A_88 = %while3A to %while3A_71 step %while3A_72 iter_args(%while3A_89 = %while3A_65, %while3A_90 = %broadcast_in_dim3A_3, %while3A_91 = %broadcast_in_dim3A_3) -> (i32, vector<16xf32>, vector<16xf32>)  : i32 {
      %mul3A_92 = arith.constant 1024 : i32
      %mul3A_93 = arith.muli %while3A_88, %mul3A_92 : i32
      %add3A_94 = arith.addi %mul3A_30, %mul3A_93 : i32
      %jit3A_95 = arith.constant 2 : i32
      %eq3A = arith.constant 0 : i32
      %eq3A_96 = arith.cmpi eq, %jit3A_95, %eq3A : i32
      %jit3A_97 = arith.constant 1 : i32
      %select_n3A_98 = arith.select %eq3A_96, %jit3A_97, %jit3A_95 : i32
      %rem3A_99 = arith.remsi %while3A_88, %select_n3A_98 : i32
      %ne3A_100 = arith.constant 0 : i32
      %ne3A_101 = arith.cmpi ne, %rem3A_99, %ne3A_100 : i32
      %lt3A = arith.constant 0 : i32
      %lt3A_102 = arith.cmpi slt, %rem3A_99, %lt3A : i32
      %lt3A_103 = arith.constant 0 : i32
      %lt3A_104 = arith.cmpi slt, %select_n3A_98, %lt3A_103 : i32
      %ne3A_105 = arith.xori %lt3A_102, %lt3A_104 : i1
      %and3A_106 = arith.andi %ne3A_105, %ne3A_101 : i1
      %add3A_107 = arith.addi %rem3A_99, %select_n3A_98 : i32
      %select_n3A_108 = arith.select %and3A_106, %add3A_107, %rem3A_99 : i32
      %eq3A_109 = arith.constant 0 : i32
      %eq3A_110 = arith.cmpi eq, %select_n3A_108, %eq3A_109 : i32
      %convert_element_type3A_111 = arith.extui %eq3A_110 : i1 to i32
      %cond3A_112 = arith.constant 0 : i32
      %cond3A_113 = arith.cmpi ne, %convert_element_type3A_111, %cond3A_112 : i32
      scf.if %cond3A_113 {
        %dma_wait3A = arith.constant 0 : i32
        %dma_wait3A_186 = arith.constant 0 : i32
        %dma_wait3A_187 = arith.constant 0 : i32
        %dma_wait3A_188 = tpu.memref_slice %arg8[%dma_wait3A_186, %dma_wait3A_187] : memref<2048x32xf32, #tpu.memory_space<vmem>> -> memref<128x32xf32, #tpu.memory_space<vmem>>
        %dma_wait3A_189 = arith.constant 0 : i32
        %dma_wait3A_190 = tpu.memref_slice %arg7[%dma_wait3A, %dma_wait3A_189] : memref<16x128xi32, #tpu.memory_space<vmem>> -> memref<1x128xi32, #tpu.memory_space<vmem>>
        %dma_wait3A_191 = tpu.memref_squeeze %dma_wait3A_190 : memref<1x128xi32, #tpu.memory_space<vmem>> -> memref<128xi32, #tpu.memory_space<vmem>>
        %dma_wait3A_192 = arith.constant 0 : i32
        %dma_wait3A_193 = arith.constant 0 : i32
        %dma_wait3A_194 = tpu.memref_slice %arg2[%dma_wait3A_192, %dma_wait3A_193] : memref<10240x32xf32, #tpu.memory_space<hbm>> -> memref<10240x32xf32, #tpu.memory_space<hbm>>
        tpu.wait_indirect_dma semaphore(%arg12 : memref<!tpu.dma_semaphore, #tpu.memory_space<semaphore_mem>>) src(%dma_wait3A_194 : memref<10240x32xf32, #tpu.memory_space<hbm>>) dst(%dma_wait3A_188 : memref<128x32xf32, #tpu.memory_space<vmem>>)
        %dma_wait3A_195 = arith.constant 1 : i32
        %dma_wait3A_196 = arith.constant 128 : i32
        %dma_wait3A_197 = arith.constant 0 : i32
        %dma_wait3A_198 = tpu.memref_slice %arg8[%dma_wait3A_196, %dma_wait3A_197] : memref<2048x32xf32, #tpu.memory_space<vmem>> -> memref<128x32xf32, #tpu.memory_space<vmem>>
        %dma_wait3A_199 = arith.constant 0 : i32
        %dma_wait3A_200 = tpu.memref_slice %arg7[%dma_wait3A_195, %dma_wait3A_199] : memref<16x128xi32, #tpu.memory_space<vmem>> -> memref<1x128xi32, #tpu.memory_space<vmem>>
        %dma_wait3A_201 = tpu.memref_squeeze %dma_wait3A_200 : memref<1x128xi32, #tpu.memory_space<vmem>> -> memref<128xi32, #tpu.memory_space<vmem>>
        %dma_wait3A_202 = arith.constant 0 : i32
        %dma_wait3A_203 = arith.constant 0 : i32
        %dma_wait3A_204 = tpu.memref_slice %arg2[%dma_wait3A_202, %dma_wait3A_203] : memref<10240x32xf32, #tpu.memory_space<hbm>> -> memref<10240x32xf32, #tpu.memory_space<hbm>>
        tpu.wait_indirect_dma semaphore(%arg12 : memref<!tpu.dma_semaphore, #tpu.memory_space<semaphore_mem>>) src(%dma_wait3A_204 : memref<10240x32xf32, #tpu.memory_space<hbm>>) dst(%dma_wait3A_198 : memref<128x32xf32, #tpu.memory_space<vmem>>)
        %dma_wait3A_205 = arith.constant 2 : i32
        %dma_wait3A_206 = arith.constant 256 : i32
        %dma_wait3A_207 = arith.constant 0 : i32
        %dma_wait3A_208 = tpu.memref_slice %arg8[%dma_wait3A_206, %dma_wait3A_207] : memref<2048x32xf32, #tpu.memory_space<vmem>> -> memref<128x32xf32, #tpu.memory_space<vmem>>
        %dma_wait3A_209 = arith.constant 0 : i32
        %dma_wait3A_210 = tpu.memref_slice %arg7[%dma_wait3A_205, %dma_wait3A_209] : memref<16x128xi32, #tpu.memory_space<vmem>> -> memref<1x128xi32, #tpu.memory_space<vmem>>
        %dma_wait3A_211 = tpu.memref_squeeze %dma_wait3A_210 : memref<1x128xi32, #tpu.memory_space<vmem>> -> memref<128xi32, #tpu.memory_space<vmem>>
        %dma_wait3A_212 = arith.constant 0 : i32
        %dma_wait3A_213 = arith.constant 0 : i32
        %dma_wait3A_214 = tpu.memref_slice %arg2[%dma_wait3A_212, %dma_wait3A_213] : memref<10240x32xf32, #tpu.memory_space<hbm>> -> memref<10240x32xf32, #tpu.memory_space<hbm>>
        tpu.wait_indirect_dma semaphore(%arg12 : memref<!tpu.dma_semaphore, #tpu.memory_space<semaphore_mem>>) src(%dma_wait3A_214 : memref<10240x32xf32, #tpu.memory_space<hbm>>) dst(%dma_wait3A_208 : memref<128x32xf32, #tpu.memory_space<vmem>>)
        %dma_wait3A_215 = arith.constant 3 : i32
        %dma_wait3A_216 = arith.constant 384 : i32
        %dma_wait3A_217 = arith.constant 0 : i32
        %dma_wait3A_218 = tpu.memref_slice %arg8[%dma_wait3A_216, %dma_wait3A_217] : memref<2048x32xf32, #tpu.memory_space<vmem>> -> memref<128x32xf32, #tpu.memory_space<vmem>>
        %dma_wait3A_219 = arith.constant 0 : i32
        %dma_wait3A_220 = tpu.memref_slice %arg7[%dma_wait3A_215, %dma_wait3A_219] : memref<16x128xi32, #tpu.memory_space<vmem>> -> memref<1x128xi32, #tpu.memory_space<vmem>>
        %dma_wait3A_221 = tpu.memref_squeeze %dma_wait3A_220 : memref<1x128xi32, #tpu.memory_space<vmem>> -> memref<128xi32, #tpu.memory_space<vmem>>
        %dma_wait3A_222 = arith.constant 0 : i32
        %dma_wait3A_223 = arith.constant 0 : i32
        %dma_wait3A_224 = tpu.memref_slice %arg2[%dma_wait3A_222, %dma_wait3A_223] : memref<10240x32xf32, #tpu.memory_space<hbm>> -> memref<10240x32xf32, #tpu.memory_space<hbm>>
        tpu.wait_indirect_dma semaphore(%arg12 : memref<!tpu.dma_semaphore, #tpu.memory_space<semaphore_mem>>) src(%dma_wait3A_224 : memref<10240x32xf32, #tpu.memory_space<hbm>>) dst(%dma_wait3A_218 : memref<128x32xf32, #tpu.memory_space<vmem>>)
        %dma_wait3A_225 = arith.constant 4 : i32
        %dma_wait3A_226 = arith.constant 512 : i32
        %dma_wait3A_227 = arith.constant 0 : i32
        %dma_wait3A_228 = tpu.memref_slice %arg8[%dma_wait3A_226, %dma_wait3A_227] : memref<2048x32xf32, #tpu.memory_space<vmem>> -> memref<128x32xf32, #tpu.memory_space<vmem>>
        %dma_wait3A_229 = arith.constant 0 : i32
        %dma_wait3A_230 = tpu.memref_slice %arg7[%dma_wait3A_225, %dma_wait3A_229] : memref<16x128xi32, #tpu.memory_space<vmem>> -> memref<1x128xi32, #tpu.memory_space<vmem>>
        %dma_wait3A_231 = tpu.memref_squeeze %dma_wait3A_230 : memref<1x128xi32, #tpu.memory_space<vmem>> -> memref<128xi32, #tpu.memory_space<vmem>>
        %dma_wait3A_232 = arith.constant 0 : i32
        %dma_wait3A_233 = arith.constant 0 : i32
        %dma_wait3A_234 = tpu.memref_slice %arg2[%dma_wait3A_232, %dma_wait3A_233] : memref<10240x32xf32, #tpu.memory_space<hbm>> -> memref<10240x32xf32, #tpu.memory_space<hbm>>
        tpu.wait_indirect_dma semaphore(%arg12 : memref<!tpu.dma_semaphore, #tpu.memory_space<semaphore_mem>>) src(%dma_wait3A_234 : memref<10240x32xf32, #tpu.memory_space<hbm>>) dst(%dma_wait3A_228 : memref<128x32xf32, #tpu.memory_space<vmem>>)
        %dma_wait3A_235 = arith.constant 5 : i32
        %dma_wait3A_236 = arith.constant 640 : i32
        %dma_wait3A_237 = arith.constant 0 : i32
        %dma_wait3A_238 = tpu.memref_slice %arg8[%dma_wait3A_236, %dma_wait3A_237] : memref<2048x32xf32, #tpu.memory_space<vmem>> -> memref<128x32xf32, #tpu.memory_space<vmem>>
        %dma_wait3A_239 = arith.constant 0 : i32
        %dma_wait3A_240 = tpu.memref_slice %arg7[%dma_wait3A_235, %dma_wait3A_239] : memref<16x128xi32, #tpu.memory_space<vmem>> -> memref<1x128xi32, #tpu.memory_space<vmem>>
        %dma_wait3A_241 = tpu.memref_squeeze %dma_wait3A_240 : memref<1x128xi32, #tpu.memory_space<vmem>> -> memref<128xi32, #tpu.memory_space<vmem>>
        %dma_wait3A_242 = arith.constant 0 : i32
        %dma_wait3A_243 = arith.constant 0 : i32
        %dma_wait3A_244 = tpu.memref_slice %arg2[%dma_wait3A_242, %dma_wait3A_243] : memref<10240x32xf32, #tpu.memory_space<hbm>> -> memref<10240x32xf32, #tpu.memory_space<hbm>>
        tpu.wait_indirect_dma semaphore(%arg12 : memref<!tpu.dma_semaphore, #tpu.memory_space<semaphore_mem>>) src(%dma_wait3A_244 : memref<10240x32xf32, #tpu.memory_space<hbm>>) dst(%dma_wait3A_238 : memref<128x32xf32, #tpu.memory_space<vmem>>)
        %dma_wait3A_245 = arith.constant 6 : i32
        %dma_wait3A_246 = arith.constant 768 : i32
        %dma_wait3A_247 = arith.constant 0 : i32
        %dma_wait3A_248 = tpu.memref_slice %arg8[%dma_wait3A_246, %dma_wait3A_247] : memref<2048x32xf32, #tpu.memory_space<vmem>> -> memref<128x32xf32, #tpu.memory_space<vmem>>
        %dma_wait3A_249 = arith.constant 0 : i32
        %dma_wait3A_250 = tpu.memref_slice %arg7[%dma_wait3A_245, %dma_wait3A_249] : memref<16x128xi32, #tpu.memory_space<vmem>> -> memref<1x128xi32, #tpu.memory_space<vmem>>
        %dma_wait3A_251 = tpu.memref_squeeze %dma_wait3A_250 : memref<1x128xi32, #tpu.memory_space<vmem>> -> memref<128xi32, #tpu.memory_space<vmem>>
        %dma_wait3A_252 = arith.constant 0 : i32
        %dma_wait3A_253 = arith.constant 0 : i32
        %dma_wait3A_254 = tpu.memref_slice %arg2[%dma_wait3A_252, %dma_wait3A_253] : memref<10240x32xf32, #tpu.memory_space<hbm>> -> memref<10240x32xf32, #tpu.memory_space<hbm>>
        tpu.wait_indirect_dma semaphore(%arg12 : memref<!tpu.dma_semaphore, #tpu.memory_space<semaphore_mem>>) src(%dma_wait3A_254 : memref<10240x32xf32, #tpu.memory_space<hbm>>) dst(%dma_wait3A_248 : memref<128x32xf32, #tpu.memory_space<vmem>>)
        %dma_wait3A_255 = arith.constant 7 : i32
        %dma_wait3A_256 = arith.constant 896 : i32
        %dma_wait3A_257 = arith.constant 0 : i32
        %dma_wait3A_258 = tpu.memref_slice %arg8[%dma_wait3A_256, %dma_wait3A_257] : memref<2048x32xf32, #tpu.memory_space<vmem>> -> memref<128x32xf32, #tpu.memory_space<vmem>>
        %dma_wait3A_259 = arith.constant 0 : i32
        %dma_wait3A_260 = tpu.memref_slice %arg7[%dma_wait3A_255, %dma_wait3A_259] : memref<16x128xi32, #tpu.memory_space<vmem>> -> memref<1x128xi32, #tpu.memory_space<vmem>>
        %dma_wait3A_261 = tpu.memref_squeeze %dma_wait3A_260 : memref<1x128xi32, #tpu.memory_space<vmem>> -> memref<128xi32, #tpu.memory_space<vmem>>
        %dma_wait3A_262 = arith.constant 0 : i32
        %dma_wait3A_263 = arith.constant 0 : i32
        %dma_wait3A_264 = tpu.memref_slice %arg2[%dma_wait3A_262, %dma_wait3A_263] : memref<10240x32xf32, #tpu.memory_space<hbm>> -> memref<10240x32xf32, #tpu.memory_space<hbm>>
        tpu.wait_indirect_dma semaphore(%arg12 : memref<!tpu.dma_semaphore, #tpu.memory_space<semaphore_mem>>) src(%dma_wait3A_264 : memref<10240x32xf32, #tpu.memory_space<hbm>>) dst(%dma_wait3A_258 : memref<128x32xf32, #tpu.memory_space<vmem>>)
      } else {
      }
      %eq3A_114 = arith.constant 0 : i32
      %eq3A_115 = arith.cmpi eq, %select_n3A_108, %eq3A_114 : i32
      %add3A_116 = arith.constant 1 : i32
      %add3A_117 = arith.addi %while3A_88, %add3A_116 : i32
      %lt3A_118 = arith.cmpi slt, %add3A_117, %select_n3A_57 : i32
      %and3A_119 = arith.andi %eq3A_115, %lt3A_118 : i1
      %convert_element_type3A_120 = arith.extui %and3A_119 : i1 to i32
      %cond3A_121 = arith.constant 0 : i32
      %cond3A_122 = arith.cmpi ne, %convert_element_type3A_120, %cond3A_121 : i32
      scf.if %cond3A_122 {
        %dma_wait3A = arith.constant 8 : i32
        %dma_wait3A_186 = arith.constant 0 : i32
        %dma_wait3A_187 = tpu.memref_slice %arg7[%dma_wait3A, %dma_wait3A_186] : memref<16x128xi32, #tpu.memory_space<vmem>> -> memref<8x128xi32, #tpu.memory_space<vmem>>
        %dma_wait3A_188 = arith.constant 0 : i32
        %dma_wait3A_189 = arith.constant 0 : i32
        %dma_wait3A_190 = tpu.memref_slice %arg4[%dma_wait3A_188, %dma_wait3A_189] : memref<2508x128xi32, #tpu.memory_space<hbm>> -> memref<8x128xi32, #tpu.memory_space<hbm>>
        %dma_wait3A_191 = arith.constant 8 : i32
        %dma_wait3A_192 = arith.constant 0 : i32
        %dma_wait3A_193 = tpu.memref_slice %arg7[%dma_wait3A_191, %dma_wait3A_192] : memref<16x128xi32, #tpu.memory_space<vmem>> -> memref<8x128xi32, #tpu.memory_space<vmem>>
        %dma_wait3A_194 = arith.constant 0 : i32
        %dma_wait3A_195 = arith.constant 0 : i32
        %dma_wait3A_196 = tpu.memref_slice %arg4[%dma_wait3A_194, %dma_wait3A_195] : memref<2508x128xi32, #tpu.memory_space<hbm>> -> memref<8x128xi32, #tpu.memory_space<hbm>>
        tpu.wait_dma2 semaphore(%arg15 : memref<!tpu.dma_semaphore, #tpu.memory_space<semaphore_mem>>) src(%dma_wait3A_196 : memref<8x128xi32, #tpu.memory_space<hbm>>) dst(%dma_wait3A_193 : memref<8x128xi32, #tpu.memory_space<vmem>>)
        %dma_start3A = arith.constant 8 : i32
        %dma_start3A_197 = arith.constant 1024 : i32
        %dma_start3A_198 = arith.constant 0 : i32
        %dma_start3A_199 = tpu.memref_slice %arg8[%dma_start3A_197, %dma_start3A_198] : memref<2048x32xf32, #tpu.memory_space<vmem>> -> memref<128x32xf32, #tpu.memory_space<vmem>>
        %dma_start3A_200 = arith.constant 0 : i32
        %dma_start3A_201 = tpu.memref_slice %arg7[%dma_start3A, %dma_start3A_200] : memref<16x128xi32, #tpu.memory_space<vmem>> -> memref<1x128xi32, #tpu.memory_space<vmem>>
        %dma_start3A_202 = tpu.memref_squeeze %dma_start3A_201 : memref<1x128xi32, #tpu.memory_space<vmem>> -> memref<128xi32, #tpu.memory_space<vmem>>
        %dma_start3A_203 = arith.constant 0 : i32
        %dma_start3A_204 = arith.constant 0 : i32
        %dma_start3A_205 = tpu.memref_slice %arg2[%dma_start3A_203, %dma_start3A_204] : memref<10240x32xf32, #tpu.memory_space<hbm>> -> memref<10240x32xf32, #tpu.memory_space<hbm>>
        tpu.enqueue_indirect_dma source(%dma_start3A_205 : memref<10240x32xf32, #tpu.memory_space<hbm>>) target(%dma_start3A_199 : memref<128x32xf32, #tpu.memory_space<vmem>>) offsets(%dma_start3A_202 : memref<128xi32, #tpu.memory_space<vmem>>) semaphore(%arg13 : memref<!tpu.dma_semaphore, #tpu.memory_space<semaphore_mem>>)
        %dma_start3A_206 = arith.constant 9 : i32
        %dma_start3A_207 = arith.constant 1152 : i32
        %dma_start3A_208 = arith.constant 0 : i32
        %dma_start3A_209 = tpu.memref_slice %arg8[%dma_start3A_207, %dma_start3A_208] : memref<2048x32xf32, #tpu.memory_space<vmem>> -> memref<128x32xf32, #tpu.memory_space<vmem>>
        %dma_start3A_210 = arith.constant 0 : i32
        %dma_start3A_211 = tpu.memref_slice %arg7[%dma_start3A_206, %dma_start3A_210] : memref<16x128xi32, #tpu.memory_space<vmem>> -> memref<1x128xi32, #tpu.memory_space<vmem>>
        %dma_start3A_212 = tpu.memref_squeeze %dma_start3A_211 : memref<1x128xi32, #tpu.memory_space<vmem>> -> memref<128xi32, #tpu.memory_space<vmem>>
        %dma_start3A_213 = arith.constant 0 : i32
        %dma_start3A_214 = arith.constant 0 : i32
        %dma_start3A_215 = tpu.memref_slice %arg2[%dma_start3A_213, %dma_start3A_214] : memref<10240x32xf32, #tpu.memory_space<hbm>> -> memref<10240x32xf32, #tpu.memory_space<hbm>>
        tpu.enqueue_indirect_dma source(%dma_start3A_215 : memref<10240x32xf32, #tpu.memory_space<hbm>>) target(%dma_start3A_209 : memref<128x32xf32, #tpu.memory_space<vmem>>) offsets(%dma_start3A_212 : memref<128xi32, #tpu.memory_space<vmem>>) semaphore(%arg13 : memref<!tpu.dma_semaphore, #tpu.memory_space<semaphore_mem>>)
        %dma_start3A_216 = arith.constant 10 : i32
        %dma_start3A_217 = arith.constant 1280 : i32
        %dma_start3A_218 = arith.constant 0 : i32
        %dma_start3A_219 = tpu.memref_slice %arg8[%dma_start3A_217, %dma_start3A_218] : memref<2048x32xf32, #tpu.memory_space<vmem>> -> memref<128x32xf32, #tpu.memory_space<vmem>>
        %dma_start3A_220 = arith.constant 0 : i32
        %dma_start3A_221 = tpu.memref_slice %arg7[%dma_start3A_216, %dma_start3A_220] : memref<16x128xi32, #tpu.memory_space<vmem>> -> memref<1x128xi32, #tpu.memory_space<vmem>>
        %dma_start3A_222 = tpu.memref_squeeze %dma_start3A_221 : memref<1x128xi32, #tpu.memory_space<vmem>> -> memref<128xi32, #tpu.memory_space<vmem>>
        %dma_start3A_223 = arith.constant 0 : i32
        %dma_start3A_224 = arith.constant 0 : i32
        %dma_start3A_225 = tpu.memref_slice %arg2[%dma_start3A_223, %dma_start3A_224] : memref<10240x32xf32, #tpu.memory_space<hbm>> -> memref<10240x32xf32, #tpu.memory_space<hbm>>
        tpu.enqueue_indirect_dma source(%dma_start3A_225 : memref<10240x32xf32, #tpu.memory_space<hbm>>) target(%dma_start3A_219 : memref<128x32xf32, #tpu.memory_space<vmem>>) offsets(%dma_start3A_222 : memref<128xi32, #tpu.memory_space<vmem>>) semaphore(%arg13 : memref<!tpu.dma_semaphore, #tpu.memory_space<semaphore_mem>>)
        %dma_start3A_226 = arith.constant 11 : i32
        %dma_start3A_227 = arith.constant 1408 : i32
        %dma_start3A_228 = arith.constant 0 : i32
        %dma_start3A_229 = tpu.memref_slice %arg8[%dma_start3A_227, %dma_start3A_228] : memref<2048x32xf32, #tpu.memory_space<vmem>> -> memref<128x32xf32, #tpu.memory_space<vmem>>
        %dma_start3A_230 = arith.constant 0 : i32
        %dma_start3A_231 = tpu.memref_slice %arg7[%dma_start3A_226, %dma_start3A_230] : memref<16x128xi32, #tpu.memory_space<vmem>> -> memref<1x128xi32, #tpu.memory_space<vmem>>
        %dma_start3A_232 = tpu.memref_squeeze %dma_start3A_231 : memref<1x128xi32, #tpu.memory_space<vmem>> -> memref<128xi32, #tpu.memory_space<vmem>>
        %dma_start3A_233 = arith.constant 0 : i32
        %dma_start3A_234 = arith.constant 0 : i32
        %dma_start3A_235 = tpu.memref_slice %arg2[%dma_start3A_233, %dma_start3A_234] : memref<10240x32xf32, #tpu.memory_space<hbm>> -> memref<10240x32xf32, #tpu.memory_space<hbm>>
        tpu.enqueue_indirect_dma source(%dma_start3A_235 : memref<10240x32xf32, #tpu.memory_space<hbm>>) target(%dma_start3A_229 : memref<128x32xf32, #tpu.memory_space<vmem>>) offsets(%dma_start3A_232 : memref<128xi32, #tpu.memory_space<vmem>>) semaphore(%arg13 : memref<!tpu.dma_semaphore, #tpu.memory_space<semaphore_mem>>)
        %dma_start3A_236 = arith.constant 12 : i32
        %dma_start3A_237 = arith.constant 1536 : i32
        %dma_start3A_238 = arith.constant 0 : i32
        %dma_start3A_239 = tpu.memref_slice %arg8[%dma_start3A_237, %dma_start3A_238] : memref<2048x32xf32, #tpu.memory_space<vmem>> -> memref<128x32xf32, #tpu.memory_space<vmem>>
        %dma_start3A_240 = arith.constant 0 : i32
        %dma_start3A_241 = tpu.memref_slice %arg7[%dma_start3A_236, %dma_start3A_240] : memref<16x128xi32, #tpu.memory_space<vmem>> -> memref<1x128xi32, #tpu.memory_space<vmem>>
        %dma_start3A_242 = tpu.memref_squeeze %dma_start3A_241 : memref<1x128xi32, #tpu.memory_space<vmem>> -> memref<128xi32, #tpu.memory_space<vmem>>
        %dma_start3A_243 = arith.constant 0 : i32
        %dma_start3A_244 = arith.constant 0 : i32
        %dma_start3A_245 = tpu.memref_slice %arg2[%dma_start3A_243, %dma_start3A_244] : memref<10240x32xf32, #tpu.memory_space<hbm>> -> memref<10240x32xf32, #tpu.memory_space<hbm>>
        tpu.enqueue_indirect_dma source(%dma_start3A_245 : memref<10240x32xf32, #tpu.memory_space<hbm>>) target(%dma_start3A_239 : memref<128x32xf32, #tpu.memory_space<vmem>>) offsets(%dma_start3A_242 : memref<128xi32, #tpu.memory_space<vmem>>) semaphore(%arg13 : memref<!tpu.dma_semaphore, #tpu.memory_space<semaphore_mem>>)
        %dma_start3A_246 = arith.constant 13 : i32
        %dma_start3A_247 = arith.constant 1664 : i32
        %dma_start3A_248 = arith.constant 0 : i32
        %dma_start3A_249 = tpu.memref_slice %arg8[%dma_start3A_247, %dma_start3A_248] : memref<2048x32xf32, #tpu.memory_space<vmem>> -> memref<128x32xf32, #tpu.memory_space<vmem>>
        %dma_start3A_250 = arith.constant 0 : i32
        %dma_start3A_251 = tpu.memref_slice %arg7[%dma_start3A_246, %dma_start3A_250] : memref<16x128xi32, #tpu.memory_space<vmem>> -> memref<1x128xi32, #tpu.memory_space<vmem>>
        %dma_start3A_252 = tpu.memref_squeeze %dma_start3A_251 : memref<1x128xi32, #tpu.memory_space<vmem>> -> memref<128xi32, #tpu.memory_space<vmem>>
        %dma_start3A_253 = arith.constant 0 : i32
        %dma_start3A_254 = arith.constant 0 : i32
        %dma_start3A_255 = tpu.memref_slice %arg2[%dma_start3A_253, %dma_start3A_254] : memref<10240x32xf32, #tpu.memory_space<hbm>> -> memref<10240x32xf32, #tpu.memory_space<hbm>>
        tpu.enqueue_indirect_dma source(%dma_start3A_255 : memref<10240x32xf32, #tpu.memory_space<hbm>>) target(%dma_start3A_249 : memref<128x32xf32, #tpu.memory_space<vmem>>) offsets(%dma_start3A_252 : memref<128xi32, #tpu.memory_space<vmem>>) semaphore(%arg13 : memref<!tpu.dma_semaphore, #tpu.memory_space<semaphore_mem>>)
        %dma_start3A_256 = arith.constant 14 : i32
        %dma_start3A_257 = arith.constant 1792 : i32
        %dma_start3A_258 = arith.constant 0 : i32
        %dma_start3A_259 = tpu.memref_slice %arg8[%dma_start3A_257, %dma_start3A_258] : memref<2048x32xf32, #tpu.memory_space<vmem>> -> memref<128x32xf32, #tpu.memory_space<vmem>>
        %dma_start3A_260 = arith.constant 0 : i32
        %dma_start3A_261 = tpu.memref_slice %arg7[%dma_start3A_256, %dma_start3A_260] : memref<16x128xi32, #tpu.memory_space<vmem>> -> memref<1x128xi32, #tpu.memory_space<vmem>>
        %dma_start3A_262 = tpu.memref_squeeze %dma_start3A_261 : memref<1x128xi32, #tpu.memory_space<vmem>> -> memref<128xi32, #tpu.memory_space<vmem>>
        %dma_start3A_263 = arith.constant 0 : i32
        %dma_start3A_264 = arith.constant 0 : i32
        %dma_start3A_265 = tpu.memref_slice %arg2[%dma_start3A_263, %dma_start3A_264] : memref<10240x32xf32, #tpu.memory_space<hbm>> -> memref<10240x32xf32, #tpu.memory_space<hbm>>
        tpu.enqueue_indirect_dma source(%dma_start3A_265 : memref<10240x32xf32, #tpu.memory_space<hbm>>) target(%dma_start3A_259 : memref<128x32xf32, #tpu.memory_space<vmem>>) offsets(%dma_start3A_262 : memref<128xi32, #tpu.memory_space<vmem>>) semaphore(%arg13 : memref<!tpu.dma_semaphore, #tpu.memory_space<semaphore_mem>>)
        %dma_start3A_266 = arith.constant 15 : i32
        %dma_start3A_267 = arith.constant 1920 : i32
        %dma_start3A_268 = arith.constant 0 : i32
        %dma_start3A_269 = tpu.memref_slice %arg8[%dma_start3A_267, %dma_start3A_268] : memref<2048x32xf32, #tpu.memory_space<vmem>> -> memref<128x32xf32, #tpu.memory_space<vmem>>
        %dma_start3A_270 = arith.constant 0 : i32
        %dma_start3A_271 = tpu.memref_slice %arg7[%dma_start3A_266, %dma_start3A_270] : memref<16x128xi32, #tpu.memory_space<vmem>> -> memref<1x128xi32, #tpu.memory_space<vmem>>
        %dma_start3A_272 = tpu.memref_squeeze %dma_start3A_271 : memref<1x128xi32, #tpu.memory_space<vmem>> -> memref<128xi32, #tpu.memory_space<vmem>>
        %dma_start3A_273 = arith.constant 0 : i32
        %dma_start3A_274 = arith.constant 0 : i32
        %dma_start3A_275 = tpu.memref_slice %arg2[%dma_start3A_273, %dma_start3A_274] : memref<10240x32xf32, #tpu.memory_space<hbm>> -> memref<10240x32xf32, #tpu.memory_space<hbm>>
        tpu.enqueue_indirect_dma source(%dma_start3A_275 : memref<10240x32xf32, #tpu.memory_space<hbm>>) target(%dma_start3A_269 : memref<128x32xf32, #tpu.memory_space<vmem>>) offsets(%dma_start3A_272 : memref<128xi32, #tpu.memory_space<vmem>>) semaphore(%arg13 : memref<!tpu.dma_semaphore, #tpu.memory_space<semaphore_mem>>)
      } else {
      }
      %eq3A_123 = arith.constant 0 : i32
      %eq3A_124 = arith.cmpi eq, %select_n3A_108, %eq3A_123 : i32
      %add3A_125 = arith.constant 2 : i32
      %add3A_126 = arith.addi %while3A_88, %add3A_125 : i32
      %lt3A_127 = arith.cmpi slt, %add3A_126, %select_n3A_57 : i32
      %and3A_128 = arith.andi %eq3A_124, %lt3A_127 : i1
      %convert_element_type3A_129 = arith.extui %and3A_128 : i1 to i32
      %cond3A_130 = arith.constant 0 : i32
      %cond3A_131 = arith.cmpi ne, %convert_element_type3A_129, %cond3A_130 : i32
      scf.if %cond3A_131 {
        %add3A_186 = arith.constant 2048 : i32
        %add3A_187 = arith.addi %add3A_94, %add3A_186 : i32
        %jit3A_188 = arith.constant 128 : i32
        %div3A_189 = arith.divsi %add3A_187, %jit3A_188 : i32
        %sign3A_190 = arith.constant 0 : i32
        %sign3A_191 = arith.cmpi sgt, %add3A_187, %sign3A_190 : i32
        %sign3A_192 = arith.extui %sign3A_191 : i1 to i32
        %sign3A_193 = arith.constant 0 : i32
        %sign3A_194 = arith.cmpi slt, %add3A_187, %sign3A_193 : i32
        %sign3A_195 = arith.extui %sign3A_194 : i1 to i32
        %sign3A_196 = arith.subi %sign3A_192, %sign3A_195 : i32
        %sign3A_197 = arith.constant 0 : i32
        %sign3A_198 = arith.cmpi sgt, %jit3A_188, %sign3A_197 : i32
        %sign3A_199 = arith.extui %sign3A_198 : i1 to i32
        %sign3A_200 = arith.constant 0 : i32
        %sign3A_201 = arith.cmpi slt, %jit3A_188, %sign3A_200 : i32
        %sign3A_202 = arith.extui %sign3A_201 : i1 to i32
        %sign3A_203 = arith.subi %sign3A_199, %sign3A_202 : i32
        %ne3A_204 = arith.cmpi ne, %sign3A_196, %sign3A_203 : i32
        %rem3A_205 = arith.remsi %add3A_187, %jit3A_188 : i32
        %ne3A_206 = arith.constant 0 : i32
        %ne3A_207 = arith.cmpi ne, %rem3A_205, %ne3A_206 : i32
        %and3A_208 = arith.andi %ne3A_204, %ne3A_207 : i1
        %sub3A_209 = arith.constant 1 : i32
        %sub3A_210 = arith.subi %div3A_189, %sub3A_209 : i32
        %select_n3A_211 = arith.select %and3A_208, %sub3A_210, %div3A_189 : i32
        %dma_start3A = arith.constant 0 : i32
        %dma_start3A_212 = arith.constant 0 : i32
        %dma_start3A_213 = tpu.memref_slice %arg7[%dma_start3A, %dma_start3A_212] : memref<16x128xi32, #tpu.memory_space<vmem>> -> memref<8x128xi32, #tpu.memory_space<vmem>>
        %dma_start3A_214 = arith.constant 0 : i32
        %dma_start3A_215 = tpu.memref_slice %arg4[%select_n3A_211, %dma_start3A_214] : memref<2508x128xi32, #tpu.memory_space<hbm>> -> memref<8x128xi32, #tpu.memory_space<hbm>>
        %dma_start3A_216 = arith.constant 0 : i32
        %dma_start3A_217 = arith.constant 0 : i32
        %dma_start3A_218 = tpu.memref_slice %arg7[%dma_start3A_216, %dma_start3A_217] : memref<16x128xi32, #tpu.memory_space<vmem>> -> memref<8x128xi32, #tpu.memory_space<vmem>>
        %dma_start3A_219 = arith.constant 0 : i32
        %dma_start3A_220 = tpu.memref_slice %arg4[%select_n3A_211, %dma_start3A_219] : memref<2508x128xi32, #tpu.memory_space<hbm>> -> memref<8x128xi32, #tpu.memory_space<hbm>>
        tpu.enqueue_dma source(%dma_start3A_220 : memref<8x128xi32, #tpu.memory_space<hbm>>) target(%dma_start3A_218 : memref<8x128xi32, #tpu.memory_space<vmem>>) target_semaphore(%arg14 : memref<!tpu.dma_semaphore, #tpu.memory_space<semaphore_mem>>)
      } else {
      }
      %eq3A_132 = arith.constant 1 : i32
      %eq3A_133 = arith.cmpi eq, %select_n3A_108, %eq3A_132 : i32
      %convert_element_type3A_134 = arith.extui %eq3A_133 : i1 to i32
      %cond3A_135 = arith.constant 0 : i32
      %cond3A_136 = arith.cmpi ne, %convert_element_type3A_134, %cond3A_135 : i32
      scf.if %cond3A_136 {
        %dma_wait3A = arith.constant 8 : i32
        %dma_wait3A_186 = arith.constant 1024 : i32
        %dma_wait3A_187 = arith.constant 0 : i32
        %dma_wait3A_188 = tpu.memref_slice %arg8[%dma_wait3A_186, %dma_wait3A_187] : memref<2048x32xf32, #tpu.memory_space<vmem>> -> memref<128x32xf32, #tpu.memory_space<vmem>>
        %dma_wait3A_189 = arith.constant 0 : i32
        %dma_wait3A_190 = tpu.memref_slice %arg7[%dma_wait3A, %dma_wait3A_189] : memref<16x128xi32, #tpu.memory_space<vmem>> -> memref<1x128xi32, #tpu.memory_space<vmem>>
        %dma_wait3A_191 = tpu.memref_squeeze %dma_wait3A_190 : memref<1x128xi32, #tpu.memory_space<vmem>> -> memref<128xi32, #tpu.memory_space<vmem>>
        %dma_wait3A_192 = arith.constant 0 : i32
        %dma_wait3A_193 = arith.constant 0 : i32
        %dma_wait3A_194 = tpu.memref_slice %arg2[%dma_wait3A_192, %dma_wait3A_193] : memref<10240x32xf32, #tpu.memory_space<hbm>> -> memref<10240x32xf32, #tpu.memory_space<hbm>>
        tpu.wait_indirect_dma semaphore(%arg13 : memref<!tpu.dma_semaphore, #tpu.memory_space<semaphore_mem>>) src(%dma_wait3A_194 : memref<10240x32xf32, #tpu.memory_space<hbm>>) dst(%dma_wait3A_188 : memref<128x32xf32, #tpu.memory_space<vmem>>)
        %dma_wait3A_195 = arith.constant 9 : i32
        %dma_wait3A_196 = arith.constant 1152 : i32
        %dma_wait3A_197 = arith.constant 0 : i32
        %dma_wait3A_198 = tpu.memref_slice %arg8[%dma_wait3A_196, %dma_wait3A_197] : memref<2048x32xf32, #tpu.memory_space<vmem>> -> memref<128x32xf32, #tpu.memory_space<vmem>>
        %dma_wait3A_199 = arith.constant 0 : i32
        %dma_wait3A_200 = tpu.memref_slice %arg7[%dma_wait3A_195, %dma_wait3A_199] : memref<16x128xi32, #tpu.memory_space<vmem>> -> memref<1x128xi32, #tpu.memory_space<vmem>>
        %dma_wait3A_201 = tpu.memref_squeeze %dma_wait3A_200 : memref<1x128xi32, #tpu.memory_space<vmem>> -> memref<128xi32, #tpu.memory_space<vmem>>
        %dma_wait3A_202 = arith.constant 0 : i32
        %dma_wait3A_203 = arith.constant 0 : i32
        %dma_wait3A_204 = tpu.memref_slice %arg2[%dma_wait3A_202, %dma_wait3A_203] : memref<10240x32xf32, #tpu.memory_space<hbm>> -> memref<10240x32xf32, #tpu.memory_space<hbm>>
        tpu.wait_indirect_dma semaphore(%arg13 : memref<!tpu.dma_semaphore, #tpu.memory_space<semaphore_mem>>) src(%dma_wait3A_204 : memref<10240x32xf32, #tpu.memory_space<hbm>>) dst(%dma_wait3A_198 : memref<128x32xf32, #tpu.memory_space<vmem>>)
        %dma_wait3A_205 = arith.constant 10 : i32
        %dma_wait3A_206 = arith.constant 1280 : i32
        %dma_wait3A_207 = arith.constant 0 : i32
        %dma_wait3A_208 = tpu.memref_slice %arg8[%dma_wait3A_206, %dma_wait3A_207] : memref<2048x32xf32, #tpu.memory_space<vmem>> -> memref<128x32xf32, #tpu.memory_space<vmem>>
        %dma_wait3A_209 = arith.constant 0 : i32
        %dma_wait3A_210 = tpu.memref_slice %arg7[%dma_wait3A_205, %dma_wait3A_209] : memref<16x128xi32, #tpu.memory_space<vmem>> -> memref<1x128xi32, #tpu.memory_space<vmem>>
        %dma_wait3A_211 = tpu.memref_squeeze %dma_wait3A_210 : memref<1x128xi32, #tpu.memory_space<vmem>> -> memref<128xi32, #tpu.memory_space<vmem>>
        %dma_wait3A_212 = arith.constant 0 : i32
        %dma_wait3A_213 = arith.constant 0 : i32
        %dma_wait3A_214 = tpu.memref_slice %arg2[%dma_wait3A_212, %dma_wait3A_213] : memref<10240x32xf32, #tpu.memory_space<hbm>> -> memref<10240x32xf32, #tpu.memory_space<hbm>>
        tpu.wait_indirect_dma semaphore(%arg13 : memref<!tpu.dma_semaphore, #tpu.memory_space<semaphore_mem>>) src(%dma_wait3A_214 : memref<10240x32xf32, #tpu.memory_space<hbm>>) dst(%dma_wait3A_208 : memref<128x32xf32, #tpu.memory_space<vmem>>)
        %dma_wait3A_215 = arith.constant 11 : i32
        %dma_wait3A_216 = arith.constant 1408 : i32
        %dma_wait3A_217 = arith.constant 0 : i32
        %dma_wait3A_218 = tpu.memref_slice %arg8[%dma_wait3A_216, %dma_wait3A_217] : memref<2048x32xf32, #tpu.memory_space<vmem>> -> memref<128x32xf32, #tpu.memory_space<vmem>>
        %dma_wait3A_219 = arith.constant 0 : i32
        %dma_wait3A_220 = tpu.memref_slice %arg7[%dma_wait3A_215, %dma_wait3A_219] : memref<16x128xi32, #tpu.memory_space<vmem>> -> memref<1x128xi32, #tpu.memory_space<vmem>>
        %dma_wait3A_221 = tpu.memref_squeeze %dma_wait3A_220 : memref<1x128xi32, #tpu.memory_space<vmem>> -> memref<128xi32, #tpu.memory_space<vmem>>
        %dma_wait3A_222 = arith.constant 0 : i32
        %dma_wait3A_223 = arith.constant 0 : i32
        %dma_wait3A_224 = tpu.memref_slice %arg2[%dma_wait3A_222, %dma_wait3A_223] : memref<10240x32xf32, #tpu.memory_space<hbm>> -> memref<10240x32xf32, #tpu.memory_space<hbm>>
        tpu.wait_indirect_dma semaphore(%arg13 : memref<!tpu.dma_semaphore, #tpu.memory_space<semaphore_mem>>) src(%dma_wait3A_224 : memref<10240x32xf32, #tpu.memory_space<hbm>>) dst(%dma_wait3A_218 : memref<128x32xf32, #tpu.memory_space<vmem>>)
        %dma_wait3A_225 = arith.constant 12 : i32
        %dma_wait3A_226 = arith.constant 1536 : i32
        %dma_wait3A_227 = arith.constant 0 : i32
        %dma_wait3A_228 = tpu.memref_slice %arg8[%dma_wait3A_226, %dma_wait3A_227] : memref<2048x32xf32, #tpu.memory_space<vmem>> -> memref<128x32xf32, #tpu.memory_space<vmem>>
        %dma_wait3A_229 = arith.constant 0 : i32
        %dma_wait3A_230 = tpu.memref_slice %arg7[%dma_wait3A_225, %dma_wait3A_229] : memref<16x128xi32, #tpu.memory_space<vmem>> -> memref<1x128xi32, #tpu.memory_space<vmem>>
        %dma_wait3A_231 = tpu.memref_squeeze %dma_wait3A_230 : memref<1x128xi32, #tpu.memory_space<vmem>> -> memref<128xi32, #tpu.memory_space<vmem>>
        %dma_wait3A_232 = arith.constant 0 : i32
        %dma_wait3A_233 = arith.constant 0 : i32
        %dma_wait3A_234 = tpu.memref_slice %arg2[%dma_wait3A_232, %dma_wait3A_233] : memref<10240x32xf32, #tpu.memory_space<hbm>> -> memref<10240x32xf32, #tpu.memory_space<hbm>>
        tpu.wait_indirect_dma semaphore(%arg13 : memref<!tpu.dma_semaphore, #tpu.memory_space<semaphore_mem>>) src(%dma_wait3A_234 : memref<10240x32xf32, #tpu.memory_space<hbm>>) dst(%dma_wait3A_228 : memref<128x32xf32, #tpu.memory_space<vmem>>)
        %dma_wait3A_235 = arith.constant 13 : i32
        %dma_wait3A_236 = arith.constant 1664 : i32
        %dma_wait3A_237 = arith.constant 0 : i32
        %dma_wait3A_238 = tpu.memref_slice %arg8[%dma_wait3A_236, %dma_wait3A_237] : memref<2048x32xf32, #tpu.memory_space<vmem>> -> memref<128x32xf32, #tpu.memory_space<vmem>>
        %dma_wait3A_239 = arith.constant 0 : i32
        %dma_wait3A_240 = tpu.memref_slice %arg7[%dma_wait3A_235, %dma_wait3A_239] : memref<16x128xi32, #tpu.memory_space<vmem>> -> memref<1x128xi32, #tpu.memory_space<vmem>>
        %dma_wait3A_241 = tpu.memref_squeeze %dma_wait3A_240 : memref<1x128xi32, #tpu.memory_space<vmem>> -> memref<128xi32, #tpu.memory_space<vmem>>
        %dma_wait3A_242 = arith.constant 0 : i32
        %dma_wait3A_243 = arith.constant 0 : i32
        %dma_wait3A_244 = tpu.memref_slice %arg2[%dma_wait3A_242, %dma_wait3A_243] : memref<10240x32xf32, #tpu.memory_space<hbm>> -> memref<10240x32xf32, #tpu.memory_space<hbm>>
        tpu.wait_indirect_dma semaphore(%arg13 : memref<!tpu.dma_semaphore, #tpu.memory_space<semaphore_mem>>) src(%dma_wait3A_244 : memref<10240x32xf32, #tpu.memory_space<hbm>>) dst(%dma_wait3A_238 : memref<128x32xf32, #tpu.memory_space<vmem>>)
        %dma_wait3A_245 = arith.constant 14 : i32
        %dma_wait3A_246 = arith.constant 1792 : i32
        %dma_wait3A_247 = arith.constant 0 : i32
        %dma_wait3A_248 = tpu.memref_slice %arg8[%dma_wait3A_246, %dma_wait3A_247] : memref<2048x32xf32, #tpu.memory_space<vmem>> -> memref<128x32xf32, #tpu.memory_space<vmem>>
        %dma_wait3A_249 = arith.constant 0 : i32
        %dma_wait3A_250 = tpu.memref_slice %arg7[%dma_wait3A_245, %dma_wait3A_249] : memref<16x128xi32, #tpu.memory_space<vmem>> -> memref<1x128xi32, #tpu.memory_space<vmem>>
        %dma_wait3A_251 = tpu.memref_squeeze %dma_wait3A_250 : memref<1x128xi32, #tpu.memory_space<vmem>> -> memref<128xi32, #tpu.memory_space<vmem>>
        %dma_wait3A_252 = arith.constant 0 : i32
        %dma_wait3A_253 = arith.constant 0 : i32
        %dma_wait3A_254 = tpu.memref_slice %arg2[%dma_wait3A_252, %dma_wait3A_253] : memref<10240x32xf32, #tpu.memory_space<hbm>> -> memref<10240x32xf32, #tpu.memory_space<hbm>>
        tpu.wait_indirect_dma semaphore(%arg13 : memref<!tpu.dma_semaphore, #tpu.memory_space<semaphore_mem>>) src(%dma_wait3A_254 : memref<10240x32xf32, #tpu.memory_space<hbm>>) dst(%dma_wait3A_248 : memref<128x32xf32, #tpu.memory_space<vmem>>)
        %dma_wait3A_255 = arith.constant 15 : i32
        %dma_wait3A_256 = arith.constant 1920 : i32
        %dma_wait3A_257 = arith.constant 0 : i32
        %dma_wait3A_258 = tpu.memref_slice %arg8[%dma_wait3A_256, %dma_wait3A_257] : memref<2048x32xf32, #tpu.memory_space<vmem>> -> memref<128x32xf32, #tpu.memory_space<vmem>>
        %dma_wait3A_259 = arith.constant 0 : i32
        %dma_wait3A_260 = tpu.memref_slice %arg7[%dma_wait3A_255, %dma_wait3A_259] : memref<16x128xi32, #tpu.memory_space<vmem>> -> memref<1x128xi32, #tpu.memory_space<vmem>>
        %dma_wait3A_261 = tpu.memref_squeeze %dma_wait3A_260 : memref<1x128xi32, #tpu.memory_space<vmem>> -> memref<128xi32, #tpu.memory_space<vmem>>
        %dma_wait3A_262 = arith.constant 0 : i32
        %dma_wait3A_263 = arith.constant 0 : i32
        %dma_wait3A_264 = tpu.memref_slice %arg2[%dma_wait3A_262, %dma_wait3A_263] : memref<10240x32xf32, #tpu.memory_space<hbm>> -> memref<10240x32xf32, #tpu.memory_space<hbm>>
        tpu.wait_indirect_dma semaphore(%arg13 : memref<!tpu.dma_semaphore, #tpu.memory_space<semaphore_mem>>) src(%dma_wait3A_264 : memref<10240x32xf32, #tpu.memory_space<hbm>>) dst(%dma_wait3A_258 : memref<128x32xf32, #tpu.memory_space<vmem>>)
      } else {
      }
      %eq3A_137 = arith.constant 1 : i32
      %eq3A_138 = arith.cmpi eq, %select_n3A_108, %eq3A_137 : i32
      %add3A_139 = arith.constant 1 : i32
      %add3A_140 = arith.addi %while3A_88, %add3A_139 : i32
      %lt3A_141 = arith.cmpi slt, %add3A_140, %select_n3A_57 : i32
      %and3A_142 = arith.andi %eq3A_138, %lt3A_141 : i1
      %convert_element_type3A_143 = arith.extui %and3A_142 : i1 to i32
      %cond3A_144 = arith.constant 0 : i32
      %cond3A_145 = arith.cmpi ne, %convert_element_type3A_143, %cond3A_144 : i32
      scf.if %cond3A_145 {
        %dma_wait3A = arith.constant 0 : i32
        %dma_wait3A_186 = arith.constant 0 : i32
        %dma_wait3A_187 = tpu.memref_slice %arg7[%dma_wait3A, %dma_wait3A_186] : memref<16x128xi32, #tpu.memory_space<vmem>> -> memref<8x128xi32, #tpu.memory_space<vmem>>
        %dma_wait3A_188 = arith.constant 0 : i32
        %dma_wait3A_189 = arith.constant 0 : i32
        %dma_wait3A_190 = tpu.memref_slice %arg4[%dma_wait3A_188, %dma_wait3A_189] : memref<2508x128xi32, #tpu.memory_space<hbm>> -> memref<8x128xi32, #tpu.memory_space<hbm>>
        %dma_wait3A_191 = arith.constant 0 : i32
        %dma_wait3A_192 = arith.constant 0 : i32
        %dma_wait3A_193 = tpu.memref_slice %arg7[%dma_wait3A_191, %dma_wait3A_192] : memref<16x128xi32, #tpu.memory_space<vmem>> -> memref<8x128xi32, #tpu.memory_space<vmem>>
        %dma_wait3A_194 = arith.constant 0 : i32
        %dma_wait3A_195 = arith.constant 0 : i32
        %dma_wait3A_196 = tpu.memref_slice %arg4[%dma_wait3A_194, %dma_wait3A_195] : memref<2508x128xi32, #tpu.memory_space<hbm>> -> memref<8x128xi32, #tpu.memory_space<hbm>>
        tpu.wait_dma2 semaphore(%arg14 : memref<!tpu.dma_semaphore, #tpu.memory_space<semaphore_mem>>) src(%dma_wait3A_196 : memref<8x128xi32, #tpu.memory_space<hbm>>) dst(%dma_wait3A_193 : memref<8x128xi32, #tpu.memory_space<vmem>>)
        %dma_start3A = arith.constant 0 : i32
        %dma_start3A_197 = arith.constant 0 : i32
        %dma_start3A_198 = arith.constant 0 : i32
        %dma_start3A_199 = tpu.memref_slice %arg8[%dma_start3A_197, %dma_start3A_198] : memref<2048x32xf32, #tpu.memory_space<vmem>> -> memref<128x32xf32, #tpu.memory_space<vmem>>
        %dma_start3A_200 = arith.constant 0 : i32
        %dma_start3A_201 = tpu.memref_slice %arg7[%dma_start3A, %dma_start3A_200] : memref<16x128xi32, #tpu.memory_space<vmem>> -> memref<1x128xi32, #tpu.memory_space<vmem>>
        %dma_start3A_202 = tpu.memref_squeeze %dma_start3A_201 : memref<1x128xi32, #tpu.memory_space<vmem>> -> memref<128xi32, #tpu.memory_space<vmem>>
        %dma_start3A_203 = arith.constant 0 : i32
        %dma_start3A_204 = arith.constant 0 : i32
        %dma_start3A_205 = tpu.memref_slice %arg2[%dma_start3A_203, %dma_start3A_204] : memref<10240x32xf32, #tpu.memory_space<hbm>> -> memref<10240x32xf32, #tpu.memory_space<hbm>>
        tpu.enqueue_indirect_dma source(%dma_start3A_205 : memref<10240x32xf32, #tpu.memory_space<hbm>>) target(%dma_start3A_199 : memref<128x32xf32, #tpu.memory_space<vmem>>) offsets(%dma_start3A_202 : memref<128xi32, #tpu.memory_space<vmem>>) semaphore(%arg12 : memref<!tpu.dma_semaphore, #tpu.memory_space<semaphore_mem>>)
        %dma_start3A_206 = arith.constant 1 : i32
        %dma_start3A_207 = arith.constant 128 : i32
        %dma_start3A_208 = arith.constant 0 : i32
        %dma_start3A_209 = tpu.memref_slice %arg8[%dma_start3A_207, %dma_start3A_208] : memref<2048x32xf32, #tpu.memory_space<vmem>> -> memref<128x32xf32, #tpu.memory_space<vmem>>
        %dma_start3A_210 = arith.constant 0 : i32
        %dma_start3A_211 = tpu.memref_slice %arg7[%dma_start3A_206, %dma_start3A_210] : memref<16x128xi32, #tpu.memory_space<vmem>> -> memref<1x128xi32, #tpu.memory_space<vmem>>
        %dma_start3A_212 = tpu.memref_squeeze %dma_start3A_211 : memref<1x128xi32, #tpu.memory_space<vmem>> -> memref<128xi32, #tpu.memory_space<vmem>>
        %dma_start3A_213 = arith.constant 0 : i32
        %dma_start3A_214 = arith.constant 0 : i32
        %dma_start3A_215 = tpu.memref_slice %arg2[%dma_start3A_213, %dma_start3A_214] : memref<10240x32xf32, #tpu.memory_space<hbm>> -> memref<10240x32xf32, #tpu.memory_space<hbm>>
        tpu.enqueue_indirect_dma source(%dma_start3A_215 : memref<10240x32xf32, #tpu.memory_space<hbm>>) target(%dma_start3A_209 : memref<128x32xf32, #tpu.memory_space<vmem>>) offsets(%dma_start3A_212 : memref<128xi32, #tpu.memory_space<vmem>>) semaphore(%arg12 : memref<!tpu.dma_semaphore, #tpu.memory_space<semaphore_mem>>)
        %dma_start3A_216 = arith.constant 2 : i32
        %dma_start3A_217 = arith.constant 256 : i32
        %dma_start3A_218 = arith.constant 0 : i32
        %dma_start3A_219 = tpu.memref_slice %arg8[%dma_start3A_217, %dma_start3A_218] : memref<2048x32xf32, #tpu.memory_space<vmem>> -> memref<128x32xf32, #tpu.memory_space<vmem>>
        %dma_start3A_220 = arith.constant 0 : i32
        %dma_start3A_221 = tpu.memref_slice %arg7[%dma_start3A_216, %dma_start3A_220] : memref<16x128xi32, #tpu.memory_space<vmem>> -> memref<1x128xi32, #tpu.memory_space<vmem>>
        %dma_start3A_222 = tpu.memref_squeeze %dma_start3A_221 : memref<1x128xi32, #tpu.memory_space<vmem>> -> memref<128xi32, #tpu.memory_space<vmem>>
        %dma_start3A_223 = arith.constant 0 : i32
        %dma_start3A_224 = arith.constant 0 : i32
        %dma_start3A_225 = tpu.memref_slice %arg2[%dma_start3A_223, %dma_start3A_224] : memref<10240x32xf32, #tpu.memory_space<hbm>> -> memref<10240x32xf32, #tpu.memory_space<hbm>>
        tpu.enqueue_indirect_dma source(%dma_start3A_225 : memref<10240x32xf32, #tpu.memory_space<hbm>>) target(%dma_start3A_219 : memref<128x32xf32, #tpu.memory_space<vmem>>) offsets(%dma_start3A_222 : memref<128xi32, #tpu.memory_space<vmem>>) semaphore(%arg12 : memref<!tpu.dma_semaphore, #tpu.memory_space<semaphore_mem>>)
        %dma_start3A_226 = arith.constant 3 : i32
        %dma_start3A_227 = arith.constant 384 : i32
        %dma_start3A_228 = arith.constant 0 : i32
        %dma_start3A_229 = tpu.memref_slice %arg8[%dma_start3A_227, %dma_start3A_228] : memref<2048x32xf32, #tpu.memory_space<vmem>> -> memref<128x32xf32, #tpu.memory_space<vmem>>
        %dma_start3A_230 = arith.constant 0 : i32
        %dma_start3A_231 = tpu.memref_slice %arg7[%dma_start3A_226, %dma_start3A_230] : memref<16x128xi32, #tpu.memory_space<vmem>> -> memref<1x128xi32, #tpu.memory_space<vmem>>
        %dma_start3A_232 = tpu.memref_squeeze %dma_start3A_231 : memref<1x128xi32, #tpu.memory_space<vmem>> -> memref<128xi32, #tpu.memory_space<vmem>>
        %dma_start3A_233 = arith.constant 0 : i32
        %dma_start3A_234 = arith.constant 0 : i32
        %dma_start3A_235 = tpu.memref_slice %arg2[%dma_start3A_233, %dma_start3A_234] : memref<10240x32xf32, #tpu.memory_space<hbm>> -> memref<10240x32xf32, #tpu.memory_space<hbm>>
        tpu.enqueue_indirect_dma source(%dma_start3A_235 : memref<10240x32xf32, #tpu.memory_space<hbm>>) target(%dma_start3A_229 : memref<128x32xf32, #tpu.memory_space<vmem>>) offsets(%dma_start3A_232 : memref<128xi32, #tpu.memory_space<vmem>>) semaphore(%arg12 : memref<!tpu.dma_semaphore, #tpu.memory_space<semaphore_mem>>)
        %dma_start3A_236 = arith.constant 4 : i32
        %dma_start3A_237 = arith.constant 512 : i32
        %dma_start3A_238 = arith.constant 0 : i32
        %dma_start3A_239 = tpu.memref_slice %arg8[%dma_start3A_237, %dma_start3A_238] : memref<2048x32xf32, #tpu.memory_space<vmem>> -> memref<128x32xf32, #tpu.memory_space<vmem>>
        %dma_start3A_240 = arith.constant 0 : i32
        %dma_start3A_241 = tpu.memref_slice %arg7[%dma_start3A_236, %dma_start3A_240] : memref<16x128xi32, #tpu.memory_space<vmem>> -> memref<1x128xi32, #tpu.memory_space<vmem>>
        %dma_start3A_242 = tpu.memref_squeeze %dma_start3A_241 : memref<1x128xi32, #tpu.memory_space<vmem>> -> memref<128xi32, #tpu.memory_space<vmem>>
        %dma_start3A_243 = arith.constant 0 : i32
        %dma_start3A_244 = arith.constant 0 : i32
        %dma_start3A_245 = tpu.memref_slice %arg2[%dma_start3A_243, %dma_start3A_244] : memref<10240x32xf32, #tpu.memory_space<hbm>> -> memref<10240x32xf32, #tpu.memory_space<hbm>>
        tpu.enqueue_indirect_dma source(%dma_start3A_245 : memref<10240x32xf32, #tpu.memory_space<hbm>>) target(%dma_start3A_239 : memref<128x32xf32, #tpu.memory_space<vmem>>) offsets(%dma_start3A_242 : memref<128xi32, #tpu.memory_space<vmem>>) semaphore(%arg12 : memref<!tpu.dma_semaphore, #tpu.memory_space<semaphore_mem>>)
        %dma_start3A_246 = arith.constant 5 : i32
        %dma_start3A_247 = arith.constant 640 : i32
        %dma_start3A_248 = arith.constant 0 : i32
        %dma_start3A_249 = tpu.memref_slice %arg8[%dma_start3A_247, %dma_start3A_248] : memref<2048x32xf32, #tpu.memory_space<vmem>> -> memref<128x32xf32, #tpu.memory_space<vmem>>
        %dma_start3A_250 = arith.constant 0 : i32
        %dma_start3A_251 = tpu.memref_slice %arg7[%dma_start3A_246, %dma_start3A_250] : memref<16x128xi32, #tpu.memory_space<vmem>> -> memref<1x128xi32, #tpu.memory_space<vmem>>
        %dma_start3A_252 = tpu.memref_squeeze %dma_start3A_251 : memref<1x128xi32, #tpu.memory_space<vmem>> -> memref<128xi32, #tpu.memory_space<vmem>>
        %dma_start3A_253 = arith.constant 0 : i32
        %dma_start3A_254 = arith.constant 0 : i32
        %dma_start3A_255 = tpu.memref_slice %arg2[%dma_start3A_253, %dma_start3A_254] : memref<10240x32xf32, #tpu.memory_space<hbm>> -> memref<10240x32xf32, #tpu.memory_space<hbm>>
        tpu.enqueue_indirect_dma source(%dma_start3A_255 : memref<10240x32xf32, #tpu.memory_space<hbm>>) target(%dma_start3A_249 : memref<128x32xf32, #tpu.memory_space<vmem>>) offsets(%dma_start3A_252 : memref<128xi32, #tpu.memory_space<vmem>>) semaphore(%arg12 : memref<!tpu.dma_semaphore, #tpu.memory_space<semaphore_mem>>)
        %dma_start3A_256 = arith.constant 6 : i32
        %dma_start3A_257 = arith.constant 768 : i32
        %dma_start3A_258 = arith.constant 0 : i32
        %dma_start3A_259 = tpu.memref_slice %arg8[%dma_start3A_257, %dma_start3A_258] : memref<2048x32xf32, #tpu.memory_space<vmem>> -> memref<128x32xf32, #tpu.memory_space<vmem>>
        %dma_start3A_260 = arith.constant 0 : i32
        %dma_start3A_261 = tpu.memref_slice %arg7[%dma_start3A_256, %dma_start3A_260] : memref<16x128xi32, #tpu.memory_space<vmem>> -> memref<1x128xi32, #tpu.memory_space<vmem>>
        %dma_start3A_262 = tpu.memref_squeeze %dma_start3A_261 : memref<1x128xi32, #tpu.memory_space<vmem>> -> memref<128xi32, #tpu.memory_space<vmem>>
        %dma_start3A_263 = arith.constant 0 : i32
        %dma_start3A_264 = arith.constant 0 : i32
        %dma_start3A_265 = tpu.memref_slice %arg2[%dma_start3A_263, %dma_start3A_264] : memref<10240x32xf32, #tpu.memory_space<hbm>> -> memref<10240x32xf32, #tpu.memory_space<hbm>>
        tpu.enqueue_indirect_dma source(%dma_start3A_265 : memref<10240x32xf32, #tpu.memory_space<hbm>>) target(%dma_start3A_259 : memref<128x32xf32, #tpu.memory_space<vmem>>) offsets(%dma_start3A_262 : memref<128xi32, #tpu.memory_space<vmem>>) semaphore(%arg12 : memref<!tpu.dma_semaphore, #tpu.memory_space<semaphore_mem>>)
        %dma_start3A_266 = arith.constant 7 : i32
        %dma_start3A_267 = arith.constant 896 : i32
        %dma_start3A_268 = arith.constant 0 : i32
        %dma_start3A_269 = tpu.memref_slice %arg8[%dma_start3A_267, %dma_start3A_268] : memref<2048x32xf32, #tpu.memory_space<vmem>> -> memref<128x32xf32, #tpu.memory_space<vmem>>
        %dma_start3A_270 = arith.constant 0 : i32
        %dma_start3A_271 = tpu.memref_slice %arg7[%dma_start3A_266, %dma_start3A_270] : memref<16x128xi32, #tpu.memory_space<vmem>> -> memref<1x128xi32, #tpu.memory_space<vmem>>
        %dma_start3A_272 = tpu.memref_squeeze %dma_start3A_271 : memref<1x128xi32, #tpu.memory_space<vmem>> -> memref<128xi32, #tpu.memory_space<vmem>>
        %dma_start3A_273 = arith.constant 0 : i32
        %dma_start3A_274 = arith.constant 0 : i32
        %dma_start3A_275 = tpu.memref_slice %arg2[%dma_start3A_273, %dma_start3A_274] : memref<10240x32xf32, #tpu.memory_space<hbm>> -> memref<10240x32xf32, #tpu.memory_space<hbm>>
        tpu.enqueue_indirect_dma source(%dma_start3A_275 : memref<10240x32xf32, #tpu.memory_space<hbm>>) target(%dma_start3A_269 : memref<128x32xf32, #tpu.memory_space<vmem>>) offsets(%dma_start3A_272 : memref<128xi32, #tpu.memory_space<vmem>>) semaphore(%arg12 : memref<!tpu.dma_semaphore, #tpu.memory_space<semaphore_mem>>)
      } else {
      }
      %eq3A_146 = arith.constant 1 : i32
      %eq3A_147 = arith.cmpi eq, %select_n3A_108, %eq3A_146 : i32
      %add3A_148 = arith.constant 2 : i32
      %add3A_149 = arith.addi %while3A_88, %add3A_148 : i32
      %lt3A_150 = arith.cmpi slt, %add3A_149, %select_n3A_57 : i32
      %and3A_151 = arith.andi %eq3A_147, %lt3A_150 : i1
      %convert_element_type3A_152 = arith.extui %and3A_151 : i1 to i32
      %cond3A_153 = arith.constant 0 : i32
      %cond3A_154 = arith.cmpi ne, %convert_element_type3A_152, %cond3A_153 : i32
      scf.if %cond3A_154 {
        %add3A_186 = arith.constant 2048 : i32
        %add3A_187 = arith.addi %add3A_94, %add3A_186 : i32
        %jit3A_188 = arith.constant 128 : i32
        %div3A_189 = arith.divsi %add3A_187, %jit3A_188 : i32
        %sign3A_190 = arith.constant 0 : i32
        %sign3A_191 = arith.cmpi sgt, %add3A_187, %sign3A_190 : i32
        %sign3A_192 = arith.extui %sign3A_191 : i1 to i32
        %sign3A_193 = arith.constant 0 : i32
        %sign3A_194 = arith.cmpi slt, %add3A_187, %sign3A_193 : i32
        %sign3A_195 = arith.extui %sign3A_194 : i1 to i32
        %sign3A_196 = arith.subi %sign3A_192, %sign3A_195 : i32
        %sign3A_197 = arith.constant 0 : i32
        %sign3A_198 = arith.cmpi sgt, %jit3A_188, %sign3A_197 : i32
        %sign3A_199 = arith.extui %sign3A_198 : i1 to i32
        %sign3A_200 = arith.constant 0 : i32
        %sign3A_201 = arith.cmpi slt, %jit3A_188, %sign3A_200 : i32
        %sign3A_202 = arith.extui %sign3A_201 : i1 to i32
        %sign3A_203 = arith.subi %sign3A_199, %sign3A_202 : i32
        %ne3A_204 = arith.cmpi ne, %sign3A_196, %sign3A_203 : i32
        %rem3A_205 = arith.remsi %add3A_187, %jit3A_188 : i32
        %ne3A_206 = arith.constant 0 : i32
        %ne3A_207 = arith.cmpi ne, %rem3A_205, %ne3A_206 : i32
        %and3A_208 = arith.andi %ne3A_204, %ne3A_207 : i1
        %sub3A_209 = arith.constant 1 : i32
        %sub3A_210 = arith.subi %div3A_189, %sub3A_209 : i32
        %select_n3A_211 = arith.select %and3A_208, %sub3A_210, %div3A_189 : i32
        %dma_start3A = arith.constant 8 : i32
        %dma_start3A_212 = arith.constant 0 : i32
        %dma_start3A_213 = tpu.memref_slice %arg7[%dma_start3A, %dma_start3A_212] : memref<16x128xi32, #tpu.memory_space<vmem>> -> memref<8x128xi32, #tpu.memory_space<vmem>>
        %dma_start3A_214 = arith.constant 0 : i32
        %dma_start3A_215 = tpu.memref_slice %arg4[%select_n3A_211, %dma_start3A_214] : memref<2508x128xi32, #tpu.memory_space<hbm>> -> memref<8x128xi32, #tpu.memory_space<hbm>>
        %dma_start3A_216 = arith.constant 8 : i32
        %dma_start3A_217 = arith.constant 0 : i32
        %dma_start3A_218 = tpu.memref_slice %arg7[%dma_start3A_216, %dma_start3A_217] : memref<16x128xi32, #tpu.memory_space<vmem>> -> memref<8x128xi32, #tpu.memory_space<vmem>>
        %dma_start3A_219 = arith.constant 0 : i32
        %dma_start3A_220 = tpu.memref_slice %arg4[%select_n3A_211, %dma_start3A_219] : memref<2508x128xi32, #tpu.memory_space<hbm>> -> memref<8x128xi32, #tpu.memory_space<hbm>>
        tpu.enqueue_dma source(%dma_start3A_220 : memref<8x128xi32, #tpu.memory_space<hbm>>) target(%dma_start3A_218 : memref<8x128xi32, #tpu.memory_space<vmem>>) target_semaphore(%arg15 : memref<!tpu.dma_semaphore, #tpu.memory_space<semaphore_mem>>)
      } else {
      }
      %mul3A_155 = arith.constant 1024 : i32
      %mul3A_156 = arith.muli %select_n3A_108, %mul3A_155 : i32
      %add3A_157 = arith.constant 1024 : i32
      %add3A_158 = arith.addi %add3A_94, %add3A_157 : i32
      %scan3A = arith.constant 320 : i32
      %scan3A_159 = arith.constant 0 : i32
      %scan3A_160 = arith.constant 9 : i32
      %scan3A_161 = arith.addi %scan3A_159, %scan3A_160 : i32
      %scan3A_162 = arith.constant 1 : i32
      %scan3A_163:2 = scf.for %scan3A_186 = %scan3A_159 to %scan3A_161 step %scan3A_162 iter_args(%scan3A_187 = %while3A_89, %scan3A_188 = %scan3A) -> (i32, i32)  : i32 {
        %lt3A_189 = arith.cmpi slt, %scan3A_187, %scan3A_188 : i32
        %add3A_190 = arith.addi %scan3A_187, %scan3A_188 : i32
        %jit3A_191 = arith.constant 2 : i32
        %div3A_192 = arith.divsi %add3A_190, %jit3A_191 : i32
        %sign3A_193 = arith.constant 0 : i32
        %sign3A_194 = arith.cmpi sgt, %add3A_190, %sign3A_193 : i32
        %sign3A_195 = arith.extui %sign3A_194 : i1 to i32
        %sign3A_196 = arith.constant 0 : i32
        %sign3A_197 = arith.cmpi slt, %add3A_190, %sign3A_196 : i32
        %sign3A_198 = arith.extui %sign3A_197 : i1 to i32
        %sign3A_199 = arith.subi %sign3A_195, %sign3A_198 : i32
        %sign3A_200 = arith.constant 0 : i32
        %sign3A_201 = arith.cmpi sgt, %jit3A_191, %sign3A_200 : i32
        %sign3A_202 = arith.extui %sign3A_201 : i1 to i32
        %sign3A_203 = arith.constant 0 : i32
        %sign3A_204 = arith.cmpi slt, %jit3A_191, %sign3A_203 : i32
        %sign3A_205 = arith.extui %sign3A_204 : i1 to i32
        %sign3A_206 = arith.subi %sign3A_202, %sign3A_205 : i32
        %ne3A_207 = arith.cmpi ne, %sign3A_199, %sign3A_206 : i32
        %rem3A_208 = arith.remsi %add3A_190, %jit3A_191 : i32
        %ne3A_209 = arith.constant 0 : i32
        %ne3A_210 = arith.cmpi ne, %rem3A_208, %ne3A_209 : i32
        %and3A_211 = arith.andi %ne3A_207, %ne3A_210 : i1
        %sub3A_212 = arith.constant 1 : i32
        %sub3A_213 = arith.subi %div3A_192, %sub3A_212 : i32
        %select_n3A_214 = arith.select %and3A_211, %sub3A_213, %div3A_192 : i32
        %get3A_215 = arith.index_cast %select_n3A_214 : i32 to index
        %get3A_216 = tpu.vector_load %arg10[%get3A_215] {strides = array<i32>} : memref<336xi32, #tpu.memory_space<vmem>>, vector<16xi32>,
        %get3A_217 = vector.shape_cast %get3A_216 : vector<16xi32> to vector<16xi32>
        %slice3A_218 = vector.extract_strided_slice %get3A_217 {offsets = [0], sizes = [1], strides = [1]} : vector<16xi32> to vector<1xi32>
        %squeeze3A_219 = vector.extract %slice3A_218[0] : i32 from vector<1xi32>
        %lt3A_220 = arith.cmpi slt, %squeeze3A_219, %add3A_158 : i32
        %and3A_221 = arith.andi %lt3A_189, %lt3A_220 : i1
        %add3A_222 = arith.constant 1 : i32
        %add3A_223 = arith.addi %select_n3A_214, %add3A_222 : i32
        %select_n3A_224 = arith.select %and3A_221, %add3A_223, %scan3A_187 : i32
        %not3A = arith.constant true
        %not3A_225 = arith.xori %lt3A_220, %not3A : i1
        %and3A_226 = arith.andi %lt3A_189, %not3A_225 : i1
        %select_n3A_227 = arith.select %and3A_226, %select_n3A_214, %scan3A_188 : i32
        scf.yield %select_n3A_224, %select_n3A_227 : i32, i32
      }
      %scan3A_164 = arith.constant 9 : i32
      %while3A_165 = arith.subi %scan3A_163#0, %while3A_89 : i32
      %while3A_166 = arith.addi %while3A_89, %while3A_165 : i32
      %while3A_167 = arith.constant 1 : i32
      %while3A_168 = arith.divsi %while3A_165, %while3A_167 : i32
      %while3A_169 = arith.muli %while3A_168, %while3A_167 : i32
      %while3A_170 = arith.addi %while3A_89, %while3A_169 : i32
      %while3A_171 = arith.constant 1 : i32
      %while3A_172:2 = scf.for %while3A_186 = %while3A_89 to %while3A_170 step %while3A_171 iter_args(%while3A_187 = %while3A_90, %while3A_188 = %while3A_91) -> (vector<16xf32>, vector<16xf32>)  : i32 {
        %get3A_189 = arith.index_cast %while3A_186 : i32 to index
        %get3A_190 = tpu.vector_load %arg10[%get3A_189] {strides = array<i32>} : memref<336xi32, #tpu.memory_space<vmem>>, vector<16xi32>,
        %get3A_191 = vector.shape_cast %get3A_190 : vector<16xi32> to vector<16xi32>
        %slice3A_192 = vector.extract_strided_slice %get3A_191 {offsets = [0], sizes = [1], strides = [1]} : vector<16xi32> to vector<1xi32>
        %squeeze3A_193 = vector.extract %slice3A_192[0] : i32 from vector<1xi32>
        %add3A_194 = arith.constant 1 : i32
        %add3A_195 = arith.addi %while3A_186, %add3A_194 : i32
        %get3A_196 = arith.index_cast %add3A_195 : i32 to index
        %get3A_197 = tpu.vector_load %arg10[%get3A_196] {strides = array<i32>} : memref<336xi32, #tpu.memory_space<vmem>>, vector<16xi32>,
        %get3A_198 = vector.shape_cast %get3A_197 : vector<16xi32> to vector<16xi32>
        %slice3A_199 = vector.extract_strided_slice %get3A_198 {offsets = [0], sizes = [1], strides = [1]} : vector<16xi32> to vector<1xi32>
        %squeeze3A_200 = vector.extract %slice3A_199[0] : i32 from vector<1xi32>
        %get3A_201 = arith.index_cast %while3A_186 : i32 to index
        %get3A_202 = arith.constant 0 : index
        %get3A_203 = tpu.vector_load %arg9[%get3A_201, %get3A_202] {strides = array<i32>} : memref<320x32xf32, #tpu.memory_space<vmem>>, vector<1x16xf32>,
        %get3A_204 = vector.shape_cast %get3A_203 : vector<1x16xf32> to vector<16xf32>
        %get3A_205 = arith.index_cast %while3A_186 : i32 to index
        %get3A_206 = arith.constant 16 : index
        %get3A_207 = tpu.vector_load %arg9[%get3A_205, %get3A_206] {strides = array<i32>} : memref<320x32xf32, #tpu.memory_space<vmem>>, vector<1x16xf32>,
        %get3A_208 = vector.shape_cast %get3A_207 : vector<1x16xf32> to vector<16xf32>
        %max3A = arith.maxsi %squeeze3A_193, %add3A_94 : i32
        %sub3A_209 = arith.subi %max3A, %add3A_94 : i32
        %min3A = arith.minsi %squeeze3A_200, %add3A_158 : i32
        %sub3A_210 = arith.subi %min3A, %add3A_94 : i32
        %sub3A_211 = arith.subi %sub3A_210, %sub3A_209 : i32
        %jit3A_212 = arith.constant 4 : i32
        %div3A_213 = arith.divsi %sub3A_211, %jit3A_212 : i32
        %sign3A_214 = arith.constant 0 : i32
        %sign3A_215 = arith.cmpi sgt, %sub3A_211, %sign3A_214 : i32
        %sign3A_216 = arith.extui %sign3A_215 : i1 to i32
        %sign3A_217 = arith.constant 0 : i32
        %sign3A_218 = arith.cmpi slt, %sub3A_211, %sign3A_217 : i32
        %sign3A_219 = arith.extui %sign3A_218 : i1 to i32
        %sign3A_220 = arith.subi %sign3A_216, %sign3A_219 : i32
        %sign3A_221 = arith.constant 0 : i32
        %sign3A_222 = arith.cmpi sgt, %jit3A_212, %sign3A_221 : i32
        %sign3A_223 = arith.extui %sign3A_222 : i1 to i32
        %sign3A_224 = arith.constant 0 : i32
        %sign3A_225 = arith.cmpi slt, %jit3A_212, %sign3A_224 : i32
        %sign3A_226 = arith.extui %sign3A_225 : i1 to i32
        %sign3A_227 = arith.subi %sign3A_223, %sign3A_226 : i32
        %ne3A_228 = arith.cmpi ne, %sign3A_220, %sign3A_227 : i32
        %rem3A_229 = arith.remsi %sub3A_211, %jit3A_212 : i32
        %ne3A_230 = arith.constant 0 : i32
        %ne3A_231 = arith.cmpi ne, %rem3A_229, %ne3A_230 : i32
        %and3A_232 = arith.andi %ne3A_228, %ne3A_231 : i1
        %sub3A_233 = arith.constant 1 : i32
        %sub3A_234 = arith.subi %div3A_213, %sub3A_233 : i32
        %select_n3A_235 = arith.select %and3A_232, %sub3A_234, %div3A_213 : i32
        %parallel_loop3A = arith.constant 0 : i32
        %parallel_loop3A_236 = arith.constant 1 : i32
        %parallel_loop3A_237:4 = scf.for %parallel_loop3A_258 = %parallel_loop3A to %select_n3A_235 step %parallel_loop3A_236 iter_args(%parallel_loop3A_259 = %while3A_187, %parallel_loop3A_260 = %while3A_188, %parallel_loop3A_261 = %broadcast_in_dim3A_3, %parallel_loop3A_262 = %broadcast_in_dim3A_3) -> (vector<16xf32>, vector<16xf32>, vector<16xf32>, vector<16xf32>)  : i32 {
          %parallel_loop3A_263 = arith.addi %mul3A_156, %sub3A_209 : i32
          %parallel_loop3A_264 = arith.constant 4 : i32
          %parallel_loop3A_265 = arith.muli %parallel_loop3A_258, %parallel_loop3A_264 : i32
          %parallel_loop3A_266 = arith.addi %parallel_loop3A_263, %parallel_loop3A_265 : i32
          %parallel_loop3A_267 = arith.index_cast %parallel_loop3A_266 : i32 to index
          %parallel_loop3A_268 = arith.constant 0 : index
          %parallel_loop3A_269 = tpu.vector_load %arg8[%parallel_loop3A_267, %parallel_loop3A_268] {strides = array<i32>} : memref<2048x32xf32, #tpu.memory_space<vmem>>, vector<1x16xf32>,
          %parallel_loop3A_270 = vector.shape_cast %parallel_loop3A_269 : vector<1x16xf32> to vector<16xf32>
          %parallel_loop3A_271 = arith.index_cast %parallel_loop3A_266 : i32 to index
          %parallel_loop3A_272 = arith.constant 16 : index
          %parallel_loop3A_273 = tpu.vector_load %arg8[%parallel_loop3A_271, %parallel_loop3A_272] {strides = array<i32>} : memref<2048x32xf32, #tpu.memory_space<vmem>>, vector<1x16xf32>,
          %parallel_loop3A_274 = vector.shape_cast %parallel_loop3A_273 : vector<1x16xf32> to vector<16xf32>
          %parallel_loop3A_275 = arith.constant 1 : i32
          %parallel_loop3A_276 = arith.addi %parallel_loop3A_266, %parallel_loop3A_275 : i32
          %parallel_loop3A_277 = arith.index_cast %parallel_loop3A_276 : i32 to index
          %parallel_loop3A_278 = arith.constant 0 : index
          %parallel_loop3A_279 = tpu.vector_load %arg8[%parallel_loop3A_277, %parallel_loop3A_278] {strides = array<i32>} : memref<2048x32xf32, #tpu.memory_space<vmem>>, vector<1x16xf32>,
          %parallel_loop3A_280 = vector.shape_cast %parallel_loop3A_279 : vector<1x16xf32> to vector<16xf32>
          %parallel_loop3A_281 = arith.constant 1 : i32
          %parallel_loop3A_282 = arith.addi %parallel_loop3A_266, %parallel_loop3A_281 : i32
          %parallel_loop3A_283 = arith.index_cast %parallel_loop3A_282 : i32 to index
          %parallel_loop3A_284 = arith.constant 16 : index
          %parallel_loop3A_285 = tpu.vector_load %arg8[%parallel_loop3A_283, %parallel_loop3A_284] {strides = array<i32>} : memref<2048x32xf32, #tpu.memory_space<vmem>>, vector<1x16xf32>,
          %parallel_loop3A_286 = vector.shape_cast %parallel_loop3A_285 : vector<1x16xf32> to vector<16xf32>
          %parallel_loop3A_287 = arith.constant 2 : i32
          %parallel_loop3A_288 = arith.addi %parallel_loop3A_266, %parallel_loop3A_287 : i32
          %parallel_loop3A_289 = arith.index_cast %parallel_loop3A_288 : i32 to index
          %parallel_loop3A_290 = arith.constant 0 : index
          %parallel_loop3A_291 = tpu.vector_load %arg8[%parallel_loop3A_289, %parallel_loop3A_290] {strides = array<i32>} : memref<2048x32xf32, #tpu.memory_space<vmem>>, vector<1x16xf32>,
          %parallel_loop3A_292 = vector.shape_cast %parallel_loop3A_291 : vector<1x16xf32> to vector<16xf32>
          %parallel_loop3A_293 = arith.constant 2 : i32
          %parallel_loop3A_294 = arith.addi %parallel_loop3A_266, %parallel_loop3A_293 : i32
          %parallel_loop3A_295 = arith.index_cast %parallel_loop3A_294 : i32 to index
          %parallel_loop3A_296 = arith.constant 16 : index
          %parallel_loop3A_297 = tpu.vector_load %arg8[%parallel_loop3A_295, %parallel_loop3A_296] {strides = array<i32>} : memref<2048x32xf32, #tpu.memory_space<vmem>>, vector<1x16xf32>,
          %parallel_loop3A_298 = vector.shape_cast %parallel_loop3A_297 : vector<1x16xf32> to vector<16xf32>
          %parallel_loop3A_299 = arith.constant 3 : i32
          %parallel_loop3A_300 = arith.addi %parallel_loop3A_266, %parallel_loop3A_299 : i32
          %parallel_loop3A_301 = arith.index_cast %parallel_loop3A_300 : i32 to index
          %parallel_loop3A_302 = arith.constant 0 : index
          %parallel_loop3A_303 = tpu.vector_load %arg8[%parallel_loop3A_301, %parallel_loop3A_302] {strides = array<i32>} : memref<2048x32xf32, #tpu.memory_space<vmem>>, vector<1x16xf32>,
          %parallel_loop3A_304 = vector.shape_cast %parallel_loop3A_303 : vector<1x16xf32> to vector<16xf32>
          %parallel_loop3A_305 = arith.constant 3 : i32
          %parallel_loop3A_306 = arith.addi %parallel_loop3A_266, %parallel_loop3A_305 : i32
          %parallel_loop3A_307 = arith.index_cast %parallel_loop3A_306 : i32 to index
          %parallel_loop3A_308 = arith.constant 16 : index
          %parallel_loop3A_309 = tpu.vector_load %arg8[%parallel_loop3A_307, %parallel_loop3A_308] {strides = array<i32>} : memref<2048x32xf32, #tpu.memory_space<vmem>>, vector<1x16xf32>,
          %parallel_loop3A_310 = vector.shape_cast %parallel_loop3A_309 : vector<1x16xf32> to vector<16xf32>
          %parallel_loop3A_311 = arith.addf %parallel_loop3A_270, %get3A_204 : vector<16xf32>
          %parallel_loop3A_312 = arith.constant 0.000000e+00 : f32
          %parallel_loop3A_313 = vector.broadcast %parallel_loop3A_312 : f32 to vector<16xf32>
          %parallel_loop3A_314 = arith.maximumf %parallel_loop3A_311, %parallel_loop3A_313 : vector<16xf32>
          %parallel_loop3A_315 = arith.addf %parallel_loop3A_259, %parallel_loop3A_314 : vector<16xf32>
          %parallel_loop3A_316 = arith.addf %parallel_loop3A_274, %get3A_208 : vector<16xf32>
          %parallel_loop3A_317 = arith.constant 0.000000e+00 : f32
          %parallel_loop3A_318 = vector.broadcast %parallel_loop3A_317 : f32 to vector<16xf32>
          %parallel_loop3A_319 = arith.maximumf %parallel_loop3A_316, %parallel_loop3A_318 : vector<16xf32>
          %parallel_loop3A_320 = arith.addf %parallel_loop3A_260, %parallel_loop3A_319 : vector<16xf32>
          %parallel_loop3A_321 = arith.addf %parallel_loop3A_280, %get3A_204 : vector<16xf32>
          %parallel_loop3A_322 = arith.constant 0.000000e+00 : f32
          %parallel_loop3A_323 = vector.broadcast %parallel_loop3A_322 : f32 to vector<16xf32>
          %parallel_loop3A_324 = arith.maximumf %parallel_loop3A_321, %parallel_loop3A_323 : vector<16xf32>
          %parallel_loop3A_325 = arith.addf %parallel_loop3A_261, %parallel_loop3A_324 : vector<16xf32>
          %parallel_loop3A_326 = arith.addf %parallel_loop3A_286, %get3A_208 : vector<16xf32>
          %parallel_loop3A_327 = arith.constant 0.000000e+00 : f32
          %parallel_loop3A_328 = vector.broadcast %parallel_loop3A_327 : f32 to vector<16xf32>
          %parallel_loop3A_329 = arith.maximumf %parallel_loop3A_326, %parallel_loop3A_328 : vector<16xf32>
          %parallel_loop3A_330 = arith.addf %parallel_loop3A_262, %parallel_loop3A_329 : vector<16xf32>
          %parallel_loop3A_331 = arith.addf %parallel_loop3A_292, %get3A_204 : vector<16xf32>
          %parallel_loop3A_332 = arith.constant 0.000000e+00 : f32
          %parallel_loop3A_333 = vector.broadcast %parallel_loop3A_332 : f32 to vector<16xf32>
          %parallel_loop3A_334 = arith.maximumf %parallel_loop3A_331, %parallel_loop3A_333 : vector<16xf32>
          %parallel_loop3A_335 = arith.addf %parallel_loop3A_315, %parallel_loop3A_334 : vector<16xf32>
          %parallel_loop3A_336 = arith.addf %parallel_loop3A_298, %get3A_208 : vector<16xf32>
          %parallel_loop3A_337 = arith.constant 0.000000e+00 : f32
          %parallel_loop3A_338 = vector.broadcast %parallel_loop3A_337 : f32 to vector<16xf32>
          %parallel_loop3A_339 = arith.maximumf %parallel_loop3A_336, %parallel_loop3A_338 : vector<16xf32>
          %parallel_loop3A_340 = arith.addf %parallel_loop3A_320, %parallel_loop3A_339 : vector<16xf32>
          %parallel_loop3A_341 = arith.addf %parallel_loop3A_304, %get3A_204 : vector<16xf32>
          %parallel_loop3A_342 = arith.constant 0.000000e+00 : f32
          %parallel_loop3A_343 = vector.broadcast %parallel_loop3A_342 : f32 to vector<16xf32>
          %parallel_loop3A_344 = arith.maximumf %parallel_loop3A_341, %parallel_loop3A_343 : vector<16xf32>
          %parallel_loop3A_345 = arith.addf %parallel_loop3A_325, %parallel_loop3A_344 : vector<16xf32>
          %parallel_loop3A_346 = arith.addf %parallel_loop3A_310, %get3A_208 : vector<16xf32>
          %parallel_loop3A_347 = arith.constant 0.000000e+00 : f32
          %parallel_loop3A_348 = vector.broadcast %parallel_loop3A_347 : f32 to vector<16xf32>
          %parallel_loop3A_349 = arith.maximumf %parallel_loop3A_346, %parallel_loop3A_348 : vector<16xf32>
          %parallel_loop3A_350 = arith.addf %parallel_loop3A_330, %parallel_loop3A_349 : vector<16xf32>
          scf.yield %parallel_loop3A_335, %parallel_loop3A_340, %parallel_loop3A_345, %parallel_loop3A_350 : vector<16xf32>, vector<16xf32>, vector<16xf32>, vector<16xf32>
        } {sc.loop_unroll_factor = 2 : i64, sc.parallel_access}
        %mul3A_238 = arith.constant 4 : i32
        %mul3A_239 = arith.muli %select_n3A_235, %mul3A_238 : i32
        %add3A_240 = arith.addi %sub3A_209, %mul3A_239 : i32
        %while3A_241 = arith.subi %sub3A_210, %add3A_240 : i32
        %while3A_242 = arith.addi %add3A_240, %while3A_241 : i32
        %while3A_243 = arith.constant 1 : i32
        %while3A_244 = arith.divsi %while3A_241, %while3A_243 : i32
        %while3A_245 = arith.muli %while3A_244, %while3A_243 : i32
        %while3A_246 = arith.addi %add3A_240, %while3A_245 : i32
        %while3A_247 = arith.constant 1 : i32
        %while3A_248:2 = scf.for %while3A_258 = %add3A_240 to %while3A_246 step %while3A_247 iter_args(%while3A_259 = %parallel_loop3A_237#0, %while3A_260 = %parallel_loop3A_237#1) -> (vector<16xf32>, vector<16xf32>)  : i32 {
          %add3A_261 = arith.addi %mul3A_156, %while3A_258 : i32
          %get3A_262 = arith.index_cast %add3A_261 : i32 to index
          %get3A_263 = arith.constant 0 : index
          %get3A_264 = tpu.vector_load %arg8[%get3A_262, %get3A_263] {strides = array<i32>} : memref<2048x32xf32, #tpu.memory_space<vmem>>, vector<1x16xf32>,
          %get3A_265 = vector.shape_cast %get3A_264 : vector<1x16xf32> to vector<16xf32>
          %add3A_266 = arith.addi %mul3A_156, %while3A_258 : i32
          %get3A_267 = arith.index_cast %add3A_266 : i32 to index
          %get3A_268 = arith.constant 16 : index
          %get3A_269 = tpu.vector_load %arg8[%get3A_267, %get3A_268] {strides = array<i32>} : memref<2048x32xf32, #tpu.memory_space<vmem>>, vector<1x16xf32>,
          %get3A_270 = vector.shape_cast %get3A_269 : vector<1x16xf32> to vector<16xf32>
          %add3A_271 = arith.addf %get3A_265, %get3A_204 : vector<16xf32>
          %max3A_272 = arith.constant 0.000000e+00 : f32
          %max3A_273 = vector.broadcast %max3A_272 : f32 to vector<16xf32>
          %max3A_274 = arith.maximumf %add3A_271, %max3A_273 : vector<16xf32>
          %add3A_275 = arith.addf %while3A_259, %max3A_274 : vector<16xf32>
          %add3A_276 = arith.addf %get3A_270, %get3A_208 : vector<16xf32>
          %max3A_277 = arith.constant 0.000000e+00 : f32
          %max3A_278 = vector.broadcast %max3A_277 : f32 to vector<16xf32>
          %max3A_279 = arith.maximumf %add3A_276, %max3A_278 : vector<16xf32>
          %add3A_280 = arith.addf %while3A_260, %max3A_279 : vector<16xf32>
          scf.yield %add3A_275, %add3A_280 : vector<16xf32>, vector<16xf32>
        }
        %while3A_249 = arith.constant 1 : i32
        %while3A_250:2 = scf.for %while3A_258 = %while3A_246 to %while3A_242 step %while3A_249 iter_args(%while3A_259 = %while3A_248#0, %while3A_260 = %while3A_248#1) -> (vector<16xf32>, vector<16xf32>)  : i32 {
          %add3A_261 = arith.addi %mul3A_156, %while3A_258 : i32
          %get3A_262 = arith.index_cast %add3A_261 : i32 to index
          %get3A_263 = arith.constant 0 : index
          %get3A_264 = tpu.vector_load %arg8[%get3A_262, %get3A_263] {strides = array<i32>} : memref<2048x32xf32, #tpu.memory_space<vmem>>, vector<1x16xf32>,
          %get3A_265 = vector.shape_cast %get3A_264 : vector<1x16xf32> to vector<16xf32>
          %add3A_266 = arith.addi %mul3A_156, %while3A_258 : i32
          %get3A_267 = arith.index_cast %add3A_266 : i32 to index
          %get3A_268 = arith.constant 16 : index
          %get3A_269 = tpu.vector_load %arg8[%get3A_267, %get3A_268] {strides = array<i32>} : memref<2048x32xf32, #tpu.memory_space<vmem>>, vector<1x16xf32>,
          %get3A_270 = vector.shape_cast %get3A_269 : vector<1x16xf32> to vector<16xf32>
          %add3A_271 = arith.addf %get3A_265, %get3A_204 : vector<16xf32>
          %max3A_272 = arith.constant 0.000000e+00 : f32
          %max3A_273 = vector.broadcast %max3A_272 : f32 to vector<16xf32>
          %max3A_274 = arith.maximumf %add3A_271, %max3A_273 : vector<16xf32>
          %add3A_275 = arith.addf %while3A_259, %max3A_274 : vector<16xf32>
          %add3A_276 = arith.addf %get3A_270, %get3A_208 : vector<16xf32>
          %max3A_277 = arith.constant 0.000000e+00 : f32
          %max3A_278 = vector.broadcast %max3A_277 : f32 to vector<16xf32>
          %max3A_279 = arith.maximumf %add3A_276, %max3A_278 : vector<16xf32>
          %add3A_280 = arith.addf %while3A_260, %max3A_279 : vector<16xf32>
          scf.yield %add3A_275, %add3A_280 : vector<16xf32>, vector<16xf32>
        }
        %add3A_251 = arith.addf %while3A_250#0, %parallel_loop3A_237#2 : vector<16xf32>
        %add3A_252 = arith.addf %while3A_250#1, %parallel_loop3A_237#3 : vector<16xf32>
        %le3A = arith.cmpi sle, %squeeze3A_200, %add3A_158 : i32
        %convert_element_type3A_253 = arith.extui %le3A : i1 to i32
        %cond3A_254 = arith.constant 0 : i32
        %cond3A_255 = arith.cmpi ne, %convert_element_type3A_253, %cond3A_254 : i32
        scf.if %cond3A_255 {
          %sub3A_258 = arith.subi %squeeze3A_200, %squeeze3A_193 : i32
          %convert_element_type3A_259 = arith.sitofp %sub3A_258 : i32 to f32
          %broadcast_in_dim3A_260 = vector.broadcast %convert_element_type3A_259 : f32 to vector<16xf32>
          %max3A_261 = arith.constant 1.000000e+00 : f32
          %max3A_262 = vector.broadcast %max3A_261 : f32 to vector<16xf32>
          %max3A_263 = arith.maximumf %broadcast_in_dim3A_260, %max3A_262 : vector<16xf32>
          %div3A_264 = arith.divf %add3A_251, %max3A_263 : vector<16xf32>
          %mul3A_265 = arith.constant 128 : i32
          %mul3A_266 = arith.muli %while3A_186, %mul3A_265 : i32
          %swap3A = arith.index_cast %mul3A_266 : i32 to index
          %swap3A_267 = tpu.vector_load %arg11[%swap3A] {strides = array<i32>} : memref<40960xf32, #tpu.memory_space<vmem>>, vector<16xf32>,
          %swap3A_268 = vector.shape_cast %swap3A_267 : vector<16xf32> to vector<16xf32>
          %swap3A_269 = vector.shape_cast %div3A_264 : vector<16xf32> to vector<16xf32>
          tpu.vector_store %arg11[%swap3A], %swap3A_269 {strides = array<i32>} : memref<40960xf32, #tpu.memory_space<vmem>>, vector<16xf32>,
          %div3A_270 = arith.divf %add3A_252, %max3A_263 : vector<16xf32>
          %mul3A_271 = arith.constant 128 : i32
          %mul3A_272 = arith.muli %while3A_186, %mul3A_271 : i32
          %add3A_273 = arith.constant 16 : i32
          %add3A_274 = arith.addi %mul3A_272, %add3A_273 : i32
          %swap3A_275 = arith.index_cast %add3A_274 : i32 to index
          %swap3A_276 = tpu.vector_load %arg11[%swap3A_275] {strides = array<i32>} : memref<40960xf32, #tpu.memory_space<vmem>>, vector<16xf32>,
          %swap3A_277 = vector.shape_cast %swap3A_276 : vector<16xf32> to vector<16xf32>
          %swap3A_278 = vector.shape_cast %div3A_270 : vector<16xf32> to vector<16xf32>
          tpu.vector_store %arg11[%swap3A_275], %swap3A_278 {strides = array<i32>} : memref<40960xf32, #tpu.memory_space<vmem>>, vector<16xf32>,
          %gt3A_279 = arith.constant 0 : i32
          %gt3A_280 = arith.cmpi sgt, %sub3A_258, %gt3A_279 : i32
          %select_n3A_281 = arith.select %gt3A_280, %broadcast_in_dim3A_5, %broadcast_in_dim3A_3 : vector<16xf32>
          %mul3A_282 = arith.constant 128 : i32
          %mul3A_283 = arith.muli %while3A_186, %mul3A_282 : i32
          %add3A_284 = arith.constant 32 : i32
          %add3A_285 = arith.addi %mul3A_283, %add3A_284 : i32
          %swap3A_286 = arith.index_cast %add3A_285 : i32 to index
          %swap3A_287 = tpu.vector_load %arg11[%swap3A_286] {strides = array<i32>} : memref<40960xf32, #tpu.memory_space<vmem>>, vector<16xf32>,
          %swap3A_288 = vector.shape_cast %swap3A_287 : vector<16xf32> to vector<16xf32>
          %swap3A_289 = vector.shape_cast %select_n3A_281 : vector<16xf32> to vector<16xf32>
          tpu.vector_store %arg11[%swap3A_286], %swap3A_289 {strides = array<i32>} : memref<40960xf32, #tpu.memory_space<vmem>>, vector<16xf32>,
        } else {
        }
        %select_n3A_256 = arith.select %le3A, %broadcast_in_dim3A_3, %add3A_251 : vector<16xf32>
        %select_n3A_257 = arith.select %le3A, %broadcast_in_dim3A_3, %add3A_252 : vector<16xf32>
        scf.yield %select_n3A_256, %select_n3A_257 : vector<16xf32>, vector<16xf32>
      }
      %while3A_173 = arith.constant 1 : i32
      %while3A_174:2 = scf.for %while3A_186 = %while3A_170 to %while3A_166 step %while3A_173 iter_args(%while3A_187 = %while3A_172#0, %while3A_188 = %while3A_172#1) -> (vector<16xf32>, vector<16xf32>)  : i32 {
        %get3A_189 = arith.index_cast %while3A_186 : i32 to index
        %get3A_190 = tpu.vector_load %arg10[%get3A_189] {strides = array<i32>} : memref<336xi32, #tpu.memory_space<vmem>>, vector<16xi32>,
        %get3A_191 = vector.shape_cast %get3A_190 : vector<16xi32> to vector<16xi32>
        %slice3A_192 = vector.extract_strided_slice %get3A_191 {offsets = [0], sizes = [1], strides = [1]} : vector<16xi32> to vector<1xi32>
        %squeeze3A_193 = vector.extract %slice3A_192[0] : i32 from vector<1xi32>
        %add3A_194 = arith.constant 1 : i32
        %add3A_195 = arith.addi %while3A_186, %add3A_194 : i32
        %get3A_196 = arith.index_cast %add3A_195 : i32 to index
        %get3A_197 = tpu.vector_load %arg10[%get3A_196] {strides = array<i32>} : memref<336xi32, #tpu.memory_space<vmem>>, vector<16xi32>,
        %get3A_198 = vector.shape_cast %get3A_197 : vector<16xi32> to vector<16xi32>
        %slice3A_199 = vector.extract_strided_slice %get3A_198 {offsets = [0], sizes = [1], strides = [1]} : vector<16xi32> to vector<1xi32>
        %squeeze3A_200 = vector.extract %slice3A_199[0] : i32 from vector<1xi32>
        %get3A_201 = arith.index_cast %while3A_186 : i32 to index
        %get3A_202 = arith.constant 0 : index
        %get3A_203 = tpu.vector_load %arg9[%get3A_201, %get3A_202] {strides = array<i32>} : memref<320x32xf32, #tpu.memory_space<vmem>>, vector<1x16xf32>,
        %get3A_204 = vector.shape_cast %get3A_203 : vector<1x16xf32> to vector<16xf32>
        %get3A_205 = arith.index_cast %while3A_186 : i32 to index
        %get3A_206 = arith.constant 16 : index
        %get3A_207 = tpu.vector_load %arg9[%get3A_205, %get3A_206] {strides = array<i32>} : memref<320x32xf32, #tpu.memory_space<vmem>>, vector<1x16xf32>,
        %get3A_208 = vector.shape_cast %get3A_207 : vector<1x16xf32> to vector<16xf32>
        %max3A = arith.maxsi %squeeze3A_193, %add3A_94 : i32
        %sub3A_209 = arith.subi %max3A, %add3A_94 : i32
        %min3A = arith.minsi %squeeze3A_200, %add3A_158 : i32
        %sub3A_210 = arith.subi %min3A, %add3A_94 : i32
        %sub3A_211 = arith.subi %sub3A_210, %sub3A_209 : i32
        %jit3A_212 = arith.constant 4 : i32
        %div3A_213 = arith.divsi %sub3A_211, %jit3A_212 : i32
        %sign3A_214 = arith.constant 0 : i32
        %sign3A_215 = arith.cmpi sgt, %sub3A_211, %sign3A_214 : i32
        %sign3A_216 = arith.extui %sign3A_215 : i1 to i32
        %sign3A_217 = arith.constant 0 : i32
        %sign3A_218 = arith.cmpi slt, %sub3A_211, %sign3A_217 : i32
        %sign3A_219 = arith.extui %sign3A_218 : i1 to i32
        %sign3A_220 = arith.subi %sign3A_216, %sign3A_219 : i32
        %sign3A_221 = arith.constant 0 : i32
        %sign3A_222 = arith.cmpi sgt, %jit3A_212, %sign3A_221 : i32
        %sign3A_223 = arith.extui %sign3A_222 : i1 to i32
        %sign3A_224 = arith.constant 0 : i32
        %sign3A_225 = arith.cmpi slt, %jit3A_212, %sign3A_224 : i32
        %sign3A_226 = arith.extui %sign3A_225 : i1 to i32
        %sign3A_227 = arith.subi %sign3A_223, %sign3A_226 : i32
        %ne3A_228 = arith.cmpi ne, %sign3A_220, %sign3A_227 : i32
        %rem3A_229 = arith.remsi %sub3A_211, %jit3A_212 : i32
        %ne3A_230 = arith.constant 0 : i32
        %ne3A_231 = arith.cmpi ne, %rem3A_229, %ne3A_230 : i32
        %and3A_232 = arith.andi %ne3A_228, %ne3A_231 : i1
        %sub3A_233 = arith.constant 1 : i32
        %sub3A_234 = arith.subi %div3A_213, %sub3A_233 : i32
        %select_n3A_235 = arith.select %and3A_232, %sub3A_234, %div3A_213 : i32
        %parallel_loop3A = arith.constant 0 : i32
        %parallel_loop3A_236 = arith.constant 1 : i32
        %parallel_loop3A_237:4 = scf.for %parallel_loop3A_258 = %parallel_loop3A to %select_n3A_235 step %parallel_loop3A_236 iter_args(%parallel_loop3A_259 = %while3A_187, %parallel_loop3A_260 = %while3A_188, %parallel_loop3A_261 = %broadcast_in_dim3A_3, %parallel_loop3A_262 = %broadcast_in_dim3A_3) -> (vector<16xf32>, vector<16xf32>, vector<16xf32>, vector<16xf32>)  : i32 {
          %parallel_loop3A_263 = arith.addi %mul3A_156, %sub3A_209 : i32
          %parallel_loop3A_264 = arith.constant 4 : i32
          %parallel_loop3A_265 = arith.muli %parallel_loop3A_258, %parallel_loop3A_264 : i32
          %parallel_loop3A_266 = arith.addi %parallel_loop3A_263, %parallel_loop3A_265 : i32
          %parallel_loop3A_267 = arith.index_cast %parallel_loop3A_266 : i32 to index
          %parallel_loop3A_268 = arith.constant 0 : index
          %parallel_loop3A_269 = tpu.vector_load %arg8[%parallel_loop3A_267, %parallel_loop3A_268] {strides = array<i32>} : memref<2048x32xf32, #tpu.memory_space<vmem>>, vector<1x16xf32>,
          %parallel_loop3A_270 = vector.shape_cast %parallel_loop3A_269 : vector<1x16xf32> to vector<16xf32>
          %parallel_loop3A_271 = arith.index_cast %parallel_loop3A_266 : i32 to index
          %parallel_loop3A_272 = arith.constant 16 : index
          %parallel_loop3A_273 = tpu.vector_load %arg8[%parallel_loop3A_271, %parallel_loop3A_272] {strides = array<i32>} : memref<2048x32xf32, #tpu.memory_space<vmem>>, vector<1x16xf32>,
          %parallel_loop3A_274 = vector.shape_cast %parallel_loop3A_273 : vector<1x16xf32> to vector<16xf32>
          %parallel_loop3A_275 = arith.constant 1 : i32
          %parallel_loop3A_276 = arith.addi %parallel_loop3A_266, %parallel_loop3A_275 : i32
          %parallel_loop3A_277 = arith.index_cast %parallel_loop3A_276 : i32 to index
          %parallel_loop3A_278 = arith.constant 0 : index
          %parallel_loop3A_279 = tpu.vector_load %arg8[%parallel_loop3A_277, %parallel_loop3A_278] {strides = array<i32>} : memref<2048x32xf32, #tpu.memory_space<vmem>>, vector<1x16xf32>,
          %parallel_loop3A_280 = vector.shape_cast %parallel_loop3A_279 : vector<1x16xf32> to vector<16xf32>
          %parallel_loop3A_281 = arith.constant 1 : i32
          %parallel_loop3A_282 = arith.addi %parallel_loop3A_266, %parallel_loop3A_281 : i32
          %parallel_loop3A_283 = arith.index_cast %parallel_loop3A_282 : i32 to index
          %parallel_loop3A_284 = arith.constant 16 : index
          %parallel_loop3A_285 = tpu.vector_load %arg8[%parallel_loop3A_283, %parallel_loop3A_284] {strides = array<i32>} : memref<2048x32xf32, #tpu.memory_space<vmem>>, vector<1x16xf32>,
          %parallel_loop3A_286 = vector.shape_cast %parallel_loop3A_285 : vector<1x16xf32> to vector<16xf32>
          %parallel_loop3A_287 = arith.constant 2 : i32
          %parallel_loop3A_288 = arith.addi %parallel_loop3A_266, %parallel_loop3A_287 : i32
          %parallel_loop3A_289 = arith.index_cast %parallel_loop3A_288 : i32 to index
          %parallel_loop3A_290 = arith.constant 0 : index
          %parallel_loop3A_291 = tpu.vector_load %arg8[%parallel_loop3A_289, %parallel_loop3A_290] {strides = array<i32>} : memref<2048x32xf32, #tpu.memory_space<vmem>>, vector<1x16xf32>,
          %parallel_loop3A_292 = vector.shape_cast %parallel_loop3A_291 : vector<1x16xf32> to vector<16xf32>
          %parallel_loop3A_293 = arith.constant 2 : i32
          %parallel_loop3A_294 = arith.addi %parallel_loop3A_266, %parallel_loop3A_293 : i32
          %parallel_loop3A_295 = arith.index_cast %parallel_loop3A_294 : i32 to index
          %parallel_loop3A_296 = arith.constant 16 : index
          %parallel_loop3A_297 = tpu.vector_load %arg8[%parallel_loop3A_295, %parallel_loop3A_296] {strides = array<i32>} : memref<2048x32xf32, #tpu.memory_space<vmem>>, vector<1x16xf32>,
          %parallel_loop3A_298 = vector.shape_cast %parallel_loop3A_297 : vector<1x16xf32> to vector<16xf32>
          %parallel_loop3A_299 = arith.constant 3 : i32
          %parallel_loop3A_300 = arith.addi %parallel_loop3A_266, %parallel_loop3A_299 : i32
          %parallel_loop3A_301 = arith.index_cast %parallel_loop3A_300 : i32 to index
          %parallel_loop3A_302 = arith.constant 0 : index
          %parallel_loop3A_303 = tpu.vector_load %arg8[%parallel_loop3A_301, %parallel_loop3A_302] {strides = array<i32>} : memref<2048x32xf32, #tpu.memory_space<vmem>>, vector<1x16xf32>,
          %parallel_loop3A_304 = vector.shape_cast %parallel_loop3A_303 : vector<1x16xf32> to vector<16xf32>
          %parallel_loop3A_305 = arith.constant 3 : i32
          %parallel_loop3A_306 = arith.addi %parallel_loop3A_266, %parallel_loop3A_305 : i32
          %parallel_loop3A_307 = arith.index_cast %parallel_loop3A_306 : i32 to index
          %parallel_loop3A_308 = arith.constant 16 : index
          %parallel_loop3A_309 = tpu.vector_load %arg8[%parallel_loop3A_307, %parallel_loop3A_308] {strides = array<i32>} : memref<2048x32xf32, #tpu.memory_space<vmem>>, vector<1x16xf32>,
          %parallel_loop3A_310 = vector.shape_cast %parallel_loop3A_309 : vector<1x16xf32> to vector<16xf32>
          %parallel_loop3A_311 = arith.addf %parallel_loop3A_270, %get3A_204 : vector<16xf32>
          %parallel_loop3A_312 = arith.constant 0.000000e+00 : f32
          %parallel_loop3A_313 = vector.broadcast %parallel_loop3A_312 : f32 to vector<16xf32>
          %parallel_loop3A_314 = arith.maximumf %parallel_loop3A_311, %parallel_loop3A_313 : vector<16xf32>
          %parallel_loop3A_315 = arith.addf %parallel_loop3A_259, %parallel_loop3A_314 : vector<16xf32>
          %parallel_loop3A_316 = arith.addf %parallel_loop3A_274, %get3A_208 : vector<16xf32>
          %parallel_loop3A_317 = arith.constant 0.000000e+00 : f32
          %parallel_loop3A_318 = vector.broadcast %parallel_loop3A_317 : f32 to vector<16xf32>
          %parallel_loop3A_319 = arith.maximumf %parallel_loop3A_316, %parallel_loop3A_318 : vector<16xf32>
          %parallel_loop3A_320 = arith.addf %parallel_loop3A_260, %parallel_loop3A_319 : vector<16xf32>
          %parallel_loop3A_321 = arith.addf %parallel_loop3A_280, %get3A_204 : vector<16xf32>
          %parallel_loop3A_322 = arith.constant 0.000000e+00 : f32
          %parallel_loop3A_323 = vector.broadcast %parallel_loop3A_322 : f32 to vector<16xf32>
          %parallel_loop3A_324 = arith.maximumf %parallel_loop3A_321, %parallel_loop3A_323 : vector<16xf32>
          %parallel_loop3A_325 = arith.addf %parallel_loop3A_261, %parallel_loop3A_324 : vector<16xf32>
          %parallel_loop3A_326 = arith.addf %parallel_loop3A_286, %get3A_208 : vector<16xf32>
          %parallel_loop3A_327 = arith.constant 0.000000e+00 : f32
          %parallel_loop3A_328 = vector.broadcast %parallel_loop3A_327 : f32 to vector<16xf32>
          %parallel_loop3A_329 = arith.maximumf %parallel_loop3A_326, %parallel_loop3A_328 : vector<16xf32>
          %parallel_loop3A_330 = arith.addf %parallel_loop3A_262, %parallel_loop3A_329 : vector<16xf32>
          %parallel_loop3A_331 = arith.addf %parallel_loop3A_292, %get3A_204 : vector<16xf32>
          %parallel_loop3A_332 = arith.constant 0.000000e+00 : f32
          %parallel_loop3A_333 = vector.broadcast %parallel_loop3A_332 : f32 to vector<16xf32>
          %parallel_loop3A_334 = arith.maximumf %parallel_loop3A_331, %parallel_loop3A_333 : vector<16xf32>
          %parallel_loop3A_335 = arith.addf %parallel_loop3A_315, %parallel_loop3A_334 : vector<16xf32>
          %parallel_loop3A_336 = arith.addf %parallel_loop3A_298, %get3A_208 : vector<16xf32>
          %parallel_loop3A_337 = arith.constant 0.000000e+00 : f32
          %parallel_loop3A_338 = vector.broadcast %parallel_loop3A_337 : f32 to vector<16xf32>
          %parallel_loop3A_339 = arith.maximumf %parallel_loop3A_336, %parallel_loop3A_338 : vector<16xf32>
          %parallel_loop3A_340 = arith.addf %parallel_loop3A_320, %parallel_loop3A_339 : vector<16xf32>
          %parallel_loop3A_341 = arith.addf %parallel_loop3A_304, %get3A_204 : vector<16xf32>
          %parallel_loop3A_342 = arith.constant 0.000000e+00 : f32
          %parallel_loop3A_343 = vector.broadcast %parallel_loop3A_342 : f32 to vector<16xf32>
          %parallel_loop3A_344 = arith.maximumf %parallel_loop3A_341, %parallel_loop3A_343 : vector<16xf32>
          %parallel_loop3A_345 = arith.addf %parallel_loop3A_325, %parallel_loop3A_344 : vector<16xf32>
          %parallel_loop3A_346 = arith.addf %parallel_loop3A_310, %get3A_208 : vector<16xf32>
          %parallel_loop3A_347 = arith.constant 0.000000e+00 : f32
          %parallel_loop3A_348 = vector.broadcast %parallel_loop3A_347 : f32 to vector<16xf32>
          %parallel_loop3A_349 = arith.maximumf %parallel_loop3A_346, %parallel_loop3A_348 : vector<16xf32>
          %parallel_loop3A_350 = arith.addf %parallel_loop3A_330, %parallel_loop3A_349 : vector<16xf32>
          scf.yield %parallel_loop3A_335, %parallel_loop3A_340, %parallel_loop3A_345, %parallel_loop3A_350 : vector<16xf32>, vector<16xf32>, vector<16xf32>, vector<16xf32>
        } {sc.loop_unroll_factor = 2 : i64, sc.parallel_access}
        %mul3A_238 = arith.constant 4 : i32
        %mul3A_239 = arith.muli %select_n3A_235, %mul3A_238 : i32
        %add3A_240 = arith.addi %sub3A_209, %mul3A_239 : i32
        %while3A_241 = arith.subi %sub3A_210, %add3A_240 : i32
        %while3A_242 = arith.addi %add3A_240, %while3A_241 : i32
        %while3A_243 = arith.constant 1 : i32
        %while3A_244 = arith.divsi %while3A_241, %while3A_243 : i32
        %while3A_245 = arith.muli %while3A_244, %while3A_243 : i32
        %while3A_246 = arith.addi %add3A_240, %while3A_245 : i32
        %while3A_247 = arith.constant 1 : i32
        %while3A_248:2 = scf.for %while3A_258 = %add3A_240 to %while3A_246 step %while3A_247 iter_args(%while3A_259 = %parallel_loop3A_237#0, %while3A_260 = %parallel_loop3A_237#1) -> (vector<16xf32>, vector<16xf32>)  : i32 {
          %add3A_261 = arith.addi %mul3A_156, %while3A_258 : i32
          %get3A_262 = arith.index_cast %add3A_261 : i32 to index
          %get3A_263 = arith.constant 0 : index
          %get3A_264 = tpu.vector_load %arg8[%get3A_262, %get3A_263] {strides = array<i32>} : memref<2048x32xf32, #tpu.memory_space<vmem>>, vector<1x16xf32>,
          %get3A_265 = vector.shape_cast %get3A_264 : vector<1x16xf32> to vector<16xf32>
          %add3A_266 = arith.addi %mul3A_156, %while3A_258 : i32
          %get3A_267 = arith.index_cast %add3A_266 : i32 to index
          %get3A_268 = arith.constant 16 : index
          %get3A_269 = tpu.vector_load %arg8[%get3A_267, %get3A_268] {strides = array<i32>} : memref<2048x32xf32, #tpu.memory_space<vmem>>, vector<1x16xf32>,
          %get3A_270 = vector.shape_cast %get3A_269 : vector<1x16xf32> to vector<16xf32>
          %add3A_271 = arith.addf %get3A_265, %get3A_204 : vector<16xf32>
          %max3A_272 = arith.constant 0.000000e+00 : f32
          %max3A_273 = vector.broadcast %max3A_272 : f32 to vector<16xf32>
          %max3A_274 = arith.maximumf %add3A_271, %max3A_273 : vector<16xf32>
          %add3A_275 = arith.addf %while3A_259, %max3A_274 : vector<16xf32>
          %add3A_276 = arith.addf %get3A_270, %get3A_208 : vector<16xf32>
          %max3A_277 = arith.constant 0.000000e+00 : f32
          %max3A_278 = vector.broadcast %max3A_277 : f32 to vector<16xf32>
          %max3A_279 = arith.maximumf %add3A_276, %max3A_278 : vector<16xf32>
          %add3A_280 = arith.addf %while3A_260, %max3A_279 : vector<16xf32>
          scf.yield %add3A_275, %add3A_280 : vector<16xf32>, vector<16xf32>
        }
        %while3A_249 = arith.constant 1 : i32
        %while3A_250:2 = scf.for %while3A_258 = %while3A_246 to %while3A_242 step %while3A_249 iter_args(%while3A_259 = %while3A_248#0, %while3A_260 = %while3A_248#1) -> (vector<16xf32>, vector<16xf32>)  : i32 {
          %add3A_261 = arith.addi %mul3A_156, %while3A_258 : i32
          %get3A_262 = arith.index_cast %add3A_261 : i32 to index
          %get3A_263 = arith.constant 0 : index
          %get3A_264 = tpu.vector_load %arg8[%get3A_262, %get3A_263] {strides = array<i32>} : memref<2048x32xf32, #tpu.memory_space<vmem>>, vector<1x16xf32>,
          %get3A_265 = vector.shape_cast %get3A_264 : vector<1x16xf32> to vector<16xf32>
          %add3A_266 = arith.addi %mul3A_156, %while3A_258 : i32
          %get3A_267 = arith.index_cast %add3A_266 : i32 to index
          %get3A_268 = arith.constant 16 : index
          %get3A_269 = tpu.vector_load %arg8[%get3A_267, %get3A_268] {strides = array<i32>} : memref<2048x32xf32, #tpu.memory_space<vmem>>, vector<1x16xf32>,
          %get3A_270 = vector.shape_cast %get3A_269 : vector<1x16xf32> to vector<16xf32>
          %add3A_271 = arith.addf %get3A_265, %get3A_204 : vector<16xf32>
          %max3A_272 = arith.constant 0.000000e+00 : f32
          %max3A_273 = vector.broadcast %max3A_272 : f32 to vector<16xf32>
          %max3A_274 = arith.maximumf %add3A_271, %max3A_273 : vector<16xf32>
          %add3A_275 = arith.addf %while3A_259, %max3A_274 : vector<16xf32>
          %add3A_276 = arith.addf %get3A_270, %get3A_208 : vector<16xf32>
          %max3A_277 = arith.constant 0.000000e+00 : f32
          %max3A_278 = vector.broadcast %max3A_277 : f32 to vector<16xf32>
          %max3A_279 = arith.maximumf %add3A_276, %max3A_278 : vector<16xf32>
          %add3A_280 = arith.addf %while3A_260, %max3A_279 : vector<16xf32>
          scf.yield %add3A_275, %add3A_280 : vector<16xf32>, vector<16xf32>
        }
        %add3A_251 = arith.addf %while3A_250#0, %parallel_loop3A_237#2 : vector<16xf32>
        %add3A_252 = arith.addf %while3A_250#1, %parallel_loop3A_237#3 : vector<16xf32>
        %le3A = arith.cmpi sle, %squeeze3A_200, %add3A_158 : i32
        %convert_element_type3A_253 = arith.extui %le3A : i1 to i32
        %cond3A_254 = arith.constant 0 : i32
        %cond3A_255 = arith.cmpi ne, %convert_element_type3A_253, %cond3A_254 : i32
        scf.if %cond3A_255 {
          %sub3A_258 = arith.subi %squeeze3A_200, %squeeze3A_193 : i32
          %convert_element_type3A_259 = arith.sitofp %sub3A_258 : i32 to f32
          %broadcast_in_dim3A_260 = vector.broadcast %convert_element_type3A_259 : f32 to vector<16xf32>
          %max3A_261 = arith.constant 1.000000e+00 : f32
          %max3A_262 = vector.broadcast %max3A_261 : f32 to vector<16xf32>
          %max3A_263 = arith.maximumf %broadcast_in_dim3A_260, %max3A_262 : vector<16xf32>
          %div3A_264 = arith.divf %add3A_251, %max3A_263 : vector<16xf32>
          %mul3A_265 = arith.constant 128 : i32
          %mul3A_266 = arith.muli %while3A_186, %mul3A_265 : i32
          %swap3A = arith.index_cast %mul3A_266 : i32 to index
          %swap3A_267 = tpu.vector_load %arg11[%swap3A] {strides = array<i32>} : memref<40960xf32, #tpu.memory_space<vmem>>, vector<16xf32>,
          %swap3A_268 = vector.shape_cast %swap3A_267 : vector<16xf32> to vector<16xf32>
          %swap3A_269 = vector.shape_cast %div3A_264 : vector<16xf32> to vector<16xf32>
          tpu.vector_store %arg11[%swap3A], %swap3A_269 {strides = array<i32>} : memref<40960xf32, #tpu.memory_space<vmem>>, vector<16xf32>,
          %div3A_270 = arith.divf %add3A_252, %max3A_263 : vector<16xf32>
          %mul3A_271 = arith.constant 128 : i32
          %mul3A_272 = arith.muli %while3A_186, %mul3A_271 : i32
          %add3A_273 = arith.constant 16 : i32
          %add3A_274 = arith.addi %mul3A_272, %add3A_273 : i32
          %swap3A_275 = arith.index_cast %add3A_274 : i32 to index
          %swap3A_276 = tpu.vector_load %arg11[%swap3A_275] {strides = array<i32>} : memref<40960xf32, #tpu.memory_space<vmem>>, vector<16xf32>,
          %swap3A_277 = vector.shape_cast %swap3A_276 : vector<16xf32> to vector<16xf32>
          %swap3A_278 = vector.shape_cast %div3A_270 : vector<16xf32> to vector<16xf32>
          tpu.vector_store %arg11[%swap3A_275], %swap3A_278 {strides = array<i32>} : memref<40960xf32, #tpu.memory_space<vmem>>, vector<16xf32>,
          %gt3A_279 = arith.constant 0 : i32
          %gt3A_280 = arith.cmpi sgt, %sub3A_258, %gt3A_279 : i32
          %select_n3A_281 = arith.select %gt3A_280, %broadcast_in_dim3A_5, %broadcast_in_dim3A_3 : vector<16xf32>
          %mul3A_282 = arith.constant 128 : i32
          %mul3A_283 = arith.muli %while3A_186, %mul3A_282 : i32
          %add3A_284 = arith.constant 32 : i32
          %add3A_285 = arith.addi %mul3A_283, %add3A_284 : i32
          %swap3A_286 = arith.index_cast %add3A_285 : i32 to index
          %swap3A_287 = tpu.vector_load %arg11[%swap3A_286] {strides = array<i32>} : memref<40960xf32, #tpu.memory_space<vmem>>, vector<16xf32>,
          %swap3A_288 = vector.shape_cast %swap3A_287 : vector<16xf32> to vector<16xf32>
          %swap3A_289 = vector.shape_cast %select_n3A_281 : vector<16xf32> to vector<16xf32>
          tpu.vector_store %arg11[%swap3A_286], %swap3A_289 {strides = array<i32>} : memref<40960xf32, #tpu.memory_space<vmem>>, vector<16xf32>,
        } else {
        }
        %select_n3A_256 = arith.select %le3A, %broadcast_in_dim3A_3, %add3A_251 : vector<16xf32>
        %select_n3A_257 = arith.select %le3A, %broadcast_in_dim3A_3, %add3A_252 : vector<16xf32>
        scf.yield %select_n3A_256, %select_n3A_257 : vector<16xf32>, vector<16xf32>
      }
      %get3A_175 = arith.index_cast %scan3A_163#0 : i32 to index
      %get3A_176 = tpu.vector_load %arg10[%get3A_175] {strides = array<i32>} : memref<336xi32, #tpu.memory_space<vmem>>, vector<16xi32>,
      %get3A_177 = vector.shape_cast %get3A_176 : vector<16xi32> to vector<16xi32>
      %slice3A_178 = vector.extract_strided_slice %get3A_177 {offsets = [0], sizes = [1], strides = [1]} : vector<16xi32> to vector<1xi32>
      %squeeze3A_179 = vector.extract %slice3A_178[0] : i32 from vector<1xi32>
      %gt3A_180 = arith.cmpi sgt, %scan3A_163#0, %while3A_89 : i32
      %gt3A_181 = arith.cmpi sgt, %squeeze3A_179, %add3A_158 : i32
      %and3A_182 = arith.andi %gt3A_180, %gt3A_181 : i1
      %sub3A_183 = arith.constant 1 : i32
      %sub3A_184 = arith.subi %scan3A_163#0, %sub3A_183 : i32
      %select_n3A_185 = arith.select %and3A_182, %sub3A_184, %scan3A_163#0 : i32
      scf.yield %select_n3A_185, %while3A_174#0, %while3A_174#1 : i32, vector<16xf32>, vector<16xf32>
    }
    %while3A_74 = arith.constant 1 : i32
    %while3A_75:3 = scf.for %while3A_88 = %while3A_71 to %while3A_67 step %while3A_74 iter_args(%while3A_89 = %while3A_73#0, %while3A_90 = %while3A_73#1, %while3A_91 = %while3A_73#2) -> (i32, vector<16xf32>, vector<16xf32>)  : i32 {
      %mul3A_92 = arith.constant 1024 : i32
      %mul3A_93 = arith.muli %while3A_88, %mul3A_92 : i32
      %add3A_94 = arith.addi %mul3A_30, %mul3A_93 : i32
      %jit3A_95 = arith.constant 2 : i32
      %eq3A = arith.constant 0 : i32
      %eq3A_96 = arith.cmpi eq, %jit3A_95, %eq3A : i32
      %jit3A_97 = arith.constant 1 : i32
      %select_n3A_98 = arith.select %eq3A_96, %jit3A_97, %jit3A_95 : i32
      %rem3A_99 = arith.remsi %while3A_88, %select_n3A_98 : i32
      %ne3A_100 = arith.constant 0 : i32
      %ne3A_101 = arith.cmpi ne, %rem3A_99, %ne3A_100 : i32
      %lt3A = arith.constant 0 : i32
      %lt3A_102 = arith.cmpi slt, %rem3A_99, %lt3A : i32
      %lt3A_103 = arith.constant 0 : i32
      %lt3A_104 = arith.cmpi slt, %select_n3A_98, %lt3A_103 : i32
      %ne3A_105 = arith.xori %lt3A_102, %lt3A_104 : i1
      %and3A_106 = arith.andi %ne3A_105, %ne3A_101 : i1
      %add3A_107 = arith.addi %rem3A_99, %select_n3A_98 : i32
      %select_n3A_108 = arith.select %and3A_106, %add3A_107, %rem3A_99 : i32
      %eq3A_109 = arith.constant 0 : i32
      %eq3A_110 = arith.cmpi eq, %select_n3A_108, %eq3A_109 : i32
      %convert_element_type3A_111 = arith.extui %eq3A_110 : i1 to i32
      %cond3A_112 = arith.constant 0 : i32
      %cond3A_113 = arith.cmpi ne, %convert_element_type3A_111, %cond3A_112 : i32
      scf.if %cond3A_113 {
        %dma_wait3A = arith.constant 0 : i32
        %dma_wait3A_186 = arith.constant 0 : i32
        %dma_wait3A_187 = arith.constant 0 : i32
        %dma_wait3A_188 = tpu.memref_slice %arg8[%dma_wait3A_186, %dma_wait3A_187] : memref<2048x32xf32, #tpu.memory_space<vmem>> -> memref<128x32xf32, #tpu.memory_space<vmem>>
        %dma_wait3A_189 = arith.constant 0 : i32
        %dma_wait3A_190 = tpu.memref_slice %arg7[%dma_wait3A, %dma_wait3A_189] : memref<16x128xi32, #tpu.memory_space<vmem>> -> memref<1x128xi32, #tpu.memory_space<vmem>>
        %dma_wait3A_191 = tpu.memref_squeeze %dma_wait3A_190 : memref<1x128xi32, #tpu.memory_space<vmem>> -> memref<128xi32, #tpu.memory_space<vmem>>
        %dma_wait3A_192 = arith.constant 0 : i32
        %dma_wait3A_193 = arith.constant 0 : i32
        %dma_wait3A_194 = tpu.memref_slice %arg2[%dma_wait3A_192, %dma_wait3A_193] : memref<10240x32xf32, #tpu.memory_space<hbm>> -> memref<10240x32xf32, #tpu.memory_space<hbm>>
        tpu.wait_indirect_dma semaphore(%arg12 : memref<!tpu.dma_semaphore, #tpu.memory_space<semaphore_mem>>) src(%dma_wait3A_194 : memref<10240x32xf32, #tpu.memory_space<hbm>>) dst(%dma_wait3A_188 : memref<128x32xf32, #tpu.memory_space<vmem>>)
        %dma_wait3A_195 = arith.constant 1 : i32
        %dma_wait3A_196 = arith.constant 128 : i32
        %dma_wait3A_197 = arith.constant 0 : i32
        %dma_wait3A_198 = tpu.memref_slice %arg8[%dma_wait3A_196, %dma_wait3A_197] : memref<2048x32xf32, #tpu.memory_space<vmem>> -> memref<128x32xf32, #tpu.memory_space<vmem>>
        %dma_wait3A_199 = arith.constant 0 : i32
        %dma_wait3A_200 = tpu.memref_slice %arg7[%dma_wait3A_195, %dma_wait3A_199] : memref<16x128xi32, #tpu.memory_space<vmem>> -> memref<1x128xi32, #tpu.memory_space<vmem>>
        %dma_wait3A_201 = tpu.memref_squeeze %dma_wait3A_200 : memref<1x128xi32, #tpu.memory_space<vmem>> -> memref<128xi32, #tpu.memory_space<vmem>>
        %dma_wait3A_202 = arith.constant 0 : i32
        %dma_wait3A_203 = arith.constant 0 : i32
        %dma_wait3A_204 = tpu.memref_slice %arg2[%dma_wait3A_202, %dma_wait3A_203] : memref<10240x32xf32, #tpu.memory_space<hbm>> -> memref<10240x32xf32, #tpu.memory_space<hbm>>
        tpu.wait_indirect_dma semaphore(%arg12 : memref<!tpu.dma_semaphore, #tpu.memory_space<semaphore_mem>>) src(%dma_wait3A_204 : memref<10240x32xf32, #tpu.memory_space<hbm>>) dst(%dma_wait3A_198 : memref<128x32xf32, #tpu.memory_space<vmem>>)
        %dma_wait3A_205 = arith.constant 2 : i32
        %dma_wait3A_206 = arith.constant 256 : i32
        %dma_wait3A_207 = arith.constant 0 : i32
        %dma_wait3A_208 = tpu.memref_slice %arg8[%dma_wait3A_206, %dma_wait3A_207] : memref<2048x32xf32, #tpu.memory_space<vmem>> -> memref<128x32xf32, #tpu.memory_space<vmem>>
        %dma_wait3A_209 = arith.constant 0 : i32
        %dma_wait3A_210 = tpu.memref_slice %arg7[%dma_wait3A_205, %dma_wait3A_209] : memref<16x128xi32, #tpu.memory_space<vmem>> -> memref<1x128xi32, #tpu.memory_space<vmem>>
        %dma_wait3A_211 = tpu.memref_squeeze %dma_wait3A_210 : memref<1x128xi32, #tpu.memory_space<vmem>> -> memref<128xi32, #tpu.memory_space<vmem>>
        %dma_wait3A_212 = arith.constant 0 : i32
        %dma_wait3A_213 = arith.constant 0 : i32
        %dma_wait3A_214 = tpu.memref_slice %arg2[%dma_wait3A_212, %dma_wait3A_213] : memref<10240x32xf32, #tpu.memory_space<hbm>> -> memref<10240x32xf32, #tpu.memory_space<hbm>>
        tpu.wait_indirect_dma semaphore(%arg12 : memref<!tpu.dma_semaphore, #tpu.memory_space<semaphore_mem>>) src(%dma_wait3A_214 : memref<10240x32xf32, #tpu.memory_space<hbm>>) dst(%dma_wait3A_208 : memref<128x32xf32, #tpu.memory_space<vmem>>)
        %dma_wait3A_215 = arith.constant 3 : i32
        %dma_wait3A_216 = arith.constant 384 : i32
        %dma_wait3A_217 = arith.constant 0 : i32
        %dma_wait3A_218 = tpu.memref_slice %arg8[%dma_wait3A_216, %dma_wait3A_217] : memref<2048x32xf32, #tpu.memory_space<vmem>> -> memref<128x32xf32, #tpu.memory_space<vmem>>
        %dma_wait3A_219 = arith.constant 0 : i32
        %dma_wait3A_220 = tpu.memref_slice %arg7[%dma_wait3A_215, %dma_wait3A_219] : memref<16x128xi32, #tpu.memory_space<vmem>> -> memref<1x128xi32, #tpu.memory_space<vmem>>
        %dma_wait3A_221 = tpu.memref_squeeze %dma_wait3A_220 : memref<1x128xi32, #tpu.memory_space<vmem>> -> memref<128xi32, #tpu.memory_space<vmem>>
        %dma_wait3A_222 = arith.constant 0 : i32
        %dma_wait3A_223 = arith.constant 0 : i32
        %dma_wait3A_224 = tpu.memref_slice %arg2[%dma_wait3A_222, %dma_wait3A_223] : memref<10240x32xf32, #tpu.memory_space<hbm>> -> memref<10240x32xf32, #tpu.memory_space<hbm>>
        tpu.wait_indirect_dma semaphore(%arg12 : memref<!tpu.dma_semaphore, #tpu.memory_space<semaphore_mem>>) src(%dma_wait3A_224 : memref<10240x32xf32, #tpu.memory_space<hbm>>) dst(%dma_wait3A_218 : memref<128x32xf32, #tpu.memory_space<vmem>>)
        %dma_wait3A_225 = arith.constant 4 : i32
        %dma_wait3A_226 = arith.constant 512 : i32
        %dma_wait3A_227 = arith.constant 0 : i32
        %dma_wait3A_228 = tpu.memref_slice %arg8[%dma_wait3A_226, %dma_wait3A_227] : memref<2048x32xf32, #tpu.memory_space<vmem>> -> memref<128x32xf32, #tpu.memory_space<vmem>>
        %dma_wait3A_229 = arith.constant 0 : i32
        %dma_wait3A_230 = tpu.memref_slice %arg7[%dma_wait3A_225, %dma_wait3A_229] : memref<16x128xi32, #tpu.memory_space<vmem>> -> memref<1x128xi32, #tpu.memory_space<vmem>>
        %dma_wait3A_231 = tpu.memref_squeeze %dma_wait3A_230 : memref<1x128xi32, #tpu.memory_space<vmem>> -> memref<128xi32, #tpu.memory_space<vmem>>
        %dma_wait3A_232 = arith.constant 0 : i32
        %dma_wait3A_233 = arith.constant 0 : i32
        %dma_wait3A_234 = tpu.memref_slice %arg2[%dma_wait3A_232, %dma_wait3A_233] : memref<10240x32xf32, #tpu.memory_space<hbm>> -> memref<10240x32xf32, #tpu.memory_space<hbm>>
        tpu.wait_indirect_dma semaphore(%arg12 : memref<!tpu.dma_semaphore, #tpu.memory_space<semaphore_mem>>) src(%dma_wait3A_234 : memref<10240x32xf32, #tpu.memory_space<hbm>>) dst(%dma_wait3A_228 : memref<128x32xf32, #tpu.memory_space<vmem>>)
        %dma_wait3A_235 = arith.constant 5 : i32
        %dma_wait3A_236 = arith.constant 640 : i32
        %dma_wait3A_237 = arith.constant 0 : i32
        %dma_wait3A_238 = tpu.memref_slice %arg8[%dma_wait3A_236, %dma_wait3A_237] : memref<2048x32xf32, #tpu.memory_space<vmem>> -> memref<128x32xf32, #tpu.memory_space<vmem>>
        %dma_wait3A_239 = arith.constant 0 : i32
        %dma_wait3A_240 = tpu.memref_slice %arg7[%dma_wait3A_235, %dma_wait3A_239] : memref<16x128xi32, #tpu.memory_space<vmem>> -> memref<1x128xi32, #tpu.memory_space<vmem>>
        %dma_wait3A_241 = tpu.memref_squeeze %dma_wait3A_240 : memref<1x128xi32, #tpu.memory_space<vmem>> -> memref<128xi32, #tpu.memory_space<vmem>>
        %dma_wait3A_242 = arith.constant 0 : i32
        %dma_wait3A_243 = arith.constant 0 : i32
        %dma_wait3A_244 = tpu.memref_slice %arg2[%dma_wait3A_242, %dma_wait3A_243] : memref<10240x32xf32, #tpu.memory_space<hbm>> -> memref<10240x32xf32, #tpu.memory_space<hbm>>
        tpu.wait_indirect_dma semaphore(%arg12 : memref<!tpu.dma_semaphore, #tpu.memory_space<semaphore_mem>>) src(%dma_wait3A_244 : memref<10240x32xf32, #tpu.memory_space<hbm>>) dst(%dma_wait3A_238 : memref<128x32xf32, #tpu.memory_space<vmem>>)
        %dma_wait3A_245 = arith.constant 6 : i32
        %dma_wait3A_246 = arith.constant 768 : i32
        %dma_wait3A_247 = arith.constant 0 : i32
        %dma_wait3A_248 = tpu.memref_slice %arg8[%dma_wait3A_246, %dma_wait3A_247] : memref<2048x32xf32, #tpu.memory_space<vmem>> -> memref<128x32xf32, #tpu.memory_space<vmem>>
        %dma_wait3A_249 = arith.constant 0 : i32
        %dma_wait3A_250 = tpu.memref_slice %arg7[%dma_wait3A_245, %dma_wait3A_249] : memref<16x128xi32, #tpu.memory_space<vmem>> -> memref<1x128xi32, #tpu.memory_space<vmem>>
        %dma_wait3A_251 = tpu.memref_squeeze %dma_wait3A_250 : memref<1x128xi32, #tpu.memory_space<vmem>> -> memref<128xi32, #tpu.memory_space<vmem>>
        %dma_wait3A_252 = arith.constant 0 : i32
        %dma_wait3A_253 = arith.constant 0 : i32
        %dma_wait3A_254 = tpu.memref_slice %arg2[%dma_wait3A_252, %dma_wait3A_253] : memref<10240x32xf32, #tpu.memory_space<hbm>> -> memref<10240x32xf32, #tpu.memory_space<hbm>>
        tpu.wait_indirect_dma semaphore(%arg12 : memref<!tpu.dma_semaphore, #tpu.memory_space<semaphore_mem>>) src(%dma_wait3A_254 : memref<10240x32xf32, #tpu.memory_space<hbm>>) dst(%dma_wait3A_248 : memref<128x32xf32, #tpu.memory_space<vmem>>)
        %dma_wait3A_255 = arith.constant 7 : i32
        %dma_wait3A_256 = arith.constant 896 : i32
        %dma_wait3A_257 = arith.constant 0 : i32
        %dma_wait3A_258 = tpu.memref_slice %arg8[%dma_wait3A_256, %dma_wait3A_257] : memref<2048x32xf32, #tpu.memory_space<vmem>> -> memref<128x32xf32, #tpu.memory_space<vmem>>
        %dma_wait3A_259 = arith.constant 0 : i32
        %dma_wait3A_260 = tpu.memref_slice %arg7[%dma_wait3A_255, %dma_wait3A_259] : memref<16x128xi32, #tpu.memory_space<vmem>> -> memref<1x128xi32, #tpu.memory_space<vmem>>
        %dma_wait3A_261 = tpu.memref_squeeze %dma_wait3A_260 : memref<1x128xi32, #tpu.memory_space<vmem>> -> memref<128xi32, #tpu.memory_space<vmem>>
        %dma_wait3A_262 = arith.constant 0 : i32
        %dma_wait3A_263 = arith.constant 0 : i32
        %dma_wait3A_264 = tpu.memref_slice %arg2[%dma_wait3A_262, %dma_wait3A_263] : memref<10240x32xf32, #tpu.memory_space<hbm>> -> memref<10240x32xf32, #tpu.memory_space<hbm>>
        tpu.wait_indirect_dma semaphore(%arg12 : memref<!tpu.dma_semaphore, #tpu.memory_space<semaphore_mem>>) src(%dma_wait3A_264 : memref<10240x32xf32, #tpu.memory_space<hbm>>) dst(%dma_wait3A_258 : memref<128x32xf32, #tpu.memory_space<vmem>>)
      } else {
      }
      %eq3A_114 = arith.constant 0 : i32
      %eq3A_115 = arith.cmpi eq, %select_n3A_108, %eq3A_114 : i32
      %add3A_116 = arith.constant 1 : i32
      %add3A_117 = arith.addi %while3A_88, %add3A_116 : i32
      %lt3A_118 = arith.cmpi slt, %add3A_117, %select_n3A_57 : i32
      %and3A_119 = arith.andi %eq3A_115, %lt3A_118 : i1
      %convert_element_type3A_120 = arith.extui %and3A_119 : i1 to i32
      %cond3A_121 = arith.constant 0 : i32
      %cond3A_122 = arith.cmpi ne, %convert_element_type3A_120, %cond3A_121 : i32
      scf.if %cond3A_122 {
        %dma_wait3A = arith.constant 8 : i32
        %dma_wait3A_186 = arith.constant 0 : i32
        %dma_wait3A_187 = tpu.memref_slice %arg7[%dma_wait3A, %dma_wait3A_186] : memref<16x128xi32, #tpu.memory_space<vmem>> -> memref<8x128xi32, #tpu.memory_space<vmem>>
        %dma_wait3A_188 = arith.constant 0 : i32
        %dma_wait3A_189 = arith.constant 0 : i32
        %dma_wait3A_190 = tpu.memref_slice %arg4[%dma_wait3A_188, %dma_wait3A_189] : memref<2508x128xi32, #tpu.memory_space<hbm>> -> memref<8x128xi32, #tpu.memory_space<hbm>>
        %dma_wait3A_191 = arith.constant 8 : i32
        %dma_wait3A_192 = arith.constant 0 : i32
        %dma_wait3A_193 = tpu.memref_slice %arg7[%dma_wait3A_191, %dma_wait3A_192] : memref<16x128xi32, #tpu.memory_space<vmem>> -> memref<8x128xi32, #tpu.memory_space<vmem>>
        %dma_wait3A_194 = arith.constant 0 : i32
        %dma_wait3A_195 = arith.constant 0 : i32
        %dma_wait3A_196 = tpu.memref_slice %arg4[%dma_wait3A_194, %dma_wait3A_195] : memref<2508x128xi32, #tpu.memory_space<hbm>> -> memref<8x128xi32, #tpu.memory_space<hbm>>
        tpu.wait_dma2 semaphore(%arg15 : memref<!tpu.dma_semaphore, #tpu.memory_space<semaphore_mem>>) src(%dma_wait3A_196 : memref<8x128xi32, #tpu.memory_space<hbm>>) dst(%dma_wait3A_193 : memref<8x128xi32, #tpu.memory_space<vmem>>)
        %dma_start3A = arith.constant 8 : i32
        %dma_start3A_197 = arith.constant 1024 : i32
        %dma_start3A_198 = arith.constant 0 : i32
        %dma_start3A_199 = tpu.memref_slice %arg8[%dma_start3A_197, %dma_start3A_198] : memref<2048x32xf32, #tpu.memory_space<vmem>> -> memref<128x32xf32, #tpu.memory_space<vmem>>
        %dma_start3A_200 = arith.constant 0 : i32
        %dma_start3A_201 = tpu.memref_slice %arg7[%dma_start3A, %dma_start3A_200] : memref<16x128xi32, #tpu.memory_space<vmem>> -> memref<1x128xi32, #tpu.memory_space<vmem>>
        %dma_start3A_202 = tpu.memref_squeeze %dma_start3A_201 : memref<1x128xi32, #tpu.memory_space<vmem>> -> memref<128xi32, #tpu.memory_space<vmem>>
        %dma_start3A_203 = arith.constant 0 : i32
        %dma_start3A_204 = arith.constant 0 : i32
        %dma_start3A_205 = tpu.memref_slice %arg2[%dma_start3A_203, %dma_start3A_204] : memref<10240x32xf32, #tpu.memory_space<hbm>> -> memref<10240x32xf32, #tpu.memory_space<hbm>>
        tpu.enqueue_indirect_dma source(%dma_start3A_205 : memref<10240x32xf32, #tpu.memory_space<hbm>>) target(%dma_start3A_199 : memref<128x32xf32, #tpu.memory_space<vmem>>) offsets(%dma_start3A_202 : memref<128xi32, #tpu.memory_space<vmem>>) semaphore(%arg13 : memref<!tpu.dma_semaphore, #tpu.memory_space<semaphore_mem>>)
        %dma_start3A_206 = arith.constant 9 : i32
        %dma_start3A_207 = arith.constant 1152 : i32
        %dma_start3A_208 = arith.constant 0 : i32
        %dma_start3A_209 = tpu.memref_slice %arg8[%dma_start3A_207, %dma_start3A_208] : memref<2048x32xf32, #tpu.memory_space<vmem>> -> memref<128x32xf32, #tpu.memory_space<vmem>>
        %dma_start3A_210 = arith.constant 0 : i32
        %dma_start3A_211 = tpu.memref_slice %arg7[%dma_start3A_206, %dma_start3A_210] : memref<16x128xi32, #tpu.memory_space<vmem>> -> memref<1x128xi32, #tpu.memory_space<vmem>>
        %dma_start3A_212 = tpu.memref_squeeze %dma_start3A_211 : memref<1x128xi32, #tpu.memory_space<vmem>> -> memref<128xi32, #tpu.memory_space<vmem>>
        %dma_start3A_213 = arith.constant 0 : i32
        %dma_start3A_214 = arith.constant 0 : i32
        %dma_start3A_215 = tpu.memref_slice %arg2[%dma_start3A_213, %dma_start3A_214] : memref<10240x32xf32, #tpu.memory_space<hbm>> -> memref<10240x32xf32, #tpu.memory_space<hbm>>
        tpu.enqueue_indirect_dma source(%dma_start3A_215 : memref<10240x32xf32, #tpu.memory_space<hbm>>) target(%dma_start3A_209 : memref<128x32xf32, #tpu.memory_space<vmem>>) offsets(%dma_start3A_212 : memref<128xi32, #tpu.memory_space<vmem>>) semaphore(%arg13 : memref<!tpu.dma_semaphore, #tpu.memory_space<semaphore_mem>>)
        %dma_start3A_216 = arith.constant 10 : i32
        %dma_start3A_217 = arith.constant 1280 : i32
        %dma_start3A_218 = arith.constant 0 : i32
        %dma_start3A_219 = tpu.memref_slice %arg8[%dma_start3A_217, %dma_start3A_218] : memref<2048x32xf32, #tpu.memory_space<vmem>> -> memref<128x32xf32, #tpu.memory_space<vmem>>
        %dma_start3A_220 = arith.constant 0 : i32
        %dma_start3A_221 = tpu.memref_slice %arg7[%dma_start3A_216, %dma_start3A_220] : memref<16x128xi32, #tpu.memory_space<vmem>> -> memref<1x128xi32, #tpu.memory_space<vmem>>
        %dma_start3A_222 = tpu.memref_squeeze %dma_start3A_221 : memref<1x128xi32, #tpu.memory_space<vmem>> -> memref<128xi32, #tpu.memory_space<vmem>>
        %dma_start3A_223 = arith.constant 0 : i32
        %dma_start3A_224 = arith.constant 0 : i32
        %dma_start3A_225 = tpu.memref_slice %arg2[%dma_start3A_223, %dma_start3A_224] : memref<10240x32xf32, #tpu.memory_space<hbm>> -> memref<10240x32xf32, #tpu.memory_space<hbm>>
        tpu.enqueue_indirect_dma source(%dma_start3A_225 : memref<10240x32xf32, #tpu.memory_space<hbm>>) target(%dma_start3A_219 : memref<128x32xf32, #tpu.memory_space<vmem>>) offsets(%dma_start3A_222 : memref<128xi32, #tpu.memory_space<vmem>>) semaphore(%arg13 : memref<!tpu.dma_semaphore, #tpu.memory_space<semaphore_mem>>)
        %dma_start3A_226 = arith.constant 11 : i32
        %dma_start3A_227 = arith.constant 1408 : i32
        %dma_start3A_228 = arith.constant 0 : i32
        %dma_start3A_229 = tpu.memref_slice %arg8[%dma_start3A_227, %dma_start3A_228] : memref<2048x32xf32, #tpu.memory_space<vmem>> -> memref<128x32xf32, #tpu.memory_space<vmem>>
        %dma_start3A_230 = arith.constant 0 : i32
        %dma_start3A_231 = tpu.memref_slice %arg7[%dma_start3A_226, %dma_start3A_230] : memref<16x128xi32, #tpu.memory_space<vmem>> -> memref<1x128xi32, #tpu.memory_space<vmem>>
        %dma_start3A_232 = tpu.memref_squeeze %dma_start3A_231 : memref<1x128xi32, #tpu.memory_space<vmem>> -> memref<128xi32, #tpu.memory_space<vmem>>
        %dma_start3A_233 = arith.constant 0 : i32
        %dma_start3A_234 = arith.constant 0 : i32
        %dma_start3A_235 = tpu.memref_slice %arg2[%dma_start3A_233, %dma_start3A_234] : memref<10240x32xf32, #tpu.memory_space<hbm>> -> memref<10240x32xf32, #tpu.memory_space<hbm>>
        tpu.enqueue_indirect_dma source(%dma_start3A_235 : memref<10240x32xf32, #tpu.memory_space<hbm>>) target(%dma_start3A_229 : memref<128x32xf32, #tpu.memory_space<vmem>>) offsets(%dma_start3A_232 : memref<128xi32, #tpu.memory_space<vmem>>) semaphore(%arg13 : memref<!tpu.dma_semaphore, #tpu.memory_space<semaphore_mem>>)
        %dma_start3A_236 = arith.constant 12 : i32
        %dma_start3A_237 = arith.constant 1536 : i32
        %dma_start3A_238 = arith.constant 0 : i32
        %dma_start3A_239 = tpu.memref_slice %arg8[%dma_start3A_237, %dma_start3A_238] : memref<2048x32xf32, #tpu.memory_space<vmem>> -> memref<128x32xf32, #tpu.memory_space<vmem>>
        %dma_start3A_240 = arith.constant 0 : i32
        %dma_start3A_241 = tpu.memref_slice %arg7[%dma_start3A_236, %dma_start3A_240] : memref<16x128xi32, #tpu.memory_space<vmem>> -> memref<1x128xi32, #tpu.memory_space<vmem>>
        %dma_start3A_242 = tpu.memref_squeeze %dma_start3A_241 : memref<1x128xi32, #tpu.memory_space<vmem>> -> memref<128xi32, #tpu.memory_space<vmem>>
        %dma_start3A_243 = arith.constant 0 : i32
        %dma_start3A_244 = arith.constant 0 : i32
        %dma_start3A_245 = tpu.memref_slice %arg2[%dma_start3A_243, %dma_start3A_244] : memref<10240x32xf32, #tpu.memory_space<hbm>> -> memref<10240x32xf32, #tpu.memory_space<hbm>>
        tpu.enqueue_indirect_dma source(%dma_start3A_245 : memref<10240x32xf32, #tpu.memory_space<hbm>>) target(%dma_start3A_239 : memref<128x32xf32, #tpu.memory_space<vmem>>) offsets(%dma_start3A_242 : memref<128xi32, #tpu.memory_space<vmem>>) semaphore(%arg13 : memref<!tpu.dma_semaphore, #tpu.memory_space<semaphore_mem>>)
        %dma_start3A_246 = arith.constant 13 : i32
        %dma_start3A_247 = arith.constant 1664 : i32
        %dma_start3A_248 = arith.constant 0 : i32
        %dma_start3A_249 = tpu.memref_slice %arg8[%dma_start3A_247, %dma_start3A_248] : memref<2048x32xf32, #tpu.memory_space<vmem>> -> memref<128x32xf32, #tpu.memory_space<vmem>>
        %dma_start3A_250 = arith.constant 0 : i32
        %dma_start3A_251 = tpu.memref_slice %arg7[%dma_start3A_246, %dma_start3A_250] : memref<16x128xi32, #tpu.memory_space<vmem>> -> memref<1x128xi32, #tpu.memory_space<vmem>>
        %dma_start3A_252 = tpu.memref_squeeze %dma_start3A_251 : memref<1x128xi32, #tpu.memory_space<vmem>> -> memref<128xi32, #tpu.memory_space<vmem>>
        %dma_start3A_253 = arith.constant 0 : i32
        %dma_start3A_254 = arith.constant 0 : i32
        %dma_start3A_255 = tpu.memref_slice %arg2[%dma_start3A_253, %dma_start3A_254] : memref<10240x32xf32, #tpu.memory_space<hbm>> -> memref<10240x32xf32, #tpu.memory_space<hbm>>
        tpu.enqueue_indirect_dma source(%dma_start3A_255 : memref<10240x32xf32, #tpu.memory_space<hbm>>) target(%dma_start3A_249 : memref<128x32xf32, #tpu.memory_space<vmem>>) offsets(%dma_start3A_252 : memref<128xi32, #tpu.memory_space<vmem>>) semaphore(%arg13 : memref<!tpu.dma_semaphore, #tpu.memory_space<semaphore_mem>>)
        %dma_start3A_256 = arith.constant 14 : i32
        %dma_start3A_257 = arith.constant 1792 : i32
        %dma_start3A_258 = arith.constant 0 : i32
        %dma_start3A_259 = tpu.memref_slice %arg8[%dma_start3A_257, %dma_start3A_258] : memref<2048x32xf32, #tpu.memory_space<vmem>> -> memref<128x32xf32, #tpu.memory_space<vmem>>
        %dma_start3A_260 = arith.constant 0 : i32
        %dma_start3A_261 = tpu.memref_slice %arg7[%dma_start3A_256, %dma_start3A_260] : memref<16x128xi32, #tpu.memory_space<vmem>> -> memref<1x128xi32, #tpu.memory_space<vmem>>
        %dma_start3A_262 = tpu.memref_squeeze %dma_start3A_261 : memref<1x128xi32, #tpu.memory_space<vmem>> -> memref<128xi32, #tpu.memory_space<vmem>>
        %dma_start3A_263 = arith.constant 0 : i32
        %dma_start3A_264 = arith.constant 0 : i32
        %dma_start3A_265 = tpu.memref_slice %arg2[%dma_start3A_263, %dma_start3A_264] : memref<10240x32xf32, #tpu.memory_space<hbm>> -> memref<10240x32xf32, #tpu.memory_space<hbm>>
        tpu.enqueue_indirect_dma source(%dma_start3A_265 : memref<10240x32xf32, #tpu.memory_space<hbm>>) target(%dma_start3A_259 : memref<128x32xf32, #tpu.memory_space<vmem>>) offsets(%dma_start3A_262 : memref<128xi32, #tpu.memory_space<vmem>>) semaphore(%arg13 : memref<!tpu.dma_semaphore, #tpu.memory_space<semaphore_mem>>)
        %dma_start3A_266 = arith.constant 15 : i32
        %dma_start3A_267 = arith.constant 1920 : i32
        %dma_start3A_268 = arith.constant 0 : i32
        %dma_start3A_269 = tpu.memref_slice %arg8[%dma_start3A_267, %dma_start3A_268] : memref<2048x32xf32, #tpu.memory_space<vmem>> -> memref<128x32xf32, #tpu.memory_space<vmem>>
        %dma_start3A_270 = arith.constant 0 : i32
        %dma_start3A_271 = tpu.memref_slice %arg7[%dma_start3A_266, %dma_start3A_270] : memref<16x128xi32, #tpu.memory_space<vmem>> -> memref<1x128xi32, #tpu.memory_space<vmem>>
        %dma_start3A_272 = tpu.memref_squeeze %dma_start3A_271 : memref<1x128xi32, #tpu.memory_space<vmem>> -> memref<128xi32, #tpu.memory_space<vmem>>
        %dma_start3A_273 = arith.constant 0 : i32
        %dma_start3A_274 = arith.constant 0 : i32
        %dma_start3A_275 = tpu.memref_slice %arg2[%dma_start3A_273, %dma_start3A_274] : memref<10240x32xf32, #tpu.memory_space<hbm>> -> memref<10240x32xf32, #tpu.memory_space<hbm>>
        tpu.enqueue_indirect_dma source(%dma_start3A_275 : memref<10240x32xf32, #tpu.memory_space<hbm>>) target(%dma_start3A_269 : memref<128x32xf32, #tpu.memory_space<vmem>>) offsets(%dma_start3A_272 : memref<128xi32, #tpu.memory_space<vmem>>) semaphore(%arg13 : memref<!tpu.dma_semaphore, #tpu.memory_space<semaphore_mem>>)
      } else {
      }
      %eq3A_123 = arith.constant 0 : i32
      %eq3A_124 = arith.cmpi eq, %select_n3A_108, %eq3A_123 : i32
      %add3A_125 = arith.constant 2 : i32
      %add3A_126 = arith.addi %while3A_88, %add3A_125 : i32
      %lt3A_127 = arith.cmpi slt, %add3A_126, %select_n3A_57 : i32
      %and3A_128 = arith.andi %eq3A_124, %lt3A_127 : i1
      %convert_element_type3A_129 = arith.extui %and3A_128 : i1 to i32
      %cond3A_130 = arith.constant 0 : i32
      %cond3A_131 = arith.cmpi ne, %convert_element_type3A_129, %cond3A_130 : i32
      scf.if %cond3A_131 {
        %add3A_186 = arith.constant 2048 : i32
        %add3A_187 = arith.addi %add3A_94, %add3A_186 : i32
        %jit3A_188 = arith.constant 128 : i32
        %div3A_189 = arith.divsi %add3A_187, %jit3A_188 : i32
        %sign3A_190 = arith.constant 0 : i32
        %sign3A_191 = arith.cmpi sgt, %add3A_187, %sign3A_190 : i32
        %sign3A_192 = arith.extui %sign3A_191 : i1 to i32
        %sign3A_193 = arith.constant 0 : i32
        %sign3A_194 = arith.cmpi slt, %add3A_187, %sign3A_193 : i32
        %sign3A_195 = arith.extui %sign3A_194 : i1 to i32
        %sign3A_196 = arith.subi %sign3A_192, %sign3A_195 : i32
        %sign3A_197 = arith.constant 0 : i32
        %sign3A_198 = arith.cmpi sgt, %jit3A_188, %sign3A_197 : i32
        %sign3A_199 = arith.extui %sign3A_198 : i1 to i32
        %sign3A_200 = arith.constant 0 : i32
        %sign3A_201 = arith.cmpi slt, %jit3A_188, %sign3A_200 : i32
        %sign3A_202 = arith.extui %sign3A_201 : i1 to i32
        %sign3A_203 = arith.subi %sign3A_199, %sign3A_202 : i32
        %ne3A_204 = arith.cmpi ne, %sign3A_196, %sign3A_203 : i32
        %rem3A_205 = arith.remsi %add3A_187, %jit3A_188 : i32
        %ne3A_206 = arith.constant 0 : i32
        %ne3A_207 = arith.cmpi ne, %rem3A_205, %ne3A_206 : i32
        %and3A_208 = arith.andi %ne3A_204, %ne3A_207 : i1
        %sub3A_209 = arith.constant 1 : i32
        %sub3A_210 = arith.subi %div3A_189, %sub3A_209 : i32
        %select_n3A_211 = arith.select %and3A_208, %sub3A_210, %div3A_189 : i32
        %dma_start3A = arith.constant 0 : i32
        %dma_start3A_212 = arith.constant 0 : i32
        %dma_start3A_213 = tpu.memref_slice %arg7[%dma_start3A, %dma_start3A_212] : memref<16x128xi32, #tpu.memory_space<vmem>> -> memref<8x128xi32, #tpu.memory_space<vmem>>
        %dma_start3A_214 = arith.constant 0 : i32
        %dma_start3A_215 = tpu.memref_slice %arg4[%select_n3A_211, %dma_start3A_214] : memref<2508x128xi32, #tpu.memory_space<hbm>> -> memref<8x128xi32, #tpu.memory_space<hbm>>
        %dma_start3A_216 = arith.constant 0 : i32
        %dma_start3A_217 = arith.constant 0 : i32
        %dma_start3A_218 = tpu.memref_slice %arg7[%dma_start3A_216, %dma_start3A_217] : memref<16x128xi32, #tpu.memory_space<vmem>> -> memref<8x128xi32, #tpu.memory_space<vmem>>
        %dma_start3A_219 = arith.constant 0 : i32
        %dma_start3A_220 = tpu.memref_slice %arg4[%select_n3A_211, %dma_start3A_219] : memref<2508x128xi32, #tpu.memory_space<hbm>> -> memref<8x128xi32, #tpu.memory_space<hbm>>
        tpu.enqueue_dma source(%dma_start3A_220 : memref<8x128xi32, #tpu.memory_space<hbm>>) target(%dma_start3A_218 : memref<8x128xi32, #tpu.memory_space<vmem>>) target_semaphore(%arg14 : memref<!tpu.dma_semaphore, #tpu.memory_space<semaphore_mem>>)
      } else {
      }
      %eq3A_132 = arith.constant 1 : i32
      %eq3A_133 = arith.cmpi eq, %select_n3A_108, %eq3A_132 : i32
      %convert_element_type3A_134 = arith.extui %eq3A_133 : i1 to i32
      %cond3A_135 = arith.constant 0 : i32
      %cond3A_136 = arith.cmpi ne, %convert_element_type3A_134, %cond3A_135 : i32
      scf.if %cond3A_136 {
        %dma_wait3A = arith.constant 8 : i32
        %dma_wait3A_186 = arith.constant 1024 : i32
        %dma_wait3A_187 = arith.constant 0 : i32
        %dma_wait3A_188 = tpu.memref_slice %arg8[%dma_wait3A_186, %dma_wait3A_187] : memref<2048x32xf32, #tpu.memory_space<vmem>> -> memref<128x32xf32, #tpu.memory_space<vmem>>
        %dma_wait3A_189 = arith.constant 0 : i32
        %dma_wait3A_190 = tpu.memref_slice %arg7[%dma_wait3A, %dma_wait3A_189] : memref<16x128xi32, #tpu.memory_space<vmem>> -> memref<1x128xi32, #tpu.memory_space<vmem>>
        %dma_wait3A_191 = tpu.memref_squeeze %dma_wait3A_190 : memref<1x128xi32, #tpu.memory_space<vmem>> -> memref<128xi32, #tpu.memory_space<vmem>>
        %dma_wait3A_192 = arith.constant 0 : i32
        %dma_wait3A_193 = arith.constant 0 : i32
        %dma_wait3A_194 = tpu.memref_slice %arg2[%dma_wait3A_192, %dma_wait3A_193] : memref<10240x32xf32, #tpu.memory_space<hbm>> -> memref<10240x32xf32, #tpu.memory_space<hbm>>
        tpu.wait_indirect_dma semaphore(%arg13 : memref<!tpu.dma_semaphore, #tpu.memory_space<semaphore_mem>>) src(%dma_wait3A_194 : memref<10240x32xf32, #tpu.memory_space<hbm>>) dst(%dma_wait3A_188 : memref<128x32xf32, #tpu.memory_space<vmem>>)
        %dma_wait3A_195 = arith.constant 9 : i32
        %dma_wait3A_196 = arith.constant 1152 : i32
        %dma_wait3A_197 = arith.constant 0 : i32
        %dma_wait3A_198 = tpu.memref_slice %arg8[%dma_wait3A_196, %dma_wait3A_197] : memref<2048x32xf32, #tpu.memory_space<vmem>> -> memref<128x32xf32, #tpu.memory_space<vmem>>
        %dma_wait3A_199 = arith.constant 0 : i32
        %dma_wait3A_200 = tpu.memref_slice %arg7[%dma_wait3A_195, %dma_wait3A_199] : memref<16x128xi32, #tpu.memory_space<vmem>> -> memref<1x128xi32, #tpu.memory_space<vmem>>
        %dma_wait3A_201 = tpu.memref_squeeze %dma_wait3A_200 : memref<1x128xi32, #tpu.memory_space<vmem>> -> memref<128xi32, #tpu.memory_space<vmem>>
        %dma_wait3A_202 = arith.constant 0 : i32
        %dma_wait3A_203 = arith.constant 0 : i32
        %dma_wait3A_204 = tpu.memref_slice %arg2[%dma_wait3A_202, %dma_wait3A_203] : memref<10240x32xf32, #tpu.memory_space<hbm>> -> memref<10240x32xf32, #tpu.memory_space<hbm>>
        tpu.wait_indirect_dma semaphore(%arg13 : memref<!tpu.dma_semaphore, #tpu.memory_space<semaphore_mem>>) src(%dma_wait3A_204 : memref<10240x32xf32, #tpu.memory_space<hbm>>) dst(%dma_wait3A_198 : memref<128x32xf32, #tpu.memory_space<vmem>>)
        %dma_wait3A_205 = arith.constant 10 : i32
        %dma_wait3A_206 = arith.constant 1280 : i32
        %dma_wait3A_207 = arith.constant 0 : i32
        %dma_wait3A_208 = tpu.memref_slice %arg8[%dma_wait3A_206, %dma_wait3A_207] : memref<2048x32xf32, #tpu.memory_space<vmem>> -> memref<128x32xf32, #tpu.memory_space<vmem>>
        %dma_wait3A_209 = arith.constant 0 : i32
        %dma_wait3A_210 = tpu.memref_slice %arg7[%dma_wait3A_205, %dma_wait3A_209] : memref<16x128xi32, #tpu.memory_space<vmem>> -> memref<1x128xi32, #tpu.memory_space<vmem>>
        %dma_wait3A_211 = tpu.memref_squeeze %dma_wait3A_210 : memref<1x128xi32, #tpu.memory_space<vmem>> -> memref<128xi32, #tpu.memory_space<vmem>>
        %dma_wait3A_212 = arith.constant 0 : i32
        %dma_wait3A_213 = arith.constant 0 : i32
        %dma_wait3A_214 = tpu.memref_slice %arg2[%dma_wait3A_212, %dma_wait3A_213] : memref<10240x32xf32, #tpu.memory_space<hbm>> -> memref<10240x32xf32, #tpu.memory_space<hbm>>
        tpu.wait_indirect_dma semaphore(%arg13 : memref<!tpu.dma_semaphore, #tpu.memory_space<semaphore_mem>>) src(%dma_wait3A_214 : memref<10240x32xf32, #tpu.memory_space<hbm>>) dst(%dma_wait3A_208 : memref<128x32xf32, #tpu.memory_space<vmem>>)
        %dma_wait3A_215 = arith.constant 11 : i32
        %dma_wait3A_216 = arith.constant 1408 : i32
        %dma_wait3A_217 = arith.constant 0 : i32
        %dma_wait3A_218 = tpu.memref_slice %arg8[%dma_wait3A_216, %dma_wait3A_217] : memref<2048x32xf32, #tpu.memory_space<vmem>> -> memref<128x32xf32, #tpu.memory_space<vmem>>
        %dma_wait3A_219 = arith.constant 0 : i32
        %dma_wait3A_220 = tpu.memref_slice %arg7[%dma_wait3A_215, %dma_wait3A_219] : memref<16x128xi32, #tpu.memory_space<vmem>> -> memref<1x128xi32, #tpu.memory_space<vmem>>
        %dma_wait3A_221 = tpu.memref_squeeze %dma_wait3A_220 : memref<1x128xi32, #tpu.memory_space<vmem>> -> memref<128xi32, #tpu.memory_space<vmem>>
        %dma_wait3A_222 = arith.constant 0 : i32
        %dma_wait3A_223 = arith.constant 0 : i32
        %dma_wait3A_224 = tpu.memref_slice %arg2[%dma_wait3A_222, %dma_wait3A_223] : memref<10240x32xf32, #tpu.memory_space<hbm>> -> memref<10240x32xf32, #tpu.memory_space<hbm>>
        tpu.wait_indirect_dma semaphore(%arg13 : memref<!tpu.dma_semaphore, #tpu.memory_space<semaphore_mem>>) src(%dma_wait3A_224 : memref<10240x32xf32, #tpu.memory_space<hbm>>) dst(%dma_wait3A_218 : memref<128x32xf32, #tpu.memory_space<vmem>>)
        %dma_wait3A_225 = arith.constant 12 : i32
        %dma_wait3A_226 = arith.constant 1536 : i32
        %dma_wait3A_227 = arith.constant 0 : i32
        %dma_wait3A_228 = tpu.memref_slice %arg8[%dma_wait3A_226, %dma_wait3A_227] : memref<2048x32xf32, #tpu.memory_space<vmem>> -> memref<128x32xf32, #tpu.memory_space<vmem>>
        %dma_wait3A_229 = arith.constant 0 : i32
        %dma_wait3A_230 = tpu.memref_slice %arg7[%dma_wait3A_225, %dma_wait3A_229] : memref<16x128xi32, #tpu.memory_space<vmem>> -> memref<1x128xi32, #tpu.memory_space<vmem>>
        %dma_wait3A_231 = tpu.memref_squeeze %dma_wait3A_230 : memref<1x128xi32, #tpu.memory_space<vmem>> -> memref<128xi32, #tpu.memory_space<vmem>>
        %dma_wait3A_232 = arith.constant 0 : i32
        %dma_wait3A_233 = arith.constant 0 : i32
        %dma_wait3A_234 = tpu.memref_slice %arg2[%dma_wait3A_232, %dma_wait3A_233] : memref<10240x32xf32, #tpu.memory_space<hbm>> -> memref<10240x32xf32, #tpu.memory_space<hbm>>
        tpu.wait_indirect_dma semaphore(%arg13 : memref<!tpu.dma_semaphore, #tpu.memory_space<semaphore_mem>>) src(%dma_wait3A_234 : memref<10240x32xf32, #tpu.memory_space<hbm>>) dst(%dma_wait3A_228 : memref<128x32xf32, #tpu.memory_space<vmem>>)
        %dma_wait3A_235 = arith.constant 13 : i32
        %dma_wait3A_236 = arith.constant 1664 : i32
        %dma_wait3A_237 = arith.constant 0 : i32
        %dma_wait3A_238 = tpu.memref_slice %arg8[%dma_wait3A_236, %dma_wait3A_237] : memref<2048x32xf32, #tpu.memory_space<vmem>> -> memref<128x32xf32, #tpu.memory_space<vmem>>
        %dma_wait3A_239 = arith.constant 0 : i32
        %dma_wait3A_240 = tpu.memref_slice %arg7[%dma_wait3A_235, %dma_wait3A_239] : memref<16x128xi32, #tpu.memory_space<vmem>> -> memref<1x128xi32, #tpu.memory_space<vmem>>
        %dma_wait3A_241 = tpu.memref_squeeze %dma_wait3A_240 : memref<1x128xi32, #tpu.memory_space<vmem>> -> memref<128xi32, #tpu.memory_space<vmem>>
        %dma_wait3A_242 = arith.constant 0 : i32
        %dma_wait3A_243 = arith.constant 0 : i32
        %dma_wait3A_244 = tpu.memref_slice %arg2[%dma_wait3A_242, %dma_wait3A_243] : memref<10240x32xf32, #tpu.memory_space<hbm>> -> memref<10240x32xf32, #tpu.memory_space<hbm>>
        tpu.wait_indirect_dma semaphore(%arg13 : memref<!tpu.dma_semaphore, #tpu.memory_space<semaphore_mem>>) src(%dma_wait3A_244 : memref<10240x32xf32, #tpu.memory_space<hbm>>) dst(%dma_wait3A_238 : memref<128x32xf32, #tpu.memory_space<vmem>>)
        %dma_wait3A_245 = arith.constant 14 : i32
        %dma_wait3A_246 = arith.constant 1792 : i32
        %dma_wait3A_247 = arith.constant 0 : i32
        %dma_wait3A_248 = tpu.memref_slice %arg8[%dma_wait3A_246, %dma_wait3A_247] : memref<2048x32xf32, #tpu.memory_space<vmem>> -> memref<128x32xf32, #tpu.memory_space<vmem>>
        %dma_wait3A_249 = arith.constant 0 : i32
        %dma_wait3A_250 = tpu.memref_slice %arg7[%dma_wait3A_245, %dma_wait3A_249] : memref<16x128xi32, #tpu.memory_space<vmem>> -> memref<1x128xi32, #tpu.memory_space<vmem>>
        %dma_wait3A_251 = tpu.memref_squeeze %dma_wait3A_250 : memref<1x128xi32, #tpu.memory_space<vmem>> -> memref<128xi32, #tpu.memory_space<vmem>>
        %dma_wait3A_252 = arith.constant 0 : i32
        %dma_wait3A_253 = arith.constant 0 : i32
        %dma_wait3A_254 = tpu.memref_slice %arg2[%dma_wait3A_252, %dma_wait3A_253] : memref<10240x32xf32, #tpu.memory_space<hbm>> -> memref<10240x32xf32, #tpu.memory_space<hbm>>
        tpu.wait_indirect_dma semaphore(%arg13 : memref<!tpu.dma_semaphore, #tpu.memory_space<semaphore_mem>>) src(%dma_wait3A_254 : memref<10240x32xf32, #tpu.memory_space<hbm>>) dst(%dma_wait3A_248 : memref<128x32xf32, #tpu.memory_space<vmem>>)
        %dma_wait3A_255 = arith.constant 15 : i32
        %dma_wait3A_256 = arith.constant 1920 : i32
        %dma_wait3A_257 = arith.constant 0 : i32
        %dma_wait3A_258 = tpu.memref_slice %arg8[%dma_wait3A_256, %dma_wait3A_257] : memref<2048x32xf32, #tpu.memory_space<vmem>> -> memref<128x32xf32, #tpu.memory_space<vmem>>
        %dma_wait3A_259 = arith.constant 0 : i32
        %dma_wait3A_260 = tpu.memref_slice %arg7[%dma_wait3A_255, %dma_wait3A_259] : memref<16x128xi32, #tpu.memory_space<vmem>> -> memref<1x128xi32, #tpu.memory_space<vmem>>
        %dma_wait3A_261 = tpu.memref_squeeze %dma_wait3A_260 : memref<1x128xi32, #tpu.memory_space<vmem>> -> memref<128xi32, #tpu.memory_space<vmem>>
        %dma_wait3A_262 = arith.constant 0 : i32
        %dma_wait3A_263 = arith.constant 0 : i32
        %dma_wait3A_264 = tpu.memref_slice %arg2[%dma_wait3A_262, %dma_wait3A_263] : memref<10240x32xf32, #tpu.memory_space<hbm>> -> memref<10240x32xf32, #tpu.memory_space<hbm>>
        tpu.wait_indirect_dma semaphore(%arg13 : memref<!tpu.dma_semaphore, #tpu.memory_space<semaphore_mem>>) src(%dma_wait3A_264 : memref<10240x32xf32, #tpu.memory_space<hbm>>) dst(%dma_wait3A_258 : memref<128x32xf32, #tpu.memory_space<vmem>>)
      } else {
      }
      %eq3A_137 = arith.constant 1 : i32
      %eq3A_138 = arith.cmpi eq, %select_n3A_108, %eq3A_137 : i32
      %add3A_139 = arith.constant 1 : i32
      %add3A_140 = arith.addi %while3A_88, %add3A_139 : i32
      %lt3A_141 = arith.cmpi slt, %add3A_140, %select_n3A_57 : i32
      %and3A_142 = arith.andi %eq3A_138, %lt3A_141 : i1
      %convert_element_type3A_143 = arith.extui %and3A_142 : i1 to i32
      %cond3A_144 = arith.constant 0 : i32
      %cond3A_145 = arith.cmpi ne, %convert_element_type3A_143, %cond3A_144 : i32
      scf.if %cond3A_145 {
        %dma_wait3A = arith.constant 0 : i32
        %dma_wait3A_186 = arith.constant 0 : i32
        %dma_wait3A_187 = tpu.memref_slice %arg7[%dma_wait3A, %dma_wait3A_186] : memref<16x128xi32, #tpu.memory_space<vmem>> -> memref<8x128xi32, #tpu.memory_space<vmem>>
        %dma_wait3A_188 = arith.constant 0 : i32
        %dma_wait3A_189 = arith.constant 0 : i32
        %dma_wait3A_190 = tpu.memref_slice %arg4[%dma_wait3A_188, %dma_wait3A_189] : memref<2508x128xi32, #tpu.memory_space<hbm>> -> memref<8x128xi32, #tpu.memory_space<hbm>>
        %dma_wait3A_191 = arith.constant 0 : i32
        %dma_wait3A_192 = arith.constant 0 : i32
        %dma_wait3A_193 = tpu.memref_slice %arg7[%dma_wait3A_191, %dma_wait3A_192] : memref<16x128xi32, #tpu.memory_space<vmem>> -> memref<8x128xi32, #tpu.memory_space<vmem>>
        %dma_wait3A_194 = arith.constant 0 : i32
        %dma_wait3A_195 = arith.constant 0 : i32
        %dma_wait3A_196 = tpu.memref_slice %arg4[%dma_wait3A_194, %dma_wait3A_195] : memref<2508x128xi32, #tpu.memory_space<hbm>> -> memref<8x128xi32, #tpu.memory_space<hbm>>
        tpu.wait_dma2 semaphore(%arg14 : memref<!tpu.dma_semaphore, #tpu.memory_space<semaphore_mem>>) src(%dma_wait3A_196 : memref<8x128xi32, #tpu.memory_space<hbm>>) dst(%dma_wait3A_193 : memref<8x128xi32, #tpu.memory_space<vmem>>)
        %dma_start3A = arith.constant 0 : i32
        %dma_start3A_197 = arith.constant 0 : i32
        %dma_start3A_198 = arith.constant 0 : i32
        %dma_start3A_199 = tpu.memref_slice %arg8[%dma_start3A_197, %dma_start3A_198] : memref<2048x32xf32, #tpu.memory_space<vmem>> -> memref<128x32xf32, #tpu.memory_space<vmem>>
        %dma_start3A_200 = arith.constant 0 : i32
        %dma_start3A_201 = tpu.memref_slice %arg7[%dma_start3A, %dma_start3A_200] : memref<16x128xi32, #tpu.memory_space<vmem>> -> memref<1x128xi32, #tpu.memory_space<vmem>>
        %dma_start3A_202 = tpu.memref_squeeze %dma_start3A_201 : memref<1x128xi32, #tpu.memory_space<vmem>> -> memref<128xi32, #tpu.memory_space<vmem>>
        %dma_start3A_203 = arith.constant 0 : i32
        %dma_start3A_204 = arith.constant 0 : i32
        %dma_start3A_205 = tpu.memref_slice %arg2[%dma_start3A_203, %dma_start3A_204] : memref<10240x32xf32, #tpu.memory_space<hbm>> -> memref<10240x32xf32, #tpu.memory_space<hbm>>
        tpu.enqueue_indirect_dma source(%dma_start3A_205 : memref<10240x32xf32, #tpu.memory_space<hbm>>) target(%dma_start3A_199 : memref<128x32xf32, #tpu.memory_space<vmem>>) offsets(%dma_start3A_202 : memref<128xi32, #tpu.memory_space<vmem>>) semaphore(%arg12 : memref<!tpu.dma_semaphore, #tpu.memory_space<semaphore_mem>>)
        %dma_start3A_206 = arith.constant 1 : i32
        %dma_start3A_207 = arith.constant 128 : i32
        %dma_start3A_208 = arith.constant 0 : i32
        %dma_start3A_209 = tpu.memref_slice %arg8[%dma_start3A_207, %dma_start3A_208] : memref<2048x32xf32, #tpu.memory_space<vmem>> -> memref<128x32xf32, #tpu.memory_space<vmem>>
        %dma_start3A_210 = arith.constant 0 : i32
        %dma_start3A_211 = tpu.memref_slice %arg7[%dma_start3A_206, %dma_start3A_210] : memref<16x128xi32, #tpu.memory_space<vmem>> -> memref<1x128xi32, #tpu.memory_space<vmem>>
        %dma_start3A_212 = tpu.memref_squeeze %dma_start3A_211 : memref<1x128xi32, #tpu.memory_space<vmem>> -> memref<128xi32, #tpu.memory_space<vmem>>
        %dma_start3A_213 = arith.constant 0 : i32
        %dma_start3A_214 = arith.constant 0 : i32
        %dma_start3A_215 = tpu.memref_slice %arg2[%dma_start3A_213, %dma_start3A_214] : memref<10240x32xf32, #tpu.memory_space<hbm>> -> memref<10240x32xf32, #tpu.memory_space<hbm>>
        tpu.enqueue_indirect_dma source(%dma_start3A_215 : memref<10240x32xf32, #tpu.memory_space<hbm>>) target(%dma_start3A_209 : memref<128x32xf32, #tpu.memory_space<vmem>>) offsets(%dma_start3A_212 : memref<128xi32, #tpu.memory_space<vmem>>) semaphore(%arg12 : memref<!tpu.dma_semaphore, #tpu.memory_space<semaphore_mem>>)
        %dma_start3A_216 = arith.constant 2 : i32
        %dma_start3A_217 = arith.constant 256 : i32
        %dma_start3A_218 = arith.constant 0 : i32
        %dma_start3A_219 = tpu.memref_slice %arg8[%dma_start3A_217, %dma_start3A_218] : memref<2048x32xf32, #tpu.memory_space<vmem>> -> memref<128x32xf32, #tpu.memory_space<vmem>>
        %dma_start3A_220 = arith.constant 0 : i32
        %dma_start3A_221 = tpu.memref_slice %arg7[%dma_start3A_216, %dma_start3A_220] : memref<16x128xi32, #tpu.memory_space<vmem>> -> memref<1x128xi32, #tpu.memory_space<vmem>>
        %dma_start3A_222 = tpu.memref_squeeze %dma_start3A_221 : memref<1x128xi32, #tpu.memory_space<vmem>> -> memref<128xi32, #tpu.memory_space<vmem>>
        %dma_start3A_223 = arith.constant 0 : i32
        %dma_start3A_224 = arith.constant 0 : i32
        %dma_start3A_225 = tpu.memref_slice %arg2[%dma_start3A_223, %dma_start3A_224] : memref<10240x32xf32, #tpu.memory_space<hbm>> -> memref<10240x32xf32, #tpu.memory_space<hbm>>
        tpu.enqueue_indirect_dma source(%dma_start3A_225 : memref<10240x32xf32, #tpu.memory_space<hbm>>) target(%dma_start3A_219 : memref<128x32xf32, #tpu.memory_space<vmem>>) offsets(%dma_start3A_222 : memref<128xi32, #tpu.memory_space<vmem>>) semaphore(%arg12 : memref<!tpu.dma_semaphore, #tpu.memory_space<semaphore_mem>>)
        %dma_start3A_226 = arith.constant 3 : i32
        %dma_start3A_227 = arith.constant 384 : i32
        %dma_start3A_228 = arith.constant 0 : i32
        %dma_start3A_229 = tpu.memref_slice %arg8[%dma_start3A_227, %dma_start3A_228] : memref<2048x32xf32, #tpu.memory_space<vmem>> -> memref<128x32xf32, #tpu.memory_space<vmem>>
        %dma_start3A_230 = arith.constant 0 : i32
        %dma_start3A_231 = tpu.memref_slice %arg7[%dma_start3A_226, %dma_start3A_230] : memref<16x128xi32, #tpu.memory_space<vmem>> -> memref<1x128xi32, #tpu.memory_space<vmem>>
        %dma_start3A_232 = tpu.memref_squeeze %dma_start3A_231 : memref<1x128xi32, #tpu.memory_space<vmem>> -> memref<128xi32, #tpu.memory_space<vmem>>
        %dma_start3A_233 = arith.constant 0 : i32
        %dma_start3A_234 = arith.constant 0 : i32
        %dma_start3A_235 = tpu.memref_slice %arg2[%dma_start3A_233, %dma_start3A_234] : memref<10240x32xf32, #tpu.memory_space<hbm>> -> memref<10240x32xf32, #tpu.memory_space<hbm>>
        tpu.enqueue_indirect_dma source(%dma_start3A_235 : memref<10240x32xf32, #tpu.memory_space<hbm>>) target(%dma_start3A_229 : memref<128x32xf32, #tpu.memory_space<vmem>>) offsets(%dma_start3A_232 : memref<128xi32, #tpu.memory_space<vmem>>) semaphore(%arg12 : memref<!tpu.dma_semaphore, #tpu.memory_space<semaphore_mem>>)
        %dma_start3A_236 = arith.constant 4 : i32
        %dma_start3A_237 = arith.constant 512 : i32
        %dma_start3A_238 = arith.constant 0 : i32
        %dma_start3A_239 = tpu.memref_slice %arg8[%dma_start3A_237, %dma_start3A_238] : memref<2048x32xf32, #tpu.memory_space<vmem>> -> memref<128x32xf32, #tpu.memory_space<vmem>>
        %dma_start3A_240 = arith.constant 0 : i32
        %dma_start3A_241 = tpu.memref_slice %arg7[%dma_start3A_236, %dma_start3A_240] : memref<16x128xi32, #tpu.memory_space<vmem>> -> memref<1x128xi32, #tpu.memory_space<vmem>>
        %dma_start3A_242 = tpu.memref_squeeze %dma_start3A_241 : memref<1x128xi32, #tpu.memory_space<vmem>> -> memref<128xi32, #tpu.memory_space<vmem>>
        %dma_start3A_243 = arith.constant 0 : i32
        %dma_start3A_244 = arith.constant 0 : i32
        %dma_start3A_245 = tpu.memref_slice %arg2[%dma_start3A_243, %dma_start3A_244] : memref<10240x32xf32, #tpu.memory_space<hbm>> -> memref<10240x32xf32, #tpu.memory_space<hbm>>
        tpu.enqueue_indirect_dma source(%dma_start3A_245 : memref<10240x32xf32, #tpu.memory_space<hbm>>) target(%dma_start3A_239 : memref<128x32xf32, #tpu.memory_space<vmem>>) offsets(%dma_start3A_242 : memref<128xi32, #tpu.memory_space<vmem>>) semaphore(%arg12 : memref<!tpu.dma_semaphore, #tpu.memory_space<semaphore_mem>>)
        %dma_start3A_246 = arith.constant 5 : i32
        %dma_start3A_247 = arith.constant 640 : i32
        %dma_start3A_248 = arith.constant 0 : i32
        %dma_start3A_249 = tpu.memref_slice %arg8[%dma_start3A_247, %dma_start3A_248] : memref<2048x32xf32, #tpu.memory_space<vmem>> -> memref<128x32xf32, #tpu.memory_space<vmem>>
        %dma_start3A_250 = arith.constant 0 : i32
        %dma_start3A_251 = tpu.memref_slice %arg7[%dma_start3A_246, %dma_start3A_250] : memref<16x128xi32, #tpu.memory_space<vmem>> -> memref<1x128xi32, #tpu.memory_space<vmem>>
        %dma_start3A_252 = tpu.memref_squeeze %dma_start3A_251 : memref<1x128xi32, #tpu.memory_space<vmem>> -> memref<128xi32, #tpu.memory_space<vmem>>
        %dma_start3A_253 = arith.constant 0 : i32
        %dma_start3A_254 = arith.constant 0 : i32
        %dma_start3A_255 = tpu.memref_slice %arg2[%dma_start3A_253, %dma_start3A_254] : memref<10240x32xf32, #tpu.memory_space<hbm>> -> memref<10240x32xf32, #tpu.memory_space<hbm>>
        tpu.enqueue_indirect_dma source(%dma_start3A_255 : memref<10240x32xf32, #tpu.memory_space<hbm>>) target(%dma_start3A_249 : memref<128x32xf32, #tpu.memory_space<vmem>>) offsets(%dma_start3A_252 : memref<128xi32, #tpu.memory_space<vmem>>) semaphore(%arg12 : memref<!tpu.dma_semaphore, #tpu.memory_space<semaphore_mem>>)
        %dma_start3A_256 = arith.constant 6 : i32
        %dma_start3A_257 = arith.constant 768 : i32
        %dma_start3A_258 = arith.constant 0 : i32
        %dma_start3A_259 = tpu.memref_slice %arg8[%dma_start3A_257, %dma_start3A_258] : memref<2048x32xf32, #tpu.memory_space<vmem>> -> memref<128x32xf32, #tpu.memory_space<vmem>>
        %dma_start3A_260 = arith.constant 0 : i32
        %dma_start3A_261 = tpu.memref_slice %arg7[%dma_start3A_256, %dma_start3A_260] : memref<16x128xi32, #tpu.memory_space<vmem>> -> memref<1x128xi32, #tpu.memory_space<vmem>>
        %dma_start3A_262 = tpu.memref_squeeze %dma_start3A_261 : memref<1x128xi32, #tpu.memory_space<vmem>> -> memref<128xi32, #tpu.memory_space<vmem>>
        %dma_start3A_263 = arith.constant 0 : i32
        %dma_start3A_264 = arith.constant 0 : i32
        %dma_start3A_265 = tpu.memref_slice %arg2[%dma_start3A_263, %dma_start3A_264] : memref<10240x32xf32, #tpu.memory_space<hbm>> -> memref<10240x32xf32, #tpu.memory_space<hbm>>
        tpu.enqueue_indirect_dma source(%dma_start3A_265 : memref<10240x32xf32, #tpu.memory_space<hbm>>) target(%dma_start3A_259 : memref<128x32xf32, #tpu.memory_space<vmem>>) offsets(%dma_start3A_262 : memref<128xi32, #tpu.memory_space<vmem>>) semaphore(%arg12 : memref<!tpu.dma_semaphore, #tpu.memory_space<semaphore_mem>>)
        %dma_start3A_266 = arith.constant 7 : i32
        %dma_start3A_267 = arith.constant 896 : i32
        %dma_start3A_268 = arith.constant 0 : i32
        %dma_start3A_269 = tpu.memref_slice %arg8[%dma_start3A_267, %dma_start3A_268] : memref<2048x32xf32, #tpu.memory_space<vmem>> -> memref<128x32xf32, #tpu.memory_space<vmem>>
        %dma_start3A_270 = arith.constant 0 : i32
        %dma_start3A_271 = tpu.memref_slice %arg7[%dma_start3A_266, %dma_start3A_270] : memref<16x128xi32, #tpu.memory_space<vmem>> -> memref<1x128xi32, #tpu.memory_space<vmem>>
        %dma_start3A_272 = tpu.memref_squeeze %dma_start3A_271 : memref<1x128xi32, #tpu.memory_space<vmem>> -> memref<128xi32, #tpu.memory_space<vmem>>
        %dma_start3A_273 = arith.constant 0 : i32
        %dma_start3A_274 = arith.constant 0 : i32
        %dma_start3A_275 = tpu.memref_slice %arg2[%dma_start3A_273, %dma_start3A_274] : memref<10240x32xf32, #tpu.memory_space<hbm>> -> memref<10240x32xf32, #tpu.memory_space<hbm>>
        tpu.enqueue_indirect_dma source(%dma_start3A_275 : memref<10240x32xf32, #tpu.memory_space<hbm>>) target(%dma_start3A_269 : memref<128x32xf32, #tpu.memory_space<vmem>>) offsets(%dma_start3A_272 : memref<128xi32, #tpu.memory_space<vmem>>) semaphore(%arg12 : memref<!tpu.dma_semaphore, #tpu.memory_space<semaphore_mem>>)
      } else {
      }
      %eq3A_146 = arith.constant 1 : i32
      %eq3A_147 = arith.cmpi eq, %select_n3A_108, %eq3A_146 : i32
      %add3A_148 = arith.constant 2 : i32
      %add3A_149 = arith.addi %while3A_88, %add3A_148 : i32
      %lt3A_150 = arith.cmpi slt, %add3A_149, %select_n3A_57 : i32
      %and3A_151 = arith.andi %eq3A_147, %lt3A_150 : i1
      %convert_element_type3A_152 = arith.extui %and3A_151 : i1 to i32
      %cond3A_153 = arith.constant 0 : i32
      %cond3A_154 = arith.cmpi ne, %convert_element_type3A_152, %cond3A_153 : i32
      scf.if %cond3A_154 {
        %add3A_186 = arith.constant 2048 : i32
        %add3A_187 = arith.addi %add3A_94, %add3A_186 : i32
        %jit3A_188 = arith.constant 128 : i32
        %div3A_189 = arith.divsi %add3A_187, %jit3A_188 : i32
        %sign3A_190 = arith.constant 0 : i32
        %sign3A_191 = arith.cmpi sgt, %add3A_187, %sign3A_190 : i32
        %sign3A_192 = arith.extui %sign3A_191 : i1 to i32
        %sign3A_193 = arith.constant 0 : i32
        %sign3A_194 = arith.cmpi slt, %add3A_187, %sign3A_193 : i32
        %sign3A_195 = arith.extui %sign3A_194 : i1 to i32
        %sign3A_196 = arith.subi %sign3A_192, %sign3A_195 : i32
        %sign3A_197 = arith.constant 0 : i32
        %sign3A_198 = arith.cmpi sgt, %jit3A_188, %sign3A_197 : i32
        %sign3A_199 = arith.extui %sign3A_198 : i1 to i32
        %sign3A_200 = arith.constant 0 : i32
        %sign3A_201 = arith.cmpi slt, %jit3A_188, %sign3A_200 : i32
        %sign3A_202 = arith.extui %sign3A_201 : i1 to i32
        %sign3A_203 = arith.subi %sign3A_199, %sign3A_202 : i32
        %ne3A_204 = arith.cmpi ne, %sign3A_196, %sign3A_203 : i32
        %rem3A_205 = arith.remsi %add3A_187, %jit3A_188 : i32
        %ne3A_206 = arith.constant 0 : i32
        %ne3A_207 = arith.cmpi ne, %rem3A_205, %ne3A_206 : i32
        %and3A_208 = arith.andi %ne3A_204, %ne3A_207 : i1
        %sub3A_209 = arith.constant 1 : i32
        %sub3A_210 = arith.subi %div3A_189, %sub3A_209 : i32
        %select_n3A_211 = arith.select %and3A_208, %sub3A_210, %div3A_189 : i32
        %dma_start3A = arith.constant 8 : i32
        %dma_start3A_212 = arith.constant 0 : i32
        %dma_start3A_213 = tpu.memref_slice %arg7[%dma_start3A, %dma_start3A_212] : memref<16x128xi32, #tpu.memory_space<vmem>> -> memref<8x128xi32, #tpu.memory_space<vmem>>
        %dma_start3A_214 = arith.constant 0 : i32
        %dma_start3A_215 = tpu.memref_slice %arg4[%select_n3A_211, %dma_start3A_214] : memref<2508x128xi32, #tpu.memory_space<hbm>> -> memref<8x128xi32, #tpu.memory_space<hbm>>
        %dma_start3A_216 = arith.constant 8 : i32
        %dma_start3A_217 = arith.constant 0 : i32
        %dma_start3A_218 = tpu.memref_slice %arg7[%dma_start3A_216, %dma_start3A_217] : memref<16x128xi32, #tpu.memory_space<vmem>> -> memref<8x128xi32, #tpu.memory_space<vmem>>
        %dma_start3A_219 = arith.constant 0 : i32
        %dma_start3A_220 = tpu.memref_slice %arg4[%select_n3A_211, %dma_start3A_219] : memref<2508x128xi32, #tpu.memory_space<hbm>> -> memref<8x128xi32, #tpu.memory_space<hbm>>
        tpu.enqueue_dma source(%dma_start3A_220 : memref<8x128xi32, #tpu.memory_space<hbm>>) target(%dma_start3A_218 : memref<8x128xi32, #tpu.memory_space<vmem>>) target_semaphore(%arg15 : memref<!tpu.dma_semaphore, #tpu.memory_space<semaphore_mem>>)
      } else {
      }
      %mul3A_155 = arith.constant 1024 : i32
      %mul3A_156 = arith.muli %select_n3A_108, %mul3A_155 : i32
      %add3A_157 = arith.constant 1024 : i32
      %add3A_158 = arith.addi %add3A_94, %add3A_157 : i32
      %scan3A = arith.constant 320 : i32
      %scan3A_159 = arith.constant 0 : i32
      %scan3A_160 = arith.constant 9 : i32
      %scan3A_161 = arith.addi %scan3A_159, %scan3A_160 : i32
      %scan3A_162 = arith.constant 1 : i32
      %scan3A_163:2 = scf.for %scan3A_186 = %scan3A_159 to %scan3A_161 step %scan3A_162 iter_args(%scan3A_187 = %while3A_89, %scan3A_188 = %scan3A) -> (i32, i32)  : i32 {
        %lt3A_189 = arith.cmpi slt, %scan3A_187, %scan3A_188 : i32
        %add3A_190 = arith.addi %scan3A_187, %scan3A_188 : i32
        %jit3A_191 = arith.constant 2 : i32
        %div3A_192 = arith.divsi %add3A_190, %jit3A_191 : i32
        %sign3A_193 = arith.constant 0 : i32
        %sign3A_194 = arith.cmpi sgt, %add3A_190, %sign3A_193 : i32
        %sign3A_195 = arith.extui %sign3A_194 : i1 to i32
        %sign3A_196 = arith.constant 0 : i32
        %sign3A_197 = arith.cmpi slt, %add3A_190, %sign3A_196 : i32
        %sign3A_198 = arith.extui %sign3A_197 : i1 to i32
        %sign3A_199 = arith.subi %sign3A_195, %sign3A_198 : i32
        %sign3A_200 = arith.constant 0 : i32
        %sign3A_201 = arith.cmpi sgt, %jit3A_191, %sign3A_200 : i32
        %sign3A_202 = arith.extui %sign3A_201 : i1 to i32
        %sign3A_203 = arith.constant 0 : i32
        %sign3A_204 = arith.cmpi slt, %jit3A_191, %sign3A_203 : i32
        %sign3A_205 = arith.extui %sign3A_204 : i1 to i32
        %sign3A_206 = arith.subi %sign3A_202, %sign3A_205 : i32
        %ne3A_207 = arith.cmpi ne, %sign3A_199, %sign3A_206 : i32
        %rem3A_208 = arith.remsi %add3A_190, %jit3A_191 : i32
        %ne3A_209 = arith.constant 0 : i32
        %ne3A_210 = arith.cmpi ne, %rem3A_208, %ne3A_209 : i32
        %and3A_211 = arith.andi %ne3A_207, %ne3A_210 : i1
        %sub3A_212 = arith.constant 1 : i32
        %sub3A_213 = arith.subi %div3A_192, %sub3A_212 : i32
        %select_n3A_214 = arith.select %and3A_211, %sub3A_213, %div3A_192 : i32
        %get3A_215 = arith.index_cast %select_n3A_214 : i32 to index
        %get3A_216 = tpu.vector_load %arg10[%get3A_215] {strides = array<i32>} : memref<336xi32, #tpu.memory_space<vmem>>, vector<16xi32>,
        %get3A_217 = vector.shape_cast %get3A_216 : vector<16xi32> to vector<16xi32>
        %slice3A_218 = vector.extract_strided_slice %get3A_217 {offsets = [0], sizes = [1], strides = [1]} : vector<16xi32> to vector<1xi32>
        %squeeze3A_219 = vector.extract %slice3A_218[0] : i32 from vector<1xi32>
        %lt3A_220 = arith.cmpi slt, %squeeze3A_219, %add3A_158 : i32
        %and3A_221 = arith.andi %lt3A_189, %lt3A_220 : i1
        %add3A_222 = arith.constant 1 : i32
        %add3A_223 = arith.addi %select_n3A_214, %add3A_222 : i32
        %select_n3A_224 = arith.select %and3A_221, %add3A_223, %scan3A_187 : i32
        %not3A = arith.constant true
        %not3A_225 = arith.xori %lt3A_220, %not3A : i1
        %and3A_226 = arith.andi %lt3A_189, %not3A_225 : i1
        %select_n3A_227 = arith.select %and3A_226, %select_n3A_214, %scan3A_188 : i32
        scf.yield %select_n3A_224, %select_n3A_227 : i32, i32
      }
      %scan3A_164 = arith.constant 9 : i32
      %while3A_165 = arith.subi %scan3A_163#0, %while3A_89 : i32
      %while3A_166 = arith.addi %while3A_89, %while3A_165 : i32
      %while3A_167 = arith.constant 1 : i32
      %while3A_168 = arith.divsi %while3A_165, %while3A_167 : i32
      %while3A_169 = arith.muli %while3A_168, %while3A_167 : i32
      %while3A_170 = arith.addi %while3A_89, %while3A_169 : i32
      %while3A_171 = arith.constant 1 : i32
      %while3A_172:2 = scf.for %while3A_186 = %while3A_89 to %while3A_170 step %while3A_171 iter_args(%while3A_187 = %while3A_90, %while3A_188 = %while3A_91) -> (vector<16xf32>, vector<16xf32>)  : i32 {
        %get3A_189 = arith.index_cast %while3A_186 : i32 to index
        %get3A_190 = tpu.vector_load %arg10[%get3A_189] {strides = array<i32>} : memref<336xi32, #tpu.memory_space<vmem>>, vector<16xi32>,
        %get3A_191 = vector.shape_cast %get3A_190 : vector<16xi32> to vector<16xi32>
        %slice3A_192 = vector.extract_strided_slice %get3A_191 {offsets = [0], sizes = [1], strides = [1]} : vector<16xi32> to vector<1xi32>
        %squeeze3A_193 = vector.extract %slice3A_192[0] : i32 from vector<1xi32>
        %add3A_194 = arith.constant 1 : i32
        %add3A_195 = arith.addi %while3A_186, %add3A_194 : i32
        %get3A_196 = arith.index_cast %add3A_195 : i32 to index
        %get3A_197 = tpu.vector_load %arg10[%get3A_196] {strides = array<i32>} : memref<336xi32, #tpu.memory_space<vmem>>, vector<16xi32>,
        %get3A_198 = vector.shape_cast %get3A_197 : vector<16xi32> to vector<16xi32>
        %slice3A_199 = vector.extract_strided_slice %get3A_198 {offsets = [0], sizes = [1], strides = [1]} : vector<16xi32> to vector<1xi32>
        %squeeze3A_200 = vector.extract %slice3A_199[0] : i32 from vector<1xi32>
        %get3A_201 = arith.index_cast %while3A_186 : i32 to index
        %get3A_202 = arith.constant 0 : index
        %get3A_203 = tpu.vector_load %arg9[%get3A_201, %get3A_202] {strides = array<i32>} : memref<320x32xf32, #tpu.memory_space<vmem>>, vector<1x16xf32>,
        %get3A_204 = vector.shape_cast %get3A_203 : vector<1x16xf32> to vector<16xf32>
        %get3A_205 = arith.index_cast %while3A_186 : i32 to index
        %get3A_206 = arith.constant 16 : index
        %get3A_207 = tpu.vector_load %arg9[%get3A_205, %get3A_206] {strides = array<i32>} : memref<320x32xf32, #tpu.memory_space<vmem>>, vector<1x16xf32>,
        %get3A_208 = vector.shape_cast %get3A_207 : vector<1x16xf32> to vector<16xf32>
        %max3A = arith.maxsi %squeeze3A_193, %add3A_94 : i32
        %sub3A_209 = arith.subi %max3A, %add3A_94 : i32
        %min3A = arith.minsi %squeeze3A_200, %add3A_158 : i32
        %sub3A_210 = arith.subi %min3A, %add3A_94 : i32
        %sub3A_211 = arith.subi %sub3A_210, %sub3A_209 : i32
        %jit3A_212 = arith.constant 4 : i32
        %div3A_213 = arith.divsi %sub3A_211, %jit3A_212 : i32
        %sign3A_214 = arith.constant 0 : i32
        %sign3A_215 = arith.cmpi sgt, %sub3A_211, %sign3A_214 : i32
        %sign3A_216 = arith.extui %sign3A_215 : i1 to i32
        %sign3A_217 = arith.constant 0 : i32
        %sign3A_218 = arith.cmpi slt, %sub3A_211, %sign3A_217 : i32
        %sign3A_219 = arith.extui %sign3A_218 : i1 to i32
        %sign3A_220 = arith.subi %sign3A_216, %sign3A_219 : i32
        %sign3A_221 = arith.constant 0 : i32
        %sign3A_222 = arith.cmpi sgt, %jit3A_212, %sign3A_221 : i32
        %sign3A_223 = arith.extui %sign3A_222 : i1 to i32
        %sign3A_224 = arith.constant 0 : i32
        %sign3A_225 = arith.cmpi slt, %jit3A_212, %sign3A_224 : i32
        %sign3A_226 = arith.extui %sign3A_225 : i1 to i32
        %sign3A_227 = arith.subi %sign3A_223, %sign3A_226 : i32
        %ne3A_228 = arith.cmpi ne, %sign3A_220, %sign3A_227 : i32
        %rem3A_229 = arith.remsi %sub3A_211, %jit3A_212 : i32
        %ne3A_230 = arith.constant 0 : i32
        %ne3A_231 = arith.cmpi ne, %rem3A_229, %ne3A_230 : i32
        %and3A_232 = arith.andi %ne3A_228, %ne3A_231 : i1
        %sub3A_233 = arith.constant 1 : i32
        %sub3A_234 = arith.subi %div3A_213, %sub3A_233 : i32
        %select_n3A_235 = arith.select %and3A_232, %sub3A_234, %div3A_213 : i32
        %parallel_loop3A = arith.constant 0 : i32
        %parallel_loop3A_236 = arith.constant 1 : i32
        %parallel_loop3A_237:4 = scf.for %parallel_loop3A_258 = %parallel_loop3A to %select_n3A_235 step %parallel_loop3A_236 iter_args(%parallel_loop3A_259 = %while3A_187, %parallel_loop3A_260 = %while3A_188, %parallel_loop3A_261 = %broadcast_in_dim3A_3, %parallel_loop3A_262 = %broadcast_in_dim3A_3) -> (vector<16xf32>, vector<16xf32>, vector<16xf32>, vector<16xf32>)  : i32 {
          %parallel_loop3A_263 = arith.addi %mul3A_156, %sub3A_209 : i32
          %parallel_loop3A_264 = arith.constant 4 : i32
          %parallel_loop3A_265 = arith.muli %parallel_loop3A_258, %parallel_loop3A_264 : i32
          %parallel_loop3A_266 = arith.addi %parallel_loop3A_263, %parallel_loop3A_265 : i32
          %parallel_loop3A_267 = arith.index_cast %parallel_loop3A_266 : i32 to index
          %parallel_loop3A_268 = arith.constant 0 : index
          %parallel_loop3A_269 = tpu.vector_load %arg8[%parallel_loop3A_267, %parallel_loop3A_268] {strides = array<i32>} : memref<2048x32xf32, #tpu.memory_space<vmem>>, vector<1x16xf32>,
          %parallel_loop3A_270 = vector.shape_cast %parallel_loop3A_269 : vector<1x16xf32> to vector<16xf32>
          %parallel_loop3A_271 = arith.index_cast %parallel_loop3A_266 : i32 to index
          %parallel_loop3A_272 = arith.constant 16 : index
          %parallel_loop3A_273 = tpu.vector_load %arg8[%parallel_loop3A_271, %parallel_loop3A_272] {strides = array<i32>} : memref<2048x32xf32, #tpu.memory_space<vmem>>, vector<1x16xf32>,
          %parallel_loop3A_274 = vector.shape_cast %parallel_loop3A_273 : vector<1x16xf32> to vector<16xf32>
          %parallel_loop3A_275 = arith.constant 1 : i32
          %parallel_loop3A_276 = arith.addi %parallel_loop3A_266, %parallel_loop3A_275 : i32
          %parallel_loop3A_277 = arith.index_cast %parallel_loop3A_276 : i32 to index
          %parallel_loop3A_278 = arith.constant 0 : index
          %parallel_loop3A_279 = tpu.vector_load %arg8[%parallel_loop3A_277, %parallel_loop3A_278] {strides = array<i32>} : memref<2048x32xf32, #tpu.memory_space<vmem>>, vector<1x16xf32>,
          %parallel_loop3A_280 = vector.shape_cast %parallel_loop3A_279 : vector<1x16xf32> to vector<16xf32>
          %parallel_loop3A_281 = arith.constant 1 : i32
          %parallel_loop3A_282 = arith.addi %parallel_loop3A_266, %parallel_loop3A_281 : i32
          %parallel_loop3A_283 = arith.index_cast %parallel_loop3A_282 : i32 to index
          %parallel_loop3A_284 = arith.constant 16 : index
          %parallel_loop3A_285 = tpu.vector_load %arg8[%parallel_loop3A_283, %parallel_loop3A_284] {strides = array<i32>} : memref<2048x32xf32, #tpu.memory_space<vmem>>, vector<1x16xf32>,
          %parallel_loop3A_286 = vector.shape_cast %parallel_loop3A_285 : vector<1x16xf32> to vector<16xf32>
          %parallel_loop3A_287 = arith.constant 2 : i32
          %parallel_loop3A_288 = arith.addi %parallel_loop3A_266, %parallel_loop3A_287 : i32
          %parallel_loop3A_289 = arith.index_cast %parallel_loop3A_288 : i32 to index
          %parallel_loop3A_290 = arith.constant 0 : index
          %parallel_loop3A_291 = tpu.vector_load %arg8[%parallel_loop3A_289, %parallel_loop3A_290] {strides = array<i32>} : memref<2048x32xf32, #tpu.memory_space<vmem>>, vector<1x16xf32>,
          %parallel_loop3A_292 = vector.shape_cast %parallel_loop3A_291 : vector<1x16xf32> to vector<16xf32>
          %parallel_loop3A_293 = arith.constant 2 : i32
          %parallel_loop3A_294 = arith.addi %parallel_loop3A_266, %parallel_loop3A_293 : i32
          %parallel_loop3A_295 = arith.index_cast %parallel_loop3A_294 : i32 to index
          %parallel_loop3A_296 = arith.constant 16 : index
          %parallel_loop3A_297 = tpu.vector_load %arg8[%parallel_loop3A_295, %parallel_loop3A_296] {strides = array<i32>} : memref<2048x32xf32, #tpu.memory_space<vmem>>, vector<1x16xf32>,
          %parallel_loop3A_298 = vector.shape_cast %parallel_loop3A_297 : vector<1x16xf32> to vector<16xf32>
          %parallel_loop3A_299 = arith.constant 3 : i32
          %parallel_loop3A_300 = arith.addi %parallel_loop3A_266, %parallel_loop3A_299 : i32
          %parallel_loop3A_301 = arith.index_cast %parallel_loop3A_300 : i32 to index
          %parallel_loop3A_302 = arith.constant 0 : index
          %parallel_loop3A_303 = tpu.vector_load %arg8[%parallel_loop3A_301, %parallel_loop3A_302] {strides = array<i32>} : memref<2048x32xf32, #tpu.memory_space<vmem>>, vector<1x16xf32>,
          %parallel_loop3A_304 = vector.shape_cast %parallel_loop3A_303 : vector<1x16xf32> to vector<16xf32>
          %parallel_loop3A_305 = arith.constant 3 : i32
          %parallel_loop3A_306 = arith.addi %parallel_loop3A_266, %parallel_loop3A_305 : i32
          %parallel_loop3A_307 = arith.index_cast %parallel_loop3A_306 : i32 to index
          %parallel_loop3A_308 = arith.constant 16 : index
          %parallel_loop3A_309 = tpu.vector_load %arg8[%parallel_loop3A_307, %parallel_loop3A_308] {strides = array<i32>} : memref<2048x32xf32, #tpu.memory_space<vmem>>, vector<1x16xf32>,
          %parallel_loop3A_310 = vector.shape_cast %parallel_loop3A_309 : vector<1x16xf32> to vector<16xf32>
          %parallel_loop3A_311 = arith.addf %parallel_loop3A_270, %get3A_204 : vector<16xf32>
          %parallel_loop3A_312 = arith.constant 0.000000e+00 : f32
          %parallel_loop3A_313 = vector.broadcast %parallel_loop3A_312 : f32 to vector<16xf32>
          %parallel_loop3A_314 = arith.maximumf %parallel_loop3A_311, %parallel_loop3A_313 : vector<16xf32>
          %parallel_loop3A_315 = arith.addf %parallel_loop3A_259, %parallel_loop3A_314 : vector<16xf32>
          %parallel_loop3A_316 = arith.addf %parallel_loop3A_274, %get3A_208 : vector<16xf32>
          %parallel_loop3A_317 = arith.constant 0.000000e+00 : f32
          %parallel_loop3A_318 = vector.broadcast %parallel_loop3A_317 : f32 to vector<16xf32>
          %parallel_loop3A_319 = arith.maximumf %parallel_loop3A_316, %parallel_loop3A_318 : vector<16xf32>
          %parallel_loop3A_320 = arith.addf %parallel_loop3A_260, %parallel_loop3A_319 : vector<16xf32>
          %parallel_loop3A_321 = arith.addf %parallel_loop3A_280, %get3A_204 : vector<16xf32>
          %parallel_loop3A_322 = arith.constant 0.000000e+00 : f32
          %parallel_loop3A_323 = vector.broadcast %parallel_loop3A_322 : f32 to vector<16xf32>
          %parallel_loop3A_324 = arith.maximumf %parallel_loop3A_321, %parallel_loop3A_323 : vector<16xf32>
          %parallel_loop3A_325 = arith.addf %parallel_loop3A_261, %parallel_loop3A_324 : vector<16xf32>
          %parallel_loop3A_326 = arith.addf %parallel_loop3A_286, %get3A_208 : vector<16xf32>
          %parallel_loop3A_327 = arith.constant 0.000000e+00 : f32
          %parallel_loop3A_328 = vector.broadcast %parallel_loop3A_327 : f32 to vector<16xf32>
          %parallel_loop3A_329 = arith.maximumf %parallel_loop3A_326, %parallel_loop3A_328 : vector<16xf32>
          %parallel_loop3A_330 = arith.addf %parallel_loop3A_262, %parallel_loop3A_329 : vector<16xf32>
          %parallel_loop3A_331 = arith.addf %parallel_loop3A_292, %get3A_204 : vector<16xf32>
          %parallel_loop3A_332 = arith.constant 0.000000e+00 : f32
          %parallel_loop3A_333 = vector.broadcast %parallel_loop3A_332 : f32 to vector<16xf32>
          %parallel_loop3A_334 = arith.maximumf %parallel_loop3A_331, %parallel_loop3A_333 : vector<16xf32>
          %parallel_loop3A_335 = arith.addf %parallel_loop3A_315, %parallel_loop3A_334 : vector<16xf32>
          %parallel_loop3A_336 = arith.addf %parallel_loop3A_298, %get3A_208 : vector<16xf32>
          %parallel_loop3A_337 = arith.constant 0.000000e+00 : f32
          %parallel_loop3A_338 = vector.broadcast %parallel_loop3A_337 : f32 to vector<16xf32>
          %parallel_loop3A_339 = arith.maximumf %parallel_loop3A_336, %parallel_loop3A_338 : vector<16xf32>
          %parallel_loop3A_340 = arith.addf %parallel_loop3A_320, %parallel_loop3A_339 : vector<16xf32>
          %parallel_loop3A_341 = arith.addf %parallel_loop3A_304, %get3A_204 : vector<16xf32>
          %parallel_loop3A_342 = arith.constant 0.000000e+00 : f32
          %parallel_loop3A_343 = vector.broadcast %parallel_loop3A_342 : f32 to vector<16xf32>
          %parallel_loop3A_344 = arith.maximumf %parallel_loop3A_341, %parallel_loop3A_343 : vector<16xf32>
          %parallel_loop3A_345 = arith.addf %parallel_loop3A_325, %parallel_loop3A_344 : vector<16xf32>
          %parallel_loop3A_346 = arith.addf %parallel_loop3A_310, %get3A_208 : vector<16xf32>
          %parallel_loop3A_347 = arith.constant 0.000000e+00 : f32
          %parallel_loop3A_348 = vector.broadcast %parallel_loop3A_347 : f32 to vector<16xf32>
          %parallel_loop3A_349 = arith.maximumf %parallel_loop3A_346, %parallel_loop3A_348 : vector<16xf32>
          %parallel_loop3A_350 = arith.addf %parallel_loop3A_330, %parallel_loop3A_349 : vector<16xf32>
          scf.yield %parallel_loop3A_335, %parallel_loop3A_340, %parallel_loop3A_345, %parallel_loop3A_350 : vector<16xf32>, vector<16xf32>, vector<16xf32>, vector<16xf32>
        } {sc.loop_unroll_factor = 2 : i64, sc.parallel_access}
        %mul3A_238 = arith.constant 4 : i32
        %mul3A_239 = arith.muli %select_n3A_235, %mul3A_238 : i32
        %add3A_240 = arith.addi %sub3A_209, %mul3A_239 : i32
        %while3A_241 = arith.subi %sub3A_210, %add3A_240 : i32
        %while3A_242 = arith.addi %add3A_240, %while3A_241 : i32
        %while3A_243 = arith.constant 1 : i32
        %while3A_244 = arith.divsi %while3A_241, %while3A_243 : i32
        %while3A_245 = arith.muli %while3A_244, %while3A_243 : i32
        %while3A_246 = arith.addi %add3A_240, %while3A_245 : i32
        %while3A_247 = arith.constant 1 : i32
        %while3A_248:2 = scf.for %while3A_258 = %add3A_240 to %while3A_246 step %while3A_247 iter_args(%while3A_259 = %parallel_loop3A_237#0, %while3A_260 = %parallel_loop3A_237#1) -> (vector<16xf32>, vector<16xf32>)  : i32 {
          %add3A_261 = arith.addi %mul3A_156, %while3A_258 : i32
          %get3A_262 = arith.index_cast %add3A_261 : i32 to index
          %get3A_263 = arith.constant 0 : index
          %get3A_264 = tpu.vector_load %arg8[%get3A_262, %get3A_263] {strides = array<i32>} : memref<2048x32xf32, #tpu.memory_space<vmem>>, vector<1x16xf32>,
          %get3A_265 = vector.shape_cast %get3A_264 : vector<1x16xf32> to vector<16xf32>
          %add3A_266 = arith.addi %mul3A_156, %while3A_258 : i32
          %get3A_267 = arith.index_cast %add3A_266 : i32 to index
          %get3A_268 = arith.constant 16 : index
          %get3A_269 = tpu.vector_load %arg8[%get3A_267, %get3A_268] {strides = array<i32>} : memref<2048x32xf32, #tpu.memory_space<vmem>>, vector<1x16xf32>,
          %get3A_270 = vector.shape_cast %get3A_269 : vector<1x16xf32> to vector<16xf32>
          %add3A_271 = arith.addf %get3A_265, %get3A_204 : vector<16xf32>
          %max3A_272 = arith.constant 0.000000e+00 : f32
          %max3A_273 = vector.broadcast %max3A_272 : f32 to vector<16xf32>
          %max3A_274 = arith.maximumf %add3A_271, %max3A_273 : vector<16xf32>
          %add3A_275 = arith.addf %while3A_259, %max3A_274 : vector<16xf32>
          %add3A_276 = arith.addf %get3A_270, %get3A_208 : vector<16xf32>
          %max3A_277 = arith.constant 0.000000e+00 : f32
          %max3A_278 = vector.broadcast %max3A_277 : f32 to vector<16xf32>
          %max3A_279 = arith.maximumf %add3A_276, %max3A_278 : vector<16xf32>
          %add3A_280 = arith.addf %while3A_260, %max3A_279 : vector<16xf32>
          scf.yield %add3A_275, %add3A_280 : vector<16xf32>, vector<16xf32>
        }
        %while3A_249 = arith.constant 1 : i32
        %while3A_250:2 = scf.for %while3A_258 = %while3A_246 to %while3A_242 step %while3A_249 iter_args(%while3A_259 = %while3A_248#0, %while3A_260 = %while3A_248#1) -> (vector<16xf32>, vector<16xf32>)  : i32 {
          %add3A_261 = arith.addi %mul3A_156, %while3A_258 : i32
          %get3A_262 = arith.index_cast %add3A_261 : i32 to index
          %get3A_263 = arith.constant 0 : index
          %get3A_264 = tpu.vector_load %arg8[%get3A_262, %get3A_263] {strides = array<i32>} : memref<2048x32xf32, #tpu.memory_space<vmem>>, vector<1x16xf32>,
          %get3A_265 = vector.shape_cast %get3A_264 : vector<1x16xf32> to vector<16xf32>
          %add3A_266 = arith.addi %mul3A_156, %while3A_258 : i32
          %get3A_267 = arith.index_cast %add3A_266 : i32 to index
          %get3A_268 = arith.constant 16 : index
          %get3A_269 = tpu.vector_load %arg8[%get3A_267, %get3A_268] {strides = array<i32>} : memref<2048x32xf32, #tpu.memory_space<vmem>>, vector<1x16xf32>,
          %get3A_270 = vector.shape_cast %get3A_269 : vector<1x16xf32> to vector<16xf32>
          %add3A_271 = arith.addf %get3A_265, %get3A_204 : vector<16xf32>
          %max3A_272 = arith.constant 0.000000e+00 : f32
          %max3A_273 = vector.broadcast %max3A_272 : f32 to vector<16xf32>
          %max3A_274 = arith.maximumf %add3A_271, %max3A_273 : vector<16xf32>
          %add3A_275 = arith.addf %while3A_259, %max3A_274 : vector<16xf32>
          %add3A_276 = arith.addf %get3A_270, %get3A_208 : vector<16xf32>
          %max3A_277 = arith.constant 0.000000e+00 : f32
          %max3A_278 = vector.broadcast %max3A_277 : f32 to vector<16xf32>
          %max3A_279 = arith.maximumf %add3A_276, %max3A_278 : vector<16xf32>
          %add3A_280 = arith.addf %while3A_260, %max3A_279 : vector<16xf32>
          scf.yield %add3A_275, %add3A_280 : vector<16xf32>, vector<16xf32>
        }
        %add3A_251 = arith.addf %while3A_250#0, %parallel_loop3A_237#2 : vector<16xf32>
        %add3A_252 = arith.addf %while3A_250#1, %parallel_loop3A_237#3 : vector<16xf32>
        %le3A = arith.cmpi sle, %squeeze3A_200, %add3A_158 : i32
        %convert_element_type3A_253 = arith.extui %le3A : i1 to i32
        %cond3A_254 = arith.constant 0 : i32
        %cond3A_255 = arith.cmpi ne, %convert_element_type3A_253, %cond3A_254 : i32
        scf.if %cond3A_255 {
          %sub3A_258 = arith.subi %squeeze3A_200, %squeeze3A_193 : i32
          %convert_element_type3A_259 = arith.sitofp %sub3A_258 : i32 to f32
          %broadcast_in_dim3A_260 = vector.broadcast %convert_element_type3A_259 : f32 to vector<16xf32>
          %max3A_261 = arith.constant 1.000000e+00 : f32
          %max3A_262 = vector.broadcast %max3A_261 : f32 to vector<16xf32>
          %max3A_263 = arith.maximumf %broadcast_in_dim3A_260, %max3A_262 : vector<16xf32>
          %div3A_264 = arith.divf %add3A_251, %max3A_263 : vector<16xf32>
          %mul3A_265 = arith.constant 128 : i32
          %mul3A_266 = arith.muli %while3A_186, %mul3A_265 : i32
          %swap3A = arith.index_cast %mul3A_266 : i32 to index
          %swap3A_267 = tpu.vector_load %arg11[%swap3A] {strides = array<i32>} : memref<40960xf32, #tpu.memory_space<vmem>>, vector<16xf32>,
          %swap3A_268 = vector.shape_cast %swap3A_267 : vector<16xf32> to vector<16xf32>
          %swap3A_269 = vector.shape_cast %div3A_264 : vector<16xf32> to vector<16xf32>
          tpu.vector_store %arg11[%swap3A], %swap3A_269 {strides = array<i32>} : memref<40960xf32, #tpu.memory_space<vmem>>, vector<16xf32>,
          %div3A_270 = arith.divf %add3A_252, %max3A_263 : vector<16xf32>
          %mul3A_271 = arith.constant 128 : i32
          %mul3A_272 = arith.muli %while3A_186, %mul3A_271 : i32
          %add3A_273 = arith.constant 16 : i32
          %add3A_274 = arith.addi %mul3A_272, %add3A_273 : i32
          %swap3A_275 = arith.index_cast %add3A_274 : i32 to index
          %swap3A_276 = tpu.vector_load %arg11[%swap3A_275] {strides = array<i32>} : memref<40960xf32, #tpu.memory_space<vmem>>, vector<16xf32>,
          %swap3A_277 = vector.shape_cast %swap3A_276 : vector<16xf32> to vector<16xf32>
          %swap3A_278 = vector.shape_cast %div3A_270 : vector<16xf32> to vector<16xf32>
          tpu.vector_store %arg11[%swap3A_275], %swap3A_278 {strides = array<i32>} : memref<40960xf32, #tpu.memory_space<vmem>>, vector<16xf32>,
          %gt3A_279 = arith.constant 0 : i32
          %gt3A_280 = arith.cmpi sgt, %sub3A_258, %gt3A_279 : i32
          %select_n3A_281 = arith.select %gt3A_280, %broadcast_in_dim3A_5, %broadcast_in_dim3A_3 : vector<16xf32>
          %mul3A_282 = arith.constant 128 : i32
          %mul3A_283 = arith.muli %while3A_186, %mul3A_282 : i32
          %add3A_284 = arith.constant 32 : i32
          %add3A_285 = arith.addi %mul3A_283, %add3A_284 : i32
          %swap3A_286 = arith.index_cast %add3A_285 : i32 to index
          %swap3A_287 = tpu.vector_load %arg11[%swap3A_286] {strides = array<i32>} : memref<40960xf32, #tpu.memory_space<vmem>>, vector<16xf32>,
          %swap3A_288 = vector.shape_cast %swap3A_287 : vector<16xf32> to vector<16xf32>
          %swap3A_289 = vector.shape_cast %select_n3A_281 : vector<16xf32> to vector<16xf32>
          tpu.vector_store %arg11[%swap3A_286], %swap3A_289 {strides = array<i32>} : memref<40960xf32, #tpu.memory_space<vmem>>, vector<16xf32>,
        } else {
        }
        %select_n3A_256 = arith.select %le3A, %broadcast_in_dim3A_3, %add3A_251 : vector<16xf32>
        %select_n3A_257 = arith.select %le3A, %broadcast_in_dim3A_3, %add3A_252 : vector<16xf32>
        scf.yield %select_n3A_256, %select_n3A_257 : vector<16xf32>, vector<16xf32>
      }
      %while3A_173 = arith.constant 1 : i32
      %while3A_174:2 = scf.for %while3A_186 = %while3A_170 to %while3A_166 step %while3A_173 iter_args(%while3A_187 = %while3A_172#0, %while3A_188 = %while3A_172#1) -> (vector<16xf32>, vector<16xf32>)  : i32 {
        %get3A_189 = arith.index_cast %while3A_186 : i32 to index
        %get3A_190 = tpu.vector_load %arg10[%get3A_189] {strides = array<i32>} : memref<336xi32, #tpu.memory_space<vmem>>, vector<16xi32>,
        %get3A_191 = vector.shape_cast %get3A_190 : vector<16xi32> to vector<16xi32>
        %slice3A_192 = vector.extract_strided_slice %get3A_191 {offsets = [0], sizes = [1], strides = [1]} : vector<16xi32> to vector<1xi32>
        %squeeze3A_193 = vector.extract %slice3A_192[0] : i32 from vector<1xi32>
        %add3A_194 = arith.constant 1 : i32
        %add3A_195 = arith.addi %while3A_186, %add3A_194 : i32
        %get3A_196 = arith.index_cast %add3A_195 : i32 to index
        %get3A_197 = tpu.vector_load %arg10[%get3A_196] {strides = array<i32>} : memref<336xi32, #tpu.memory_space<vmem>>, vector<16xi32>,
        %get3A_198 = vector.shape_cast %get3A_197 : vector<16xi32> to vector<16xi32>
        %slice3A_199 = vector.extract_strided_slice %get3A_198 {offsets = [0], sizes = [1], strides = [1]} : vector<16xi32> to vector<1xi32>
        %squeeze3A_200 = vector.extract %slice3A_199[0] : i32 from vector<1xi32>
        %get3A_201 = arith.index_cast %while3A_186 : i32 to index
        %get3A_202 = arith.constant 0 : index
        %get3A_203 = tpu.vector_load %arg9[%get3A_201, %get3A_202] {strides = array<i32>} : memref<320x32xf32, #tpu.memory_space<vmem>>, vector<1x16xf32>,
        %get3A_204 = vector.shape_cast %get3A_203 : vector<1x16xf32> to vector<16xf32>
        %get3A_205 = arith.index_cast %while3A_186 : i32 to index
        %get3A_206 = arith.constant 16 : index
        %get3A_207 = tpu.vector_load %arg9[%get3A_205, %get3A_206] {strides = array<i32>} : memref<320x32xf32, #tpu.memory_space<vmem>>, vector<1x16xf32>,
        %get3A_208 = vector.shape_cast %get3A_207 : vector<1x16xf32> to vector<16xf32>
        %max3A = arith.maxsi %squeeze3A_193, %add3A_94 : i32
        %sub3A_209 = arith.subi %max3A, %add3A_94 : i32
        %min3A = arith.minsi %squeeze3A_200, %add3A_158 : i32
        %sub3A_210 = arith.subi %min3A, %add3A_94 : i32
        %sub3A_211 = arith.subi %sub3A_210, %sub3A_209 : i32
        %jit3A_212 = arith.constant 4 : i32
        %div3A_213 = arith.divsi %sub3A_211, %jit3A_212 : i32
        %sign3A_214 = arith.constant 0 : i32
        %sign3A_215 = arith.cmpi sgt, %sub3A_211, %sign3A_214 : i32
        %sign3A_216 = arith.extui %sign3A_215 : i1 to i32
        %sign3A_217 = arith.constant 0 : i32
        %sign3A_218 = arith.cmpi slt, %sub3A_211, %sign3A_217 : i32
        %sign3A_219 = arith.extui %sign3A_218 : i1 to i32
        %sign3A_220 = arith.subi %sign3A_216, %sign3A_219 : i32
        %sign3A_221 = arith.constant 0 : i32
        %sign3A_222 = arith.cmpi sgt, %jit3A_212, %sign3A_221 : i32
        %sign3A_223 = arith.extui %sign3A_222 : i1 to i32
        %sign3A_224 = arith.constant 0 : i32
        %sign3A_225 = arith.cmpi slt, %jit3A_212, %sign3A_224 : i32
        %sign3A_226 = arith.extui %sign3A_225 : i1 to i32
        %sign3A_227 = arith.subi %sign3A_223, %sign3A_226 : i32
        %ne3A_228 = arith.cmpi ne, %sign3A_220, %sign3A_227 : i32
        %rem3A_229 = arith.remsi %sub3A_211, %jit3A_212 : i32
        %ne3A_230 = arith.constant 0 : i32
        %ne3A_231 = arith.cmpi ne, %rem3A_229, %ne3A_230 : i32
        %and3A_232 = arith.andi %ne3A_228, %ne3A_231 : i1
        %sub3A_233 = arith.constant 1 : i32
        %sub3A_234 = arith.subi %div3A_213, %sub3A_233 : i32
        %select_n3A_235 = arith.select %and3A_232, %sub3A_234, %div3A_213 : i32
        %parallel_loop3A = arith.constant 0 : i32
        %parallel_loop3A_236 = arith.constant 1 : i32
        %parallel_loop3A_237:4 = scf.for %parallel_loop3A_258 = %parallel_loop3A to %select_n3A_235 step %parallel_loop3A_236 iter_args(%parallel_loop3A_259 = %while3A_187, %parallel_loop3A_260 = %while3A_188, %parallel_loop3A_261 = %broadcast_in_dim3A_3, %parallel_loop3A_262 = %broadcast_in_dim3A_3) -> (vector<16xf32>, vector<16xf32>, vector<16xf32>, vector<16xf32>)  : i32 {
          %parallel_loop3A_263 = arith.addi %mul3A_156, %sub3A_209 : i32
          %parallel_loop3A_264 = arith.constant 4 : i32
          %parallel_loop3A_265 = arith.muli %parallel_loop3A_258, %parallel_loop3A_264 : i32
          %parallel_loop3A_266 = arith.addi %parallel_loop3A_263, %parallel_loop3A_265 : i32
          %parallel_loop3A_267 = arith.index_cast %parallel_loop3A_266 : i32 to index
          %parallel_loop3A_268 = arith.constant 0 : index
          %parallel_loop3A_269 = tpu.vector_load %arg8[%parallel_loop3A_267, %parallel_loop3A_268] {strides = array<i32>} : memref<2048x32xf32, #tpu.memory_space<vmem>>, vector<1x16xf32>,
          %parallel_loop3A_270 = vector.shape_cast %parallel_loop3A_269 : vector<1x16xf32> to vector<16xf32>
          %parallel_loop3A_271 = arith.index_cast %parallel_loop3A_266 : i32 to index
          %parallel_loop3A_272 = arith.constant 16 : index
          %parallel_loop3A_273 = tpu.vector_load %arg8[%parallel_loop3A_271, %parallel_loop3A_272] {strides = array<i32>} : memref<2048x32xf32, #tpu.memory_space<vmem>>, vector<1x16xf32>,
          %parallel_loop3A_274 = vector.shape_cast %parallel_loop3A_273 : vector<1x16xf32> to vector<16xf32>
          %parallel_loop3A_275 = arith.constant 1 : i32
          %parallel_loop3A_276 = arith.addi %parallel_loop3A_266, %parallel_loop3A_275 : i32
          %parallel_loop3A_277 = arith.index_cast %parallel_loop3A_276 : i32 to index
          %parallel_loop3A_278 = arith.constant 0 : index
          %parallel_loop3A_279 = tpu.vector_load %arg8[%parallel_loop3A_277, %parallel_loop3A_278] {strides = array<i32>} : memref<2048x32xf32, #tpu.memory_space<vmem>>, vector<1x16xf32>,
          %parallel_loop3A_280 = vector.shape_cast %parallel_loop3A_279 : vector<1x16xf32> to vector<16xf32>
          %parallel_loop3A_281 = arith.constant 1 : i32
          %parallel_loop3A_282 = arith.addi %parallel_loop3A_266, %parallel_loop3A_281 : i32
          %parallel_loop3A_283 = arith.index_cast %parallel_loop3A_282 : i32 to index
          %parallel_loop3A_284 = arith.constant 16 : index
          %parallel_loop3A_285 = tpu.vector_load %arg8[%parallel_loop3A_283, %parallel_loop3A_284] {strides = array<i32>} : memref<2048x32xf32, #tpu.memory_space<vmem>>, vector<1x16xf32>,
          %parallel_loop3A_286 = vector.shape_cast %parallel_loop3A_285 : vector<1x16xf32> to vector<16xf32>
          %parallel_loop3A_287 = arith.constant 2 : i32
          %parallel_loop3A_288 = arith.addi %parallel_loop3A_266, %parallel_loop3A_287 : i32
          %parallel_loop3A_289 = arith.index_cast %parallel_loop3A_288 : i32 to index
          %parallel_loop3A_290 = arith.constant 0 : index
          %parallel_loop3A_291 = tpu.vector_load %arg8[%parallel_loop3A_289, %parallel_loop3A_290] {strides = array<i32>} : memref<2048x32xf32, #tpu.memory_space<vmem>>, vector<1x16xf32>,
          %parallel_loop3A_292 = vector.shape_cast %parallel_loop3A_291 : vector<1x16xf32> to vector<16xf32>
          %parallel_loop3A_293 = arith.constant 2 : i32
          %parallel_loop3A_294 = arith.addi %parallel_loop3A_266, %parallel_loop3A_293 : i32
          %parallel_loop3A_295 = arith.index_cast %parallel_loop3A_294 : i32 to index
          %parallel_loop3A_296 = arith.constant 16 : index
          %parallel_loop3A_297 = tpu.vector_load %arg8[%parallel_loop3A_295, %parallel_loop3A_296] {strides = array<i32>} : memref<2048x32xf32, #tpu.memory_space<vmem>>, vector<1x16xf32>,
          %parallel_loop3A_298 = vector.shape_cast %parallel_loop3A_297 : vector<1x16xf32> to vector<16xf32>
          %parallel_loop3A_299 = arith.constant 3 : i32
          %parallel_loop3A_300 = arith.addi %parallel_loop3A_266, %parallel_loop3A_299 : i32
          %parallel_loop3A_301 = arith.index_cast %parallel_loop3A_300 : i32 to index
          %parallel_loop3A_302 = arith.constant 0 : index
          %parallel_loop3A_303 = tpu.vector_load %arg8[%parallel_loop3A_301, %parallel_loop3A_302] {strides = array<i32>} : memref<2048x32xf32, #tpu.memory_space<vmem>>, vector<1x16xf32>,
          %parallel_loop3A_304 = vector.shape_cast %parallel_loop3A_303 : vector<1x16xf32> to vector<16xf32>
          %parallel_loop3A_305 = arith.constant 3 : i32
          %parallel_loop3A_306 = arith.addi %parallel_loop3A_266, %parallel_loop3A_305 : i32
          %parallel_loop3A_307 = arith.index_cast %parallel_loop3A_306 : i32 to index
          %parallel_loop3A_308 = arith.constant 16 : index
          %parallel_loop3A_309 = tpu.vector_load %arg8[%parallel_loop3A_307, %parallel_loop3A_308] {strides = array<i32>} : memref<2048x32xf32, #tpu.memory_space<vmem>>, vector<1x16xf32>,
          %parallel_loop3A_310 = vector.shape_cast %parallel_loop3A_309 : vector<1x16xf32> to vector<16xf32>
          %parallel_loop3A_311 = arith.addf %parallel_loop3A_270, %get3A_204 : vector<16xf32>
          %parallel_loop3A_312 = arith.constant 0.000000e+00 : f32
          %parallel_loop3A_313 = vector.broadcast %parallel_loop3A_312 : f32 to vector<16xf32>
          %parallel_loop3A_314 = arith.maximumf %parallel_loop3A_311, %parallel_loop3A_313 : vector<16xf32>
          %parallel_loop3A_315 = arith.addf %parallel_loop3A_259, %parallel_loop3A_314 : vector<16xf32>
          %parallel_loop3A_316 = arith.addf %parallel_loop3A_274, %get3A_208 : vector<16xf32>
          %parallel_loop3A_317 = arith.constant 0.000000e+00 : f32
          %parallel_loop3A_318 = vector.broadcast %parallel_loop3A_317 : f32 to vector<16xf32>
          %parallel_loop3A_319 = arith.maximumf %parallel_loop3A_316, %parallel_loop3A_318 : vector<16xf32>
          %parallel_loop3A_320 = arith.addf %parallel_loop3A_260, %parallel_loop3A_319 : vector<16xf32>
          %parallel_loop3A_321 = arith.addf %parallel_loop3A_280, %get3A_204 : vector<16xf32>
          %parallel_loop3A_322 = arith.constant 0.000000e+00 : f32
          %parallel_loop3A_323 = vector.broadcast %parallel_loop3A_322 : f32 to vector<16xf32>
          %parallel_loop3A_324 = arith.maximumf %parallel_loop3A_321, %parallel_loop3A_323 : vector<16xf32>
          %parallel_loop3A_325 = arith.addf %parallel_loop3A_261, %parallel_loop3A_324 : vector<16xf32>
          %parallel_loop3A_326 = arith.addf %parallel_loop3A_286, %get3A_208 : vector<16xf32>
          %parallel_loop3A_327 = arith.constant 0.000000e+00 : f32
          %parallel_loop3A_328 = vector.broadcast %parallel_loop3A_327 : f32 to vector<16xf32>
          %parallel_loop3A_329 = arith.maximumf %parallel_loop3A_326, %parallel_loop3A_328 : vector<16xf32>
          %parallel_loop3A_330 = arith.addf %parallel_loop3A_262, %parallel_loop3A_329 : vector<16xf32>
          %parallel_loop3A_331 = arith.addf %parallel_loop3A_292, %get3A_204 : vector<16xf32>
          %parallel_loop3A_332 = arith.constant 0.000000e+00 : f32
          %parallel_loop3A_333 = vector.broadcast %parallel_loop3A_332 : f32 to vector<16xf32>
          %parallel_loop3A_334 = arith.maximumf %parallel_loop3A_331, %parallel_loop3A_333 : vector<16xf32>
          %parallel_loop3A_335 = arith.addf %parallel_loop3A_315, %parallel_loop3A_334 : vector<16xf32>
          %parallel_loop3A_336 = arith.addf %parallel_loop3A_298, %get3A_208 : vector<16xf32>
          %parallel_loop3A_337 = arith.constant 0.000000e+00 : f32
          %parallel_loop3A_338 = vector.broadcast %parallel_loop3A_337 : f32 to vector<16xf32>
          %parallel_loop3A_339 = arith.maximumf %parallel_loop3A_336, %parallel_loop3A_338 : vector<16xf32>
          %parallel_loop3A_340 = arith.addf %parallel_loop3A_320, %parallel_loop3A_339 : vector<16xf32>
          %parallel_loop3A_341 = arith.addf %parallel_loop3A_304, %get3A_204 : vector<16xf32>
          %parallel_loop3A_342 = arith.constant 0.000000e+00 : f32
          %parallel_loop3A_343 = vector.broadcast %parallel_loop3A_342 : f32 to vector<16xf32>
          %parallel_loop3A_344 = arith.maximumf %parallel_loop3A_341, %parallel_loop3A_343 : vector<16xf32>
          %parallel_loop3A_345 = arith.addf %parallel_loop3A_325, %parallel_loop3A_344 : vector<16xf32>
          %parallel_loop3A_346 = arith.addf %parallel_loop3A_310, %get3A_208 : vector<16xf32>
          %parallel_loop3A_347 = arith.constant 0.000000e+00 : f32
          %parallel_loop3A_348 = vector.broadcast %parallel_loop3A_347 : f32 to vector<16xf32>
          %parallel_loop3A_349 = arith.maximumf %parallel_loop3A_346, %parallel_loop3A_348 : vector<16xf32>
          %parallel_loop3A_350 = arith.addf %parallel_loop3A_330, %parallel_loop3A_349 : vector<16xf32>
          scf.yield %parallel_loop3A_335, %parallel_loop3A_340, %parallel_loop3A_345, %parallel_loop3A_350 : vector<16xf32>, vector<16xf32>, vector<16xf32>, vector<16xf32>
        } {sc.loop_unroll_factor = 2 : i64, sc.parallel_access}
        %mul3A_238 = arith.constant 4 : i32
        %mul3A_239 = arith.muli %select_n3A_235, %mul3A_238 : i32
        %add3A_240 = arith.addi %sub3A_209, %mul3A_239 : i32
        %while3A_241 = arith.subi %sub3A_210, %add3A_240 : i32
        %while3A_242 = arith.addi %add3A_240, %while3A_241 : i32
        %while3A_243 = arith.constant 1 : i32
        %while3A_244 = arith.divsi %while3A_241, %while3A_243 : i32
        %while3A_245 = arith.muli %while3A_244, %while3A_243 : i32
        %while3A_246 = arith.addi %add3A_240, %while3A_245 : i32
        %while3A_247 = arith.constant 1 : i32
        %while3A_248:2 = scf.for %while3A_258 = %add3A_240 to %while3A_246 step %while3A_247 iter_args(%while3A_259 = %parallel_loop3A_237#0, %while3A_260 = %parallel_loop3A_237#1) -> (vector<16xf32>, vector<16xf32>)  : i32 {
          %add3A_261 = arith.addi %mul3A_156, %while3A_258 : i32
          %get3A_262 = arith.index_cast %add3A_261 : i32 to index
          %get3A_263 = arith.constant 0 : index
          %get3A_264 = tpu.vector_load %arg8[%get3A_262, %get3A_263] {strides = array<i32>} : memref<2048x32xf32, #tpu.memory_space<vmem>>, vector<1x16xf32>,
          %get3A_265 = vector.shape_cast %get3A_264 : vector<1x16xf32> to vector<16xf32>
          %add3A_266 = arith.addi %mul3A_156, %while3A_258 : i32
          %get3A_267 = arith.index_cast %add3A_266 : i32 to index
          %get3A_268 = arith.constant 16 : index
          %get3A_269 = tpu.vector_load %arg8[%get3A_267, %get3A_268] {strides = array<i32>} : memref<2048x32xf32, #tpu.memory_space<vmem>>, vector<1x16xf32>,
          %get3A_270 = vector.shape_cast %get3A_269 : vector<1x16xf32> to vector<16xf32>
          %add3A_271 = arith.addf %get3A_265, %get3A_204 : vector<16xf32>
          %max3A_272 = arith.constant 0.000000e+00 : f32
          %max3A_273 = vector.broadcast %max3A_272 : f32 to vector<16xf32>
          %max3A_274 = arith.maximumf %add3A_271, %max3A_273 : vector<16xf32>
          %add3A_275 = arith.addf %while3A_259, %max3A_274 : vector<16xf32>
          %add3A_276 = arith.addf %get3A_270, %get3A_208 : vector<16xf32>
          %max3A_277 = arith.constant 0.000000e+00 : f32
          %max3A_278 = vector.broadcast %max3A_277 : f32 to vector<16xf32>
          %max3A_279 = arith.maximumf %add3A_276, %max3A_278 : vector<16xf32>
          %add3A_280 = arith.addf %while3A_260, %max3A_279 : vector<16xf32>
          scf.yield %add3A_275, %add3A_280 : vector<16xf32>, vector<16xf32>
        }
        %while3A_249 = arith.constant 1 : i32
        %while3A_250:2 = scf.for %while3A_258 = %while3A_246 to %while3A_242 step %while3A_249 iter_args(%while3A_259 = %while3A_248#0, %while3A_260 = %while3A_248#1) -> (vector<16xf32>, vector<16xf32>)  : i32 {
          %add3A_261 = arith.addi %mul3A_156, %while3A_258 : i32
          %get3A_262 = arith.index_cast %add3A_261 : i32 to index
          %get3A_263 = arith.constant 0 : index
          %get3A_264 = tpu.vector_load %arg8[%get3A_262, %get3A_263] {strides = array<i32>} : memref<2048x32xf32, #tpu.memory_space<vmem>>, vector<1x16xf32>,
          %get3A_265 = vector.shape_cast %get3A_264 : vector<1x16xf32> to vector<16xf32>
          %add3A_266 = arith.addi %mul3A_156, %while3A_258 : i32
          %get3A_267 = arith.index_cast %add3A_266 : i32 to index
          %get3A_268 = arith.constant 16 : index
          %get3A_269 = tpu.vector_load %arg8[%get3A_267, %get3A_268] {strides = array<i32>} : memref<2048x32xf32, #tpu.memory_space<vmem>>, vector<1x16xf32>,
          %get3A_270 = vector.shape_cast %get3A_269 : vector<1x16xf32> to vector<16xf32>
          %add3A_271 = arith.addf %get3A_265, %get3A_204 : vector<16xf32>
          %max3A_272 = arith.constant 0.000000e+00 : f32
          %max3A_273 = vector.broadcast %max3A_272 : f32 to vector<16xf32>
          %max3A_274 = arith.maximumf %add3A_271, %max3A_273 : vector<16xf32>
          %add3A_275 = arith.addf %while3A_259, %max3A_274 : vector<16xf32>
          %add3A_276 = arith.addf %get3A_270, %get3A_208 : vector<16xf32>
          %max3A_277 = arith.constant 0.000000e+00 : f32
          %max3A_278 = vector.broadcast %max3A_277 : f32 to vector<16xf32>
          %max3A_279 = arith.maximumf %add3A_276, %max3A_278 : vector<16xf32>
          %add3A_280 = arith.addf %while3A_260, %max3A_279 : vector<16xf32>
          scf.yield %add3A_275, %add3A_280 : vector<16xf32>, vector<16xf32>
        }
        %add3A_251 = arith.addf %while3A_250#0, %parallel_loop3A_237#2 : vector<16xf32>
        %add3A_252 = arith.addf %while3A_250#1, %parallel_loop3A_237#3 : vector<16xf32>
        %le3A = arith.cmpi sle, %squeeze3A_200, %add3A_158 : i32
        %convert_element_type3A_253 = arith.extui %le3A : i1 to i32
        %cond3A_254 = arith.constant 0 : i32
        %cond3A_255 = arith.cmpi ne, %convert_element_type3A_253, %cond3A_254 : i32
        scf.if %cond3A_255 {
          %sub3A_258 = arith.subi %squeeze3A_200, %squeeze3A_193 : i32
          %convert_element_type3A_259 = arith.sitofp %sub3A_258 : i32 to f32
          %broadcast_in_dim3A_260 = vector.broadcast %convert_element_type3A_259 : f32 to vector<16xf32>
          %max3A_261 = arith.constant 1.000000e+00 : f32
          %max3A_262 = vector.broadcast %max3A_261 : f32 to vector<16xf32>
          %max3A_263 = arith.maximumf %broadcast_in_dim3A_260, %max3A_262 : vector<16xf32>
          %div3A_264 = arith.divf %add3A_251, %max3A_263 : vector<16xf32>
          %mul3A_265 = arith.constant 128 : i32
          %mul3A_266 = arith.muli %while3A_186, %mul3A_265 : i32
          %swap3A = arith.index_cast %mul3A_266 : i32 to index
          %swap3A_267 = tpu.vector_load %arg11[%swap3A] {strides = array<i32>} : memref<40960xf32, #tpu.memory_space<vmem>>, vector<16xf32>,
          %swap3A_268 = vector.shape_cast %swap3A_267 : vector<16xf32> to vector<16xf32>
          %swap3A_269 = vector.shape_cast %div3A_264 : vector<16xf32> to vector<16xf32>
          tpu.vector_store %arg11[%swap3A], %swap3A_269 {strides = array<i32>} : memref<40960xf32, #tpu.memory_space<vmem>>, vector<16xf32>,
          %div3A_270 = arith.divf %add3A_252, %max3A_263 : vector<16xf32>
          %mul3A_271 = arith.constant 128 : i32
          %mul3A_272 = arith.muli %while3A_186, %mul3A_271 : i32
          %add3A_273 = arith.constant 16 : i32
          %add3A_274 = arith.addi %mul3A_272, %add3A_273 : i32
          %swap3A_275 = arith.index_cast %add3A_274 : i32 to index
          %swap3A_276 = tpu.vector_load %arg11[%swap3A_275] {strides = array<i32>} : memref<40960xf32, #tpu.memory_space<vmem>>, vector<16xf32>,
          %swap3A_277 = vector.shape_cast %swap3A_276 : vector<16xf32> to vector<16xf32>
          %swap3A_278 = vector.shape_cast %div3A_270 : vector<16xf32> to vector<16xf32>
          tpu.vector_store %arg11[%swap3A_275], %swap3A_278 {strides = array<i32>} : memref<40960xf32, #tpu.memory_space<vmem>>, vector<16xf32>,
          %gt3A_279 = arith.constant 0 : i32
          %gt3A_280 = arith.cmpi sgt, %sub3A_258, %gt3A_279 : i32
          %select_n3A_281 = arith.select %gt3A_280, %broadcast_in_dim3A_5, %broadcast_in_dim3A_3 : vector<16xf32>
          %mul3A_282 = arith.constant 128 : i32
          %mul3A_283 = arith.muli %while3A_186, %mul3A_282 : i32
          %add3A_284 = arith.constant 32 : i32
          %add3A_285 = arith.addi %mul3A_283, %add3A_284 : i32
          %swap3A_286 = arith.index_cast %add3A_285 : i32 to index
          %swap3A_287 = tpu.vector_load %arg11[%swap3A_286] {strides = array<i32>} : memref<40960xf32, #tpu.memory_space<vmem>>, vector<16xf32>,
          %swap3A_288 = vector.shape_cast %swap3A_287 : vector<16xf32> to vector<16xf32>
          %swap3A_289 = vector.shape_cast %select_n3A_281 : vector<16xf32> to vector<16xf32>
          tpu.vector_store %arg11[%swap3A_286], %swap3A_289 {strides = array<i32>} : memref<40960xf32, #tpu.memory_space<vmem>>, vector<16xf32>,
        } else {
        }
        %select_n3A_256 = arith.select %le3A, %broadcast_in_dim3A_3, %add3A_251 : vector<16xf32>
        %select_n3A_257 = arith.select %le3A, %broadcast_in_dim3A_3, %add3A_252 : vector<16xf32>
        scf.yield %select_n3A_256, %select_n3A_257 : vector<16xf32>, vector<16xf32>
      }
      %get3A_175 = arith.index_cast %scan3A_163#0 : i32 to index
      %get3A_176 = tpu.vector_load %arg10[%get3A_175] {strides = array<i32>} : memref<336xi32, #tpu.memory_space<vmem>>, vector<16xi32>,
      %get3A_177 = vector.shape_cast %get3A_176 : vector<16xi32> to vector<16xi32>
      %slice3A_178 = vector.extract_strided_slice %get3A_177 {offsets = [0], sizes = [1], strides = [1]} : vector<16xi32> to vector<1xi32>
      %squeeze3A_179 = vector.extract %slice3A_178[0] : i32 from vector<1xi32>
      %gt3A_180 = arith.cmpi sgt, %scan3A_163#0, %while3A_89 : i32
      %gt3A_181 = arith.cmpi sgt, %squeeze3A_179, %add3A_158 : i32
      %and3A_182 = arith.andi %gt3A_180, %gt3A_181 : i1
      %sub3A_183 = arith.constant 1 : i32
      %sub3A_184 = arith.subi %scan3A_163#0, %sub3A_183 : i32
      %select_n3A_185 = arith.select %and3A_182, %sub3A_184, %scan3A_163#0 : i32
      scf.yield %select_n3A_185, %while3A_174#0, %while3A_174#1 : i32, vector<16xf32>, vector<16xf32>
    }
    %while3A_76 = arith.constant 0 : i32
    %while3A_77 = arith.constant 320 : i32
    %while3A_78 = arith.subi %while3A_77, %while3A_75#0 : i32
    %while3A_79 = arith.addi %while3A_75#0, %while3A_78 : i32
    %while3A_80 = arith.constant 1 : i32
    %while3A_81 = arith.divsi %while3A_78, %while3A_80 : i32
    %while3A_82 = arith.muli %while3A_81, %while3A_80 : i32
    %while3A_83 = arith.addi %while3A_75#0, %while3A_82 : i32
    %while3A_84 = arith.constant 1 : i32
    scf.for %while3A_88 = %while3A_75#0 to %while3A_83 step %while3A_84  : i32 {
      %mul3A_89 = arith.constant 128 : i32
      %mul3A_90 = arith.muli %while3A_88, %mul3A_89 : i32
      %swap3A = arith.index_cast %mul3A_90 : i32 to index
      %swap3A_91 = tpu.vector_load %arg11[%swap3A] {strides = array<i32>} : memref<40960xf32, #tpu.memory_space<vmem>>, vector<16xf32>,
      %swap3A_92 = vector.shape_cast %swap3A_91 : vector<16xf32> to vector<16xf32>
      %swap3A_93 = vector.shape_cast %broadcast_in_dim3A_3 : vector<16xf32> to vector<16xf32>
      tpu.vector_store %arg11[%swap3A], %swap3A_93 {strides = array<i32>} : memref<40960xf32, #tpu.memory_space<vmem>>, vector<16xf32>,
      %mul3A_94 = arith.constant 128 : i32
      %mul3A_95 = arith.muli %while3A_88, %mul3A_94 : i32
      %add3A_96 = arith.constant 16 : i32
      %add3A_97 = arith.addi %mul3A_95, %add3A_96 : i32
      %swap3A_98 = arith.index_cast %add3A_97 : i32 to index
      %swap3A_99 = tpu.vector_load %arg11[%swap3A_98] {strides = array<i32>} : memref<40960xf32, #tpu.memory_space<vmem>>, vector<16xf32>,
      %swap3A_100 = vector.shape_cast %swap3A_99 : vector<16xf32> to vector<16xf32>
      %swap3A_101 = vector.shape_cast %broadcast_in_dim3A_3 : vector<16xf32> to vector<16xf32>
      tpu.vector_store %arg11[%swap3A_98], %swap3A_101 {strides = array<i32>} : memref<40960xf32, #tpu.memory_space<vmem>>, vector<16xf32>,
      %mul3A_102 = arith.constant 128 : i32
      %mul3A_103 = arith.muli %while3A_88, %mul3A_102 : i32
      %add3A_104 = arith.constant 32 : i32
      %add3A_105 = arith.addi %mul3A_103, %add3A_104 : i32
      %swap3A_106 = arith.index_cast %add3A_105 : i32 to index
      %swap3A_107 = tpu.vector_load %arg11[%swap3A_106] {strides = array<i32>} : memref<40960xf32, #tpu.memory_space<vmem>>, vector<16xf32>,
      %swap3A_108 = vector.shape_cast %swap3A_107 : vector<16xf32> to vector<16xf32>
      %swap3A_109 = vector.shape_cast %broadcast_in_dim3A_3 : vector<16xf32> to vector<16xf32>
      tpu.vector_store %arg11[%swap3A_106], %swap3A_109 {strides = array<i32>} : memref<40960xf32, #tpu.memory_space<vmem>>, vector<16xf32>,
    }
    %while3A_85 = arith.constant 1 : i32
    scf.for %while3A_88 = %while3A_83 to %while3A_79 step %while3A_85  : i32 {
      %mul3A_89 = arith.constant 128 : i32
      %mul3A_90 = arith.muli %while3A_88, %mul3A_89 : i32
      %swap3A = arith.index_cast %mul3A_90 : i32 to index
      %swap3A_91 = tpu.vector_load %arg11[%swap3A] {strides = array<i32>} : memref<40960xf32, #tpu.memory_space<vmem>>, vector<16xf32>,
      %swap3A_92 = vector.shape_cast %swap3A_91 : vector<16xf32> to vector<16xf32>
      %swap3A_93 = vector.shape_cast %broadcast_in_dim3A_3 : vector<16xf32> to vector<16xf32>
      tpu.vector_store %arg11[%swap3A], %swap3A_93 {strides = array<i32>} : memref<40960xf32, #tpu.memory_space<vmem>>, vector<16xf32>,
      %mul3A_94 = arith.constant 128 : i32
      %mul3A_95 = arith.muli %while3A_88, %mul3A_94 : i32
      %add3A_96 = arith.constant 16 : i32
      %add3A_97 = arith.addi %mul3A_95, %add3A_96 : i32
      %swap3A_98 = arith.index_cast %add3A_97 : i32 to index
      %swap3A_99 = tpu.vector_load %arg11[%swap3A_98] {strides = array<i32>} : memref<40960xf32, #tpu.memory_space<vmem>>, vector<16xf32>,
      %swap3A_100 = vector.shape_cast %swap3A_99 : vector<16xf32> to vector<16xf32>
      %swap3A_101 = vector.shape_cast %broadcast_in_dim3A_3 : vector<16xf32> to vector<16xf32>
      tpu.vector_store %arg11[%swap3A_98], %swap3A_101 {strides = array<i32>} : memref<40960xf32, #tpu.memory_space<vmem>>, vector<16xf32>,
      %mul3A_102 = arith.constant 128 : i32
      %mul3A_103 = arith.muli %while3A_88, %mul3A_102 : i32
      %add3A_104 = arith.constant 32 : i32
      %add3A_105 = arith.addi %mul3A_103, %add3A_104 : i32
      %swap3A_106 = arith.index_cast %add3A_105 : i32 to index
      %swap3A_107 = tpu.vector_load %arg11[%swap3A_106] {strides = array<i32>} : memref<40960xf32, #tpu.memory_space<vmem>>, vector<16xf32>,
      %swap3A_108 = vector.shape_cast %swap3A_107 : vector<16xf32> to vector<16xf32>
      %swap3A_109 = vector.shape_cast %broadcast_in_dim3A_3 : vector<16xf32> to vector<16xf32>
      tpu.vector_store %arg11[%swap3A_106], %swap3A_109 {strides = array<i32>} : memref<40960xf32, #tpu.memory_space<vmem>>, vector<16xf32>,
    }
    %mul3A_86 = arith.constant 128 : i32
    %mul3A_87 = arith.muli %mul3A_2, %mul3A_86 : i32
    "tpu.region"() ({
      %run_scoped3A = tpu.sem_alloc : memref<!tpu.dma_semaphore, #tpu.memory_space<semaphore_mem>>
      %dma_start3A = tpu.memref_slice %arg6[%mul3A_87] : memref<1310720xf32, #tpu.memory_space<hbm>> -> memref<40960xf32, #tpu.memory_space<hbm>>
      %dma_start3A_88 = tpu.memref_slice %arg6[%mul3A_87] : memref<1310720xf32, #tpu.memory_space<hbm>> -> memref<40960xf32, #tpu.memory_space<hbm>>
      tpu.enqueue_dma source(%arg11 : memref<40960xf32, #tpu.memory_space<vmem>>) target(%dma_start3A_88 : memref<40960xf32, #tpu.memory_space<hbm>>) target_semaphore(%run_scoped3A : memref<!tpu.dma_semaphore, #tpu.memory_space<semaphore_mem>>)
      %dma_wait3A = tpu.memref_slice %arg6[%mul3A_87] : memref<1310720xf32, #tpu.memory_space<hbm>> -> memref<40960xf32, #tpu.memory_space<hbm>>
      %dma_wait3A_89 = tpu.memref_slice %arg6[%mul3A_87] : memref<1310720xf32, #tpu.memory_space<hbm>> -> memref<40960xf32, #tpu.memory_space<hbm>>
      tpu.wait_dma2 semaphore(%run_scoped3A : memref<!tpu.dma_semaphore, #tpu.memory_space<semaphore_mem>>) src(%arg11 : memref<40960xf32, #tpu.memory_space<vmem>>) dst(%dma_wait3A_89 : memref<40960xf32, #tpu.memory_space<hbm>>)
      tpu.yield
    }) : () -> ()
    return
  }
}

module attributes {stable_mosaic.version = 14 : i64} {
  func.func @_mm1_body(%arg0: i32, %arg1: memref<1024x128xf32, #tpu.memory_space<vmem>>, %arg2: memref<256x32xf32, #tpu.memory_space<vmem>>, %arg3: memref<1x32xf32, #tpu.memory_space<vmem>>, %arg4: memref<1024x32xf32, #tpu.memory_space<vmem>>, %arg5: memref<1024x128xf32, #tpu.memory_space<vmem>>) attributes {dimension_semantics = [#tpu.dimension_semantics<arbitrary>], iteration_bounds = array<i64: 10>, scalar_prefetch = 0 : i64, scratch_operands = 0 : i64, tpu.core_type = #tpu.core_type<tc>, window_params = [{transform_indices = @transform_0, window_bounds = array<i64: 1024, 128>}, {pipeline_mode = #tpu.pipeline_mode<synchronous>, transform_indices = @transform_1, window_bounds = array<i64: 256, 32>}, {pipeline_mode = #tpu.pipeline_mode<synchronous>, transform_indices = @transform_2, window_bounds = array<i64: 1, 32>}, {transform_indices = @transform_3, window_bounds = array<i64: 1024, 32>}, {transform_indices = @transform_4, window_bounds = array<i64: 1024, 128>}]} {
    %get3A = arith.constant 0 : index
    %get3A_0 = arith.constant 0 : index
    %get3A_1 = vector.load %arg1[%get3A, %get3A_0] : memref<1024x128xf32, #tpu.memory_space<vmem>>, vector<1024x128xf32>
    %get3A_2 = arith.constant 0 : index
    %get3A_3 = arith.constant 0 : index
    %get3A_4 = vector.load %arg2[%get3A_2, %get3A_3] : memref<256x32xf32, #tpu.memory_space<vmem>>, vector<128x32xf32>
    %dot_general3A = arith.constant dense<0.000000e+00> : vector<1024x32xf32>
    %dot_general3A_5 = tpu.matmul %get3A_1, %get3A_4, %dot_general3A {dimension_numbers = #tpu.dot_dimension_numbers<[1], [0], [0], [1], [0, 0, 1, 1], [], []>, transpose_lhs_hint = false} : vector<1024x128xf32>, vector<128x32xf32>, vector<1024x32xf32> -> vector<1024x32xf32>
    %get3A_6 = arith.constant 128 : index
    %get3A_7 = arith.constant 0 : index
    %get3A_8 = vector.load %arg2[%get3A_6, %get3A_7] : memref<256x32xf32, #tpu.memory_space<vmem>>, vector<128x32xf32>
    %dot_general3A_9 = arith.constant dense<0.000000e+00> : vector<1024x32xf32>
    %dot_general3A_10 = tpu.matmul %get3A_1, %get3A_8, %dot_general3A_9 {dimension_numbers = #tpu.dot_dimension_numbers<[1], [0], [0], [1], [0, 0, 1, 1], [], []>, transpose_lhs_hint = false} : vector<1024x128xf32>, vector<128x32xf32>, vector<1024x32xf32> -> vector<1024x32xf32>
    %broadcast_in_dim3A = arith.constant 0.000000e+00 : f32
    %broadcast_in_dim3A_11 = vector.broadcast %broadcast_in_dim3A : f32 to vector<1024x96xf32>
    %swap3A = arith.constant 0 : index
    %swap3A_12 = arith.constant 0 : index
    %swap3A_13 = vector.load %arg4[%swap3A, %swap3A_12] : memref<1024x32xf32, #tpu.memory_space<vmem>>, vector<1024x32xf32>
    tpu.vector_store %arg4[%swap3A, %swap3A_12], %dot_general3A_5 {strides = array<i32>} : memref<1024x32xf32, #tpu.memory_space<vmem>>, vector<1024x32xf32>,
    %get3A_14 = arith.constant 0 : index
    %get3A_15 = arith.constant 0 : index
    %get3A_16 = vector.load %arg3[%get3A_14, %get3A_15] : memref<1x32xf32, #tpu.memory_space<vmem>>, vector<1x32xf32>
    %add3A = vector.broadcast %get3A_16 : vector<1x32xf32> to vector<1024x32xf32>
    %add3A_17 = arith.addf %dot_general3A_10, %add3A : vector<1024x32xf32>
    %concatenate3A = tpu.concatenate %add3A_17, %broadcast_in_dim3A_11 in 1 : vector<1024x32xf32>, vector<1024x96xf32> -> vector<1024x128xf32>
    %swap3A_18 = arith.constant 0 : index
    %swap3A_19 = arith.constant 0 : index
    %swap3A_20 = vector.load %arg5[%swap3A_18, %swap3A_19] : memref<1024x128xf32, #tpu.memory_space<vmem>>, vector<1024x128xf32>
    tpu.vector_store %arg5[%swap3A_18, %swap3A_19], %concatenate3A {strides = array<i32>} : memref<1024x128xf32, #tpu.memory_space<vmem>>, vector<1024x128xf32>,
    return
  }
  func.func @transform_0(%arg0: i32) -> (i32, i32) {
    %c0_i32 = arith.constant 0 : i32
    %c0_i32_0 = arith.constant 0 : i32
    return %arg0, %c0_i32 : i32, i32
  }
  func.func @transform_1(%arg0: i32) -> (i32, i32) {
    %c0_i32 = arith.constant 0 : i32
    %c0_i32_0 = arith.constant 0 : i32
    %c0_i32_1 = arith.constant 0 : i32
    return %c0_i32, %c0_i32_0 : i32, i32
  }
  func.func @transform_2(%arg0: i32) -> (i32, i32) {
    %c0_i32 = arith.constant 0 : i32
    %c0_i32_0 = arith.constant 0 : i32
    %c0_i32_1 = arith.constant 0 : i32
    return %c0_i32, %c0_i32_0 : i32, i32
  }
  func.func @transform_3(%arg0: i32) -> (i32, i32) {
    %c0_i32 = arith.constant 0 : i32
    %c0_i32_0 = arith.constant 0 : i32
    return %arg0, %c0_i32 : i32, i32
  }
  func.func @transform_4(%arg0: i32) -> (i32, i32) {
    %c0_i32 = arith.constant 0 : i32
    %c0_i32_0 = arith.constant 0 : i32
    return %arg0, %c0_i32 : i32, i32
  }
}

module attributes {stable_mosaic.version = 14 : i64} {
  func.func @_mm2_body(%arg0: i32, %arg1: memref<1024x128xf32, #tpu.memory_space<vmem>>, %arg2: memref<32x32xf32, #tpu.memory_space<vmem>>, %arg3: memref<1x32xf32, #tpu.memory_space<vmem>>, %arg4: memref<1024x32xf32, #tpu.memory_space<vmem>>) attributes {dimension_semantics = [#tpu.dimension_semantics<arbitrary>], iteration_bounds = array<i64: 10>, scalar_prefetch = 0 : i64, scratch_operands = 0 : i64, tpu.core_type = #tpu.core_type<tc>, window_params = [{transform_indices = @transform_0, window_bounds = array<i64: 1024, 128>}, {pipeline_mode = #tpu.pipeline_mode<synchronous>, transform_indices = @transform_1, window_bounds = array<i64: 32, 32>}, {pipeline_mode = #tpu.pipeline_mode<synchronous>, transform_indices = @transform_2, window_bounds = array<i64: 1, 32>}, {transform_indices = @transform_3, window_bounds = array<i64: 1024, 32>}]} {
    %get3A = arith.constant 0 : index
    %get3A_0 = arith.constant 0 : index
    %get3A_1 = vector.load %arg1[%get3A, %get3A_0] : memref<1024x128xf32, #tpu.memory_space<vmem>>, vector<1024x32xf32>
    %get3A_2 = arith.constant 0 : index
    %get3A_3 = arith.constant 32 : index
    %get3A_4 = vector.load %arg1[%get3A_2, %get3A_3] : memref<1024x128xf32, #tpu.memory_space<vmem>>, vector<1024x1xf32>
    %get3A_5 = arith.constant 0 : index
    %get3A_6 = arith.constant 0 : index
    %get3A_7 = vector.load %arg2[%get3A_5, %get3A_6] : memref<32x32xf32, #tpu.memory_space<vmem>>, vector<32x32xf32>
    %dot_general3A = arith.constant dense<0.000000e+00> : vector<1024x32xf32>
    %dot_general3A_8 = tpu.matmul %get3A_1, %get3A_7, %dot_general3A {dimension_numbers = #tpu.dot_dimension_numbers<[1], [0], [0], [1], [0, 0, 1, 1], [], []>, transpose_lhs_hint = false} : vector<1024x32xf32>, vector<32x32xf32>, vector<1024x32xf32> -> vector<1024x32xf32>
    %get3A_9 = arith.constant 0 : index
    %get3A_10 = arith.constant 0 : index
    %get3A_11 = vector.load %arg3[%get3A_9, %get3A_10] : memref<1x32xf32, #tpu.memory_space<vmem>>, vector<1x32xf32>
    %mul3A = vector.broadcast %get3A_11 : vector<1x32xf32> to vector<1024x32xf32>
    %mul3A_12 = vector.broadcast %get3A_4 : vector<1024x1xf32> to vector<1024x32xf32>
    %mul3A_13 = arith.mulf %mul3A, %mul3A_12 : vector<1024x32xf32>
    %add3A = arith.addf %dot_general3A_8, %mul3A_13 : vector<1024x32xf32>
    %swap3A = arith.constant 0 : index
    %swap3A_14 = arith.constant 0 : index
    %swap3A_15 = vector.load %arg4[%swap3A, %swap3A_14] : memref<1024x32xf32, #tpu.memory_space<vmem>>, vector<1024x32xf32>
    tpu.vector_store %arg4[%swap3A, %swap3A_14], %add3A {strides = array<i32>} : memref<1024x32xf32, #tpu.memory_space<vmem>>, vector<1024x32xf32>,
    return
  }
  func.func @transform_0(%arg0: i32) -> (i32, i32) {
    %c0_i32 = arith.constant 0 : i32
    %c0_i32_0 = arith.constant 0 : i32
    return %arg0, %c0_i32 : i32, i32
  }
  func.func @transform_1(%arg0: i32) -> (i32, i32) {
    %c0_i32 = arith.constant 0 : i32
    %c0_i32_0 = arith.constant 0 : i32
    %c0_i32_1 = arith.constant 0 : i32
    return %c0_i32, %c0_i32_0 : i32, i32
  }
  func.func @transform_2(%arg0: i32) -> (i32, i32) {
    %c0_i32 = arith.constant 0 : i32
    %c0_i32_0 = arith.constant 0 : i32
    %c0_i32_1 = arith.constant 0 : i32
    return %c0_i32, %c0_i32_0 : i32, i32
  }
  func.func @transform_3(%arg0: i32) -> (i32, i32) {
    %c0_i32 = arith.constant 0 : i32
    %c0_i32_0 = arith.constant 0 : i32
    return %arg0, %c0_i32 : i32, i32
  }
}

</mosaic_0001>

<sc_bundles>
// kernel: kernel.5.cloned.1.call-start
scs
__scs_entry_jumppad:
0x0: {  	(pc) =	sbr.rel $0x88, $3  }
0x1: {  	(tag) =	ssettag $0x0;
	lr =	simm.s32 $0x1  }
0x2: {  	[smem:$0x3F9A] =	sst lr;
	_ =	strace $0xD0000000  }
0x3: {  	_ = 	snop  }
0x4: {  	_ = 	snop  }
0x5: {  	_ = 	snop  }
0x6: {  	_ = 	snop  }
0x7: {  	_ = 	snop  }
__scs_overlays_trampoline_lowered:
0x8: {  	[smem:$0x3FA9] =	sst s0  }
0x9: {  	[smem:$0x3FAA] =	sst s1  }
0xa: {  	[smem:$0x3FAB] =	sst s2  }
0xb: {  	[smem:$0x3FAC] =	sst s3  }
0xc: {  	[smem:$0x3FAD] =	sst s4  }
0xd: {  	[smem:$0x3FAE] =	sst s5  }
0xe: {  	[smem:$0x3FAF] =	sst s6  }
0xf: {  	[smem:$0x3FB0] =	sst s7  }
0x10: {  	[smem:$0x3FB1] =	sst s8  }
0x11: {  	[smem:$0x3FB2] =	sst s9;
	s0 =	simm.s32 @!p0 $0x0  }
0x12: {  	s1 =	sld [smem:$0x3F98];
	s0 =	simm.s32 @p0 $0x1  }
0x13: {  	[smem:$0x3FB3] =	sst s0;
	s0 =	simm.s32 @!p1 $0x0  }
0x14: {  	s2 =	sld [smem:$0x3F97];
	s0 =	simm.s32 @p1 $0x1  }
0x15: {  	[smem:$0x3FB4] =	sst s0;
	s0 =	simm.s32 @!p2 $0x0  }
0x16: {  	s3 =	sld [smem:$0x3FDB];
	s0 =	simm.s32 @p2 $0x1  }
0x17: {  	s4 =	simm.s32 $0x1BF5;
	[smem:$0x3FB6] =	sst s0  }
0x18: {  	s0 =	sld [smem:$0x3F99];
	_ =	swait.ge [sflag:s4], $0x0  }
0x19: {  	s7 =	sld [smem:$0x3F9A]  }
0x1a: {  	s8 =	sadd.s32 $0xFFFFE003, lr  }
0x1b: {  	s9 =	sadd.s32 $0xFFFFFEF7, lr;
	s5 =	simm.s32 $0xFFFFFFFF;
	p2 =	slt.u32 s8, $0xFFFFF086  }
0x1c: {  	p1 =	slt.u32 s9, $0xF7A;
	s5 =	simm.s32 @!p2 $0x0  }
0x1d: {  	s5 =	simm.s32 @p1 $0x1;
	p0 =	seq.s32 s7, s2  }
0x1e: {  	s7 =	smul.u32 @!p0 $0xF7A, s2;
	p2 =	seq.s32 @!p0 s5, $0x0  }
0x1f: {  	s9 =	smul.u32 $0xF7A, s1;
	s8 =	simm.s32 @!p0 $0x1BF5;
	p2 =	por !p2, p0  }
0x20: {  	[sflag:s8] =	ssyncset.s32 @!p0 $0xFFFFF086;
	s6 =	sadd.s32 @!p0 s3, s7;
	s7 =	simm.s32 @!p0 $0x108  }
0x21: {  	s3 =	sadd.s32 s3, s9;
	s6 =	sadd.s32 @!p0 $0x88, s6;
	s7 =	simm.s32 @p2 $0x1082  }
0x22: {  	[simem:s7], [sflag:s8] =	dma.local @!p0 [hbm:s6], $0xF7A  }
0x23: {  	s9 =	sor.u32 $0xD0000000, s2;
	s6 =	simm.s32 $0x108;
	_ =	swait.ge @!p0 [sflag:s8], $0x0  }
0x24: {  	s3 =	sadd.s32 $0x88, s3;
	s6 =	simm.s32 @!p1 $0x1082;
	[sflag:s4] =	ssyncset.s32 $0xFFFFF086  }
0x25: {  	[simem:s6], [sflag:s4] =	dma.local [hbm:s3], $0xF7A  }
0x26: {  	[smem:$0x3F9A] =	sst s1;
	(tag) =	ssettag s2;
	_ =	strace s9  }
0x27: {  	s1 =	sld [smem:$0x3FAA]  }
0x28: {  	s2 =	sld [smem:$0x3FAB]  }
0x29: {  	s4 =	sld [smem:$0x3FAD]  }
0x2a: {  	p0 =	seq.s32 s5, $0x0;
	s5 =	sld [smem:$0x3FAE]  }
0x2b: {  	s6 =	sld [smem:$0x3FAF]  }
0x2c: {  	s7 =	sld [smem:$0x3FB0]  }
0x2d: {  	s3 =	simm.s32 $0x108;
	s8 =	sld [smem:$0x3FB1]  }
0x2e: {  	s3 =	simm.s32 @!p0 $0x1082;
	s9 =	sld [smem:$0x3FB2]  }
0x2f: {  	lr =	sadd.s32 s0, s3;
	s0 =	sld [smem:$0x3FA9]  }
0x30: {  	s3 =	sld [smem:$0x3FAC]  }
0x31: {  	[smem:$0x3FB5] =	sst s10  }
0x32: {  	s10 =	sld [smem:$0x3FB3];
	_ =	sdelay $0x3  }
0x33: {  	p0 =	seq.s32 s10, $0x1;
	s10 =	sld [smem:$0x3FB5];
	_ =	sdelay $0x3  }
0x34: {  	[smem:$0x3FB5] =	sst s10  }
0x35: {  	s10 =	sld [smem:$0x3FB4];
	_ =	sdelay $0x3  }
0x36: {  	p1 =	seq.s32 s10, $0x1;
	s10 =	sld [smem:$0x3FB5];
	_ =	sdelay $0x3  }
0x37: {  	[smem:$0x3FB5] =	sst s10  }
0x38: {  	s10 =	sld [smem:$0x3FB6]  }
0x39: {  	_ = 	snop;
	(pc) =	sbr.ind lr, $3  }
0x3a: {  	_ = 	snop  }
0x3b: {  	_ = 	snop  }
0x3c: {  	p2 =	seq.s32 s10, $0x1;
	s10 =	sld [smem:$0x3FB5]  }
0x3d: {  	_ =	shalt  }
0x3e: {  	_ =	shalt  }
0x3f: {  	_ =	shalt  }
0x40: {  	_ =	shalt  }
0x41: {  	_ =	shalt  }
0x42: {  	_ =	shalt  }
0x43: {  	_ =	shalt  }
0x44: {  	_ =	shalt  }
0x45: {  	_ =	shalt  }
0x46: {  	_ =	shalt  }
0x47: {  	_ =	shalt  }
0x48: {  	_ =	shalt  }
0x49: {  	_ =	shalt  }
0x4a: {  	_ =	shalt  }
0x4b: {  	_ =	shalt  }
0x4c: {  	_ =	shalt  }
0x4d: {  	_ =	shalt  }
0x4e: {  	_ =	shalt  }
0x4f: {  	_ =	shalt  }
0x50: {  	_ =	shalt  }
0x51: {  	_ =	shalt  }
0x52: {  	_ =	shalt  }
0x53: {  	_ =	shalt  }
0x54: {  	_ =	shalt  }
0x55: {  	_ =	shalt  }
0x56: {  	_ =	shalt  }
0x57: {  	_ =	shalt  }
0x58: {  	_ =	shalt  }
0x59: {  	_ =	shalt  }
0x5a: {  	_ =	shalt  }
0x5b: {  	_ =	shalt  }
0x5c: {  	_ =	shalt  }
0x5d: {  	_ =	shalt  }
0x5e: {  	_ =	shalt  }
0x5f: {  	_ =	shalt  }
0x60: {  	_ =	shalt  }
0x61: {  	_ =	shalt  }
0x62: {  	_ =	shalt  }
0x63: {  	_ =	shalt  }
0x64: {  	_ =	shalt  }
0x65: {  	_ =	shalt  }
0x66: {  	_ =	shalt  }
0x67: {  	_ =	shalt  }
0x68: {  	_ =	shalt  }
0x69: {  	_ =	shalt  }
0x6a: {  	_ =	shalt  }
0x6b: {  	_ =	shalt  }
0x6c: {  	_ =	shalt  }
0x6d: {  	_ =	shalt  }
0x6e: {  	_ =	shalt  }
0x6f: {  	_ =	shalt  }
0x70: {  	_ =	shalt  }
0x71: {  	_ =	shalt  }
0x72: {  	_ =	shalt  }
0x73: {  	_ =	shalt  }
0x74: {  	_ =	shalt  }
0x75: {  	_ =	shalt  }
0x76: {  	_ =	shalt  }
0x77: {  	_ =	shalt  }
0x78: {  	_ =	shalt  }
0x79: {  	_ =	shalt  }
0x7a: {  	_ =	shalt  }
0x7b: {  	_ =	shalt  }
0x7c: {  	_ =	shalt  }
0x7d: {  	_ =	shalt  }
0x7e: {  	_ =	shalt  }
0x7f: {  	_ =	shalt  }
0x80: {  	_ =	shalt  }
0x81: {  	_ =	shalt  }
0x82: {  	_ =	shalt  }
0x83: {  	_ =	shalt  }
0x84: {  	_ =	shalt  }
0x85: {  	_ =	shalt  }
0x86: {  	_ =	shalt  }
0x87: {  	_ =	shalt  }
.Lfunc_end0:
.L_simem_size_0:
called_computation_lowered:
.L_overlay_start_0:
0x88: {  	s2 =	sld [smem:$0x3FD9]  }
0x89: {  	s3 =	sld [smem:$0x3FFE];
	_ =	sdelay $0x1  }
0x8a: {  	s1 =	srdreg.scid  }
0x8b: {  	s0 =	sand.u32 $0x1, s1  }
0x8c: {  	s17 =	sshll.u32 s0, $0xA;
	s2 =	sadd.s32 s3, s2  }
0x8d: {  	s2 =	sadd.s32 s2, s17  }
0x8e: {  	[smem:$0x3FC1] =	sst s2  }
0x8f: {  	_ = 	snop  }
0x90: {  	s2 =	sld [smem:$0x3FD0];
	(tm) =	ssettm $0x1  }
0x91: {  	s18 =	sld [smem:$0x3FFB];
	_ =	sdelay $0x3  }
0x92: {  	_ =	strace s18  }
0x93: {  	s3 =	sld [smem:$0x3FFC];
	_ =	sdelay $0x3  }
0x94: {  	_ =	strace s3  }
0x95: {  	s3 =	sld [smem:$0x3FFD];
	_ =	sdelay $0x3  }
0x96: {  	_ =	strace s3  }
0x97: {  	_ =	strace $0x8FFFFFFF  }
0x98: {  	s19 =	sld [smem:$0x3FDB];
	_ =	sdelay $0x1  }
0x99: {  	s4 =	simm.s32 $_scs_section_size  }
0x9a: {  	s5 =	simm.s32 $_size__tile_overlayer_lowered;
	s6 =	simm.s32 $_tile_overlayer_lowered  }
0x9b: {  	s22 =	simm.s32 $0x1BFF;
	s21 =	sshll.u32 s6, $0x1;
	s3 =	sadd.s32 s4, s19  }
0x9c: {  	s7 =	simm.s32 $0x0;
	s20 =	sshll.u32 s5, $0x1;
	s5 =	sadd.s32 s21, s3  }
0x9d: {  	[timem:s7], [sflag:s22] =	dma.local [hbm:s5], s20  }
0x9e: {  	_ =	swait.ge [sflag:s22], s20  }
0x9f: {  	s4 =	ssub.s32 $0x0, s20;
	[sflag:s22] =	ssyncset.done $0x0  }
0xa0: {  	[sflag:s22] =	ssyncadd.s32 s4;
	_ =	sdelay $0x1  }
0xa1: {  	s23 =	simm.s32 $0x1B8B  }
0xa2: {  	_ =	swait.ge [sflag:s23], $0x1  }
0xa3: {  	[sflag:s23] =	ssyncset.done $0x0  }
0xa4: {  	s25 =	simm.s32 $0x1B8E;
	s24 =	sld [smem:$0x3FFE];
	[sflag:s23] =	ssyncadd.s32 $0xFFFFFFFF  }
0xa5: {  	s26 =	simm.s32 $execute0_lowered;
	[smem:$0x3FD2] =	sst s25  }
0xa6: {  	s5 =	sshll.u32 s26, $0x1;
	_ =	strace $0x80000046;
	[dreg:$0x1] =	wrdreg $0xFFFFFFFF  }
0xa7: {  	s28 =	simm.s32 $_size_execute0_lowered;
	s3 =	sadd.s32 s3, s5;
	[dreg:$0x0] =	wrdreg $0x0  }
0xa8: {  	s5 =	sshll.u32 s28, $0x1;
	[dreg:$0x2] =	wrdreg s3  }
0xa9: {  	[dreg:$0x3] =	wrdreg s5  }
0xaa: {  	[dreg:$0x4] =	wrdreg $0xC0  }
0xab: {  	_ =	task [dreg:s7], $0x5FFFF  }
0xac: {  	[dreg:$0x1] =	wrdreg $0xFFFFFFFF  }
0xad: {  	[dreg:$0x0] =	wrdreg $0x60  }
0xae: {  	[dreg:$0x2] =	wrdreg s24  }
0xaf: {  	[dreg:$0x3] =	wrdreg s2  }
0xb0: {  	[dreg:$0x4] =	wrdreg $0x9  }
0xb1: {  	_ =	task.clear_ibuf [dreg:s7], $0x5FFFF;
	_ =	strace $0x90000046  }
0xb2: {  	s29 =	simm.s32 $0x9;
	_ =	strace $0x80000048  }
0xb3: {  	_ =	swait.ge [sflag:s29], $0x1  }
0xb4: {  	[sflag:s29] =	ssyncadd.s32 $0xFFFFFFFF  }
0xb5: {  	_ =	strace $0x90000048  }
0xb6: {  	_ =	sfence  }
0xb7: {  	s30 =	sld [smem:$0x0];
	_ =	sdelay $0x2  }
0xb8: {  	s31 =	sshll.u32 s1, $0xD;
	s1 =	sshrl.u32 s1, $0x2  }
0xb9: {  	s3 =	sand.u32 $0x4000, s31;
	s1 =	sadd.s32 s1, s30  }
0xba: {  	s0 =	sor.u32 s3, s0;
	s1 =	sshll.u32 s1, $0x11  }
0xbb: {  	s0 =	sor.u32 s1, s0  }
0xbc: {  	s0 =	sadd.s32 $0x8F2B, s0  }
0xbd: {  	[sflag:s0] =	ssyncadd.remote.s32 $0x1  }
0xbe: {  	_ =	sfence.sel $0xFFFF  }
0xbf: {  	[dreg:$0x0] =	wrdreg $0xFFFFFFFF;
	(pc) =	sbr.abs _section_cstart, $3  }
0xc0: {  	[dreg:$0x1] =	wrdreg $0xFFFFFFFF  }
0xc1: {  	_ =	task.clear_ibuf [dreg:s7], $0x2FFFF;
	_ =	strace $0x9FFFFFFF  }
0xc2: {  	(tm) =	ssettm $0x7FFFFFFF  }
0xc3: {  	_ =	shalt  }
tec
execute0_lowered:
.L_overlay_start_1:
0x0: {  	(tag) =	ssettag $0x1  }
0x1: {  	s0 =	srdreg.scid  }
0x2: {  	s2 =	stileid.u32;
	s1 =	rddreg [dreg:$0x0];
	s10 =	simm.s32 $0x5  }
0x3: {  	s12 =	simm.s32 $0x80;
	s0 =	sand.u32 $0x1, s0;
	s3 =	sshll.u32 s2, $0x1  }
0x4: {  	s14 =	simm.s32 $0x1;
	s31 =	simm.s32 $0x0;
	s4 =	sor.u32 s0, s3  }
0x5: {  	s2 =	rddreg [dreg:$0x1];
	s3 =	simm.s32 $0x0;
	s5 =	smul.u32 $0x28, s4  }
.Ltmp0:
0x6: {  	s0 =	ssub.s32 $0x2, s0;
	[smem:$0x7FF] =	sst s3;
	(pc) =	sbr.rel .LBB2_1-.Ltmp0, $4  }
0x7: {  	s6 =	smul.u32 $0x1400, s4;
	s4 =	sadd.s32 $0x29600, s1;
	s30 =	sshrl.u32 s0, $0x1  }
0x8: {  	_ =	strace $0x80000047;
	s0 =	ssub.s32 s0, s30;
	s5 =	sadd.s32 s5, s1  }
0x9: {  	s1 =	sadd.s32 s6, s1;
	s8 =	smax.u32 s0, $0x1;
	s5 =	sadd.s32 $0x33600, s5  }
0xa: {  	v0 =	vimm.f32 $0.0e+00;
	s6 =	sadd.s32 $0x1600, s1;
	s7 =	sadd.s32 $0x33C00, s1;
	[dreg:$0x3] =	wrdreg s5  }
.LBB2_8:
0xb: {  	[tilespmem:s0+$0xFFFFFFF0] =	vst v0  }
.LBB2_9:
0xc: {  	s31 =	sadd.s32 $0x1, s31  }
0xd: {  	p0 =	sne.s32 s31, s8  }
.Ltmp1:
0xe: {  	s0 =	simm.s32 $0x13150;
	(pc) =	sbr.rel @!p0 .LBB2_10-.Ltmp1, $4  }
0xf: {  	[hbm4b:s7+s3] =	stream.linear.scatter [tilespmem:s0], [sflag:$0x5], $0xA000, $0x38;
	[tilespmem:$0x1D150] =	vst v63  }
0x10: {  	_ =	swait.ge [sflag:s10], $0xA000  }
0x11: {  	[sflag:s10] =	ssyncset.done $0x0  }
0x12: {  	[sflag:s10] =	ssyncadd.s32 $0xFFFF6000  }
.LBB2_1:
0x13: {  	s0 =	rddreg [dreg:$0x3];
	s1 =	simm.s32 $0x13000  }
0x14: {  	[tilespmem:s1], [sflag:$0x5] =	stream.linear.gather [hbm4b:s0+s3], $0x150, $0x38;
	[tilespmem:$0x1D150] =	vst v63  }
0x15: {  	_ =	swait.ge [sflag:s10], $0x150  }
0x16: {  	[sflag:s10] =	ssyncset.done $0x0  }
0x17: {  	s22 =	simm.s32 $0x20;
	s23 =	simm.s32 $0x10800;
	[sflag:s10] =	ssyncadd.s32 $0xFFFFFEB0  }
0x18: {  	[tilespmem:s23], [sflag:$0x5] =	stream.strided.gather [hbm4b:s6+s22], $0x2800, s12, s22, $0x38;
	[tilespmem:$0x1D150] =	vst v63  }
0x19: {  	_ =	swait.ge [sflag:s10], $0x2800  }
0x1a: {  	[sflag:s10] =	ssyncset.done $0x0  }
0x1b: {  	[sflag:s10] =	ssyncadd.s32 $0xFFFFD800  }
0x1c: {  	v1 =	vld [tilespmem:$0x13000];
	_ =	sdelay $0x4  }
0x1d: {  	(v2sf) =	vpush v1, $0x0;
	_ =	sdelay $0x1  }
0x1e: {  	v1 =	vld [tilespmem:$0x13140];
	_ =	sdelay $0x4  }
0x1f: {  	(v2sf) =	vpush v1, $0x0;
	_ =	sdelay $0x7  }
0x20: {  	s24 =	spop (v2sf)  }
0x21: {  	s25 =	sand.u32 $0x7F, s24  }
0x22: {  	s9 =	sshra.s32 s24, $0x1F;
	p0 =	slt.s32 s24, $0x1;
	p1 =	sne.s32 s25, $0x0  }
0x23: {  	s26 =	sshrl.u32 s9, $0x19;
	p0 =	por !p0, !p1  }
0x24: {  	s1 =	simm.s32 $0x1;
	s0 =	sadd.s32 s26, s24;
	p0 =	por !p0, !p0  }
0x25: {  	s0 =	sshra.s32 s0, $0x7;
	s1 =	simm.s32 @!p0 $0x0  }
0x26: {  	s0 =	ssub.s32 s0, s1  }
0x27: {  	s28 =	spop (v2sf);
	s1 =	sshll.u32 s0, $0x7  }
0x28: {  	s0 =	ssub.s32 s28, s1  }
0x29: {  	s0 =	sadd.s32 $0x3FF, s0  }
0x2a: {  	s29 =	sand.u32 $0x3FF, s0  }
0x2b: {  	s30 =	sshra.s32 s0, $0x1F;
	p6 =	slt.s32 s0, $0x1;
	p5 =	sne.s32 s29, $0x0  }
0x2c: {  	s9 =	sshrl.u32 s30, $0x16;
	p0 =	por !p6, !p5  }
0x2d: {  	s0 =	sadd.s32 s9, s0;
	s9 =	simm.s32 $0x1;
	p0 =	por !p0, !p0  }
0x2e: {  	s0 =	sshra.s32 s0, $0xA;
	s9 =	simm.s32 @!p0 $0x0  }
0x2f: {  	s0 =	ssub.s32 s0, s9  }
0x30: {  	p0 =	slt.s32 s0, $0x1  }
.Ltmp2:
0x31: {  	_ = 	snop;
	(pc) =	sbr.rel @p0 .LBB2_6-.Ltmp2, $2  }
0x32: {  	_ =	sdelay $0x2  }
0x33: {  	s24 =	simm.s32 $0x0  }
0x34: {  	s9 =	sshrl.u32 s1, $0x3  }
0x35: {  	s9 =	sadd.s32 s2, s9  }
0x36: {  	[tilespmem:s3], [sflag:$0x5] =	stream.linear.gather [hbm4b:s9+s3], $0x400, $0x38;
	[tilespmem:$0x1D150] =	vst v63  }
0x37: {  	_ =	swait.ge [sflag:s10], $0x400  }
0x38: {  	[sflag:s10] =	ssyncset.done $0x0  }
0x39: {  	s5 =	simm.s32 $0x800;
	[sflag:s10] =	ssyncadd.s32 $0xFFFFFC00  }
0x3a: {  	[tilespmem:s5], [sflag:$0x1] =	stream.indirect.gather [hbm4b:s4+s12], $0x20, s3, s12, $0xb8;
	[tilespmem:$0x1D150] =	vst v63  }
0x3b: {  	s17 =	simm.s32 $0x1800  }
0x3c: {  	[tilespmem:s17], [sflag:$0x1] =	stream.indirect.gather [hbm4b:s4+s12], $0x20, s12, s12, $0xb8;
	[tilespmem:$0x1D150] =	vst v63  }
0x3d: {  	s18 =	simm.s32 $0x100;
	s19 =	simm.s32 $0x2800  }
0x3e: {  	[tilespmem:s19], [sflag:$0x1] =	stream.indirect.gather [hbm4b:s4+s12], $0x20, s18, s12, $0xb8;
	[tilespmem:$0x1D150] =	vst v63  }
0x3f: {  	s20 =	simm.s32 $0x180;
	s21 =	simm.s32 $0x3800;
	s22 =	simm.s32 $0x200  }
0x40: {  	[tilespmem:s21], [sflag:$0x1] =	stream.indirect.gather [hbm4b:s4+s12], $0x20, s20, s12, $0xb8;
	[tilespmem:$0x1D150] =	vst v63  }
0x41: {  	s23 =	simm.s32 $0x4800;
	s24 =	simm.s32 $0x280;
	s25 =	simm.s32 $0x5800  }
0x42: {  	[tilespmem:s23], [sflag:$0x1] =	stream.indirect.gather [hbm4b:s4+s12], $0x20, s22, s12, $0xb8;
	[tilespmem:$0x1D150] =	vst v63  }
0x43: {  	s26 =	simm.s32 $0x300;
	s28 =	simm.s32 $0x6800;
	p0 =	seq.s32 s0, $0x1  }
0x44: {  	[tilespmem:s25], [sflag:$0x1] =	stream.indirect.gather [hbm4b:s4+s12], $0x20, s24, s12, $0xb8;
	[tilespmem:$0x1D150] =	vst v63  }
0x45: {  	s29 =	simm.s32 $0x380;
	s30 =	simm.s32 $0x7800;
	s9 =	sadd.s32 @!p0 $0x400, s1  }
0x46: {  	[tilespmem:s28], [sflag:$0x1] =	stream.indirect.gather [hbm4b:s4+s12], $0x20, s26, s12, $0xb8;
	[tilespmem:$0x1D150] =	vst v63  }
.Ltmp3:
0x47: {  	s16 =	sadd.s32 $0xFFFFFFFE, s0;
	s9 =	sshrl.u32 @!p0 s9, $0x3;
	(pc) =	sbr.rel .LBB2_3-.Ltmp3, $4  }
0x48: {  	s11 =	simm.s32 @!p0 $0x0;
	s13 =	simm.s32 @!p0 $0x400;
	s9 =	sadd.s32 @!p0 s2, s9  }
0x49: {  	[tilespmem:s30], [sflag:$0x1] =	stream.indirect.gather [hbm4b:s4+s12], $0x20, s29, s12, $0xb8;
	[tilespmem:$0x1D150] =	vst v63  }
0x4a: {  	s17 =	ssub.s32 $0x0, s1;
	s18 =	simm.s32 $0x0;
	s24 =	simm.s32 $0x0  }
0x4b: {  	v2 =	vimm.f32 $0.0e+00;
	v1 =	vimm.f32 $0.0e+00;
	[tilespmem:s13], [sflag:$0x4] =	stream.linear.gather @!p0 [hbm4b:s9+s11], $0x400, $0x38;
	[tilespmem:$0x1D150] =	vst v63  }
.LBB2_35:
0x4c: {  	v3 =	vld [tilespmem:s15+$0x13000];
	_ =	sdelay $0x4  }
0x4d: {  	(v2sf) =	vpush v3, $0x0;
	_ =	sdelay $0xe  }
0x4e: {  	s5 =	spop (v2sf)  }
0x4f: {  	p0 =	slt.s32 s24, s15;
	p1 =	sgt.s32 s5, s20  }
0x50: {  	p0 =	por !p0, !p1  }
0x51: {  	s5 =	simm.s32 $0x1;
	p0 =	por !p0, !p0  }
0x52: {  	s5 =	simm.s32 @!p0 $0x0;
	p0 =	slt.s32 s18, s0  }
.Ltmp4:
0x53: {  	_ = 	snop;
	(pc) =	sbr.rel @!p0 .LBB2_5-.Ltmp4, $2  }
0x54: {  	_ =	sdelay $0x2  }
0x55: {  	s24 =	ssub.s32 s15, s5  }
.LBB2_3:
0x56: {  	s21 =	sand.u32 $0x1, s18  }
0x57: {  	p0 =	seq.s32 s21, $0x0  }
.Ltmp5:
0x58: {  	_ = 	snop;
	(pc) =	sbr.rel @!p0 .LBB2_4-.Ltmp5, $3  }
0x59: {  	_ =	sdelay $0x1  }
0x5a: {  	s19 =	sshll.u32 s18, $0xA  }
0x5b: {  	s29 =	sadd.s32 s1, s19  }
0x5c: {  	_ =	swait.ge [sflag:s14], $0x1000  }
0x5d: {  	[sflag:s14] =	ssyncset.done $0x0  }
0x5e: {  	[sflag:s14] =	ssyncadd.s32 $0xFFFFF000  }
0x5f: {  	_ =	swait.ge [sflag:s14], $0x1000  }
0x60: {  	[sflag:s14] =	ssyncset.done $0x0  }
0x61: {  	[sflag:s14] =	ssyncadd.s32 $0xFFFFF000  }
0x62: {  	_ =	swait.ge [sflag:s14], $0x1000  }
0x63: {  	[sflag:s14] =	ssyncset.done $0x0  }
0x64: {  	[sflag:s14] =	ssyncadd.s32 $0xFFFFF000  }
0x65: {  	_ =	swait.ge [sflag:s14], $0x1000  }
0x66: {  	[sflag:s14] =	ssyncset.done $0x0  }
0x67: {  	[sflag:s14] =	ssyncadd.s32 $0xFFFFF000  }
0x68: {  	_ =	swait.ge [sflag:s14], $0x1000  }
0x69: {  	[sflag:s14] =	ssyncset.done $0x0  }
0x6a: {  	[sflag:s14] =	ssyncadd.s32 $0xFFFFF000  }
0x6b: {  	_ =	swait.ge [sflag:s14], $0x1000  }
0x6c: {  	[sflag:s14] =	ssyncset.done $0x0  }
0x6d: {  	[sflag:s14] =	ssyncadd.s32 $0xFFFFF000  }
0x6e: {  	_ =	swait.ge [sflag:s14], $0x1000  }
0x6f: {  	[sflag:s14] =	ssyncset.done $0x0  }
0x70: {  	[sflag:s14] =	ssyncadd.s32 $0xFFFFF000  }
0x71: {  	s9 =	sor.u32 $0x1, s18;
	_ =	swait.ge [sflag:s14], $0x1000  }
0x72: {  	p1 =	sge.s32 s9, s0;
	[sflag:s14] =	ssyncset.done $0x0  }
0x73: {  	s11 =	simm.s32 @!p1 $0x4;
	[sflag:s14] =	ssyncadd.s32 $0xFFFFF000  }
0x74: {  	_ =	swait.ge @!p1 [sflag:s11], $0x400  }
0x75: {  	s13 =	simm.s32 @!p1 $0x400;
	[sflag:s11] =	ssyncset.done @!p1 $0x0  }
0x76: {  	s15 =	simm.s32 @!p1 $0x8800;
	[sflag:s11] =	ssyncadd.s32 @!p1 $0xFFFFFC00;
	s11 =	simm.s32 @!p1 $0x80  }
0x77: {  	[tilespmem:s15], [sflag:$0x2] =	stream.indirect.gather @!p1 [hbm4b:s4+s11], $0x20, s13, s11, $0xb8;
	[tilespmem:$0x1D150] =	vst v63  }
0x78: {  	s13 =	simm.s32 @!p1 $0x480;
	s15 =	simm.s32 @!p1 $0x9800  }
0x79: {  	[tilespmem:s15], [sflag:$0x2] =	stream.indirect.gather @!p1 [hbm4b:s4+s11], $0x20, s13, s11, $0xb8;
	[tilespmem:$0x1D150] =	vst v63  }
0x7a: {  	s13 =	simm.s32 @!p1 $0x500;
	s15 =	simm.s32 @!p1 $0xA800  }
0x7b: {  	[tilespmem:s15], [sflag:$0x2] =	stream.indirect.gather @!p1 [hbm4b:s4+s11], $0x20, s13, s11, $0xb8;
	[tilespmem:$0x1D150] =	vst v63  }
0x7c: {  	s13 =	simm.s32 @!p1 $0x580;
	s15 =	simm.s32 @!p1 $0xB800  }
0x7d: {  	[tilespmem:s15], [sflag:$0x2] =	stream.indirect.gather @!p1 [hbm4b:s4+s11], $0x20, s13, s11, $0xb8;
	[tilespmem:$0x1D150] =	vst v63  }
0x7e: {  	s13 =	simm.s32 @!p1 $0x600;
	s15 =	simm.s32 @!p1 $0xC800  }
0x7f: {  	[tilespmem:s15], [sflag:$0x2] =	stream.indirect.gather @!p1 [hbm4b:s4+s11], $0x20, s13, s11, $0xb8;
	[tilespmem:$0x1D150] =	vst v63  }
0x80: {  	s13 =	simm.s32 @!p1 $0x680;
	s15 =	simm.s32 @!p1 $0xD800  }
0x81: {  	[tilespmem:s15], [sflag:$0x2] =	stream.indirect.gather @!p1 [hbm4b:s4+s11], $0x20, s13, s11, $0xb8;
	[tilespmem:$0x1D150] =	vst v63  }
0x82: {  	s13 =	simm.s32 @!p1 $0x700;
	s15 =	simm.s32 @!p1 $0xE800  }
0x83: {  	[tilespmem:s15], [sflag:$0x2] =	stream.indirect.gather @!p1 [hbm4b:s4+s11], $0x20, s13, s11, $0xb8;
	[tilespmem:$0x1D150] =	vst v63  }
0x84: {  	s13 =	simm.s32 @!p1 $0x780;
	s15 =	simm.s32 @!p1 $0xF800  }
0x85: {  	[tilespmem:s15], [sflag:$0x2] =	stream.indirect.gather @!p1 [hbm4b:s4+s11], $0x20, s13, s11, $0xb8;
	[tilespmem:$0x1D150] =	vst v63  }
.Ltmp6:
0x86: {  	p3 =	sge.s32 s18, s16;
	(pc) =	sbr.rel .LBB2_12-.Ltmp6, $4  }
0x87: {  	p4 =	por @!p3 $0x1, $0x1;
	p2 =	slt.s32 s9, s0;
	s11 =	sadd.s32 @!p3 $0x800, s29  }
0x88: {  	s18 =	smov.u32 s9;
	p1 =	por $0x0, $0x0;
	s11 =	sshrl.u32 @!p3 s11, $0x3  }
0x89: {  	s13 =	simm.s32 @!p3 $0x0;
	p1 =	por @!p3 p4, p4;
	s11 =	sadd.s32 @!p3 s2, s11  }
0x8a: {  	[tilespmem:s13], [sflag:$0x3] =	stream.linear.gather @!p3 [hbm4b:s11+s13], $0x400, $0x38;
	[tilespmem:$0x1D150] =	vst v63  }
.LBB2_4:
0x8b: {  	s9 =	sadd.s32 $0x1, s18  }
0x8c: {  	p1 =	slt.s32 s18, s16;
	p2 =	slt.s32 s9, s0;
	s18 =	smov.u32 s9  }
.LBB2_12:
0x8d: {  	s9 =	simm.s32 @!p0 $0x2  }
0x8e: {  	_ =	swait.ge @!p0 [sflag:s9], $0x1000  }
0x8f: {  	[sflag:s9] =	ssyncset.done @!p0 $0x0  }
0x90: {  	[sflag:s9] =	ssyncadd.s32 @!p0 $0xFFFFF000  }
0x91: {  	_ =	swait.ge @!p0 [sflag:s9], $0x1000  }
0x92: {  	[sflag:s9] =	ssyncset.done @!p0 $0x0  }
0x93: {  	[sflag:s9] =	ssyncadd.s32 @!p0 $0xFFFFF000  }
0x94: {  	_ =	swait.ge @!p0 [sflag:s9], $0x1000  }
0x95: {  	[sflag:s9] =	ssyncset.done @!p0 $0x0  }
0x96: {  	[sflag:s9] =	ssyncadd.s32 @!p0 $0xFFFFF000  }
0x97: {  	_ =	swait.ge @!p0 [sflag:s9], $0x1000  }
0x98: {  	[sflag:s9] =	ssyncset.done @!p0 $0x0  }
0x99: {  	[sflag:s9] =	ssyncadd.s32 @!p0 $0xFFFFF000  }
0x9a: {  	_ =	swait.ge @!p0 [sflag:s9], $0x1000  }
0x9b: {  	[sflag:s9] =	ssyncset.done @!p0 $0x0  }
0x9c: {  	[sflag:s9] =	ssyncadd.s32 @!p0 $0xFFFFF000  }
0x9d: {  	_ =	swait.ge @!p0 [sflag:s9], $0x1000  }
0x9e: {  	[sflag:s9] =	ssyncset.done @!p0 $0x0  }
0x9f: {  	[sflag:s9] =	ssyncadd.s32 @!p0 $0xFFFFF000  }
0xa0: {  	_ =	swait.ge @!p0 [sflag:s9], $0x1000  }
0xa1: {  	[sflag:s9] =	ssyncset.done @!p0 $0x0  }
0xa2: {  	[sflag:s9] =	ssyncadd.s32 @!p0 $0xFFFFF000  }
0xa3: {  	_ =	swait.ge @!p0 [sflag:s9], $0x1000  }
0xa4: {  	p2 =	por !p2, p0;
	[sflag:s9] =	ssyncset.done @!p0 $0x0  }
0xa5: {  	[sflag:s9] =	ssyncadd.s32 @!p0 $0xFFFFF000;
	s9 =	simm.s32 @!p2 $0x3  }
0xa6: {  	_ =	swait.ge @!p2 [sflag:s9], $0x400  }
0xa7: {  	s11 =	simm.s32 @!p2 $0x0;
	[sflag:s9] =	ssyncset.done @!p2 $0x0  }
0xa8: {  	s13 =	simm.s32 @!p2 $0x800;
	[sflag:s9] =	ssyncadd.s32 @!p2 $0xFFFFFC00;
	s9 =	simm.s32 @!p2 $0x80  }
0xa9: {  	[tilespmem:s13], [sflag:$0x1] =	stream.indirect.gather @!p2 [hbm4b:s4+s9], $0x20, s11, s9, $0xb8;
	[tilespmem:$0x1D150] =	vst v63  }
0xaa: {  	s11 =	simm.s32 @!p2 $0x1800  }
0xab: {  	[tilespmem:s11], [sflag:$0x1] =	stream.indirect.gather @!p2 [hbm4b:s4+s9], $0x20, s9, s9, $0xb8;
	[tilespmem:$0x1D150] =	vst v63  }
0xac: {  	s13 =	simm.s32 @!p2 $0x2800;
	s11 =	simm.s32 @!p2 $0x100  }
0xad: {  	[tilespmem:s13], [sflag:$0x1] =	stream.indirect.gather @!p2 [hbm4b:s4+s9], $0x20, s11, s9, $0xb8;
	[tilespmem:$0x1D150] =	vst v63  }
0xae: {  	s11 =	simm.s32 @!p2 $0x180;
	s13 =	simm.s32 @!p2 $0x3800  }
0xaf: {  	[tilespmem:s13], [sflag:$0x1] =	stream.indirect.gather @!p2 [hbm4b:s4+s9], $0x20, s11, s9, $0xb8;
	[tilespmem:$0x1D150] =	vst v63  }
0xb0: {  	s11 =	simm.s32 @!p2 $0x200;
	s13 =	simm.s32 @!p2 $0x4800  }
0xb1: {  	[tilespmem:s13], [sflag:$0x1] =	stream.indirect.gather @!p2 [hbm4b:s4+s9], $0x20, s11, s9, $0xb8;
	[tilespmem:$0x1D150] =	vst v63  }
0xb2: {  	s11 =	simm.s32 @!p2 $0x280;
	s13 =	simm.s32 @!p2 $0x5800  }
0xb3: {  	[tilespmem:s13], [sflag:$0x1] =	stream.indirect.gather @!p2 [hbm4b:s4+s9], $0x20, s11, s9, $0xb8;
	[tilespmem:$0x1D150] =	vst v63  }
0xb4: {  	s25 =	sadd.s32 $0x140, s24;
	s11 =	simm.s32 @!p2 $0x300;
	s13 =	simm.s32 @!p2 $0x6800  }
0xb5: {  	[tilespmem:s13], [sflag:$0x1] =	stream.indirect.gather @!p2 [hbm4b:s4+s9], $0x20, s11, s9, $0xb8;
	[tilespmem:$0x1D150] =	vst v63  }
0xb6: {  	p0 =	por !p1, p0;
	s11 =	simm.s32 @!p2 $0x380;
	s13 =	simm.s32 @!p2 $0x7800  }
0xb7: {  	[tilespmem:s13], [sflag:$0x1] =	stream.indirect.gather @!p2 [hbm4b:s4+s9], $0x20, s11, s9, $0xb8;
	[tilespmem:$0x1D150] =	vst v63  }
0xb8: {  	s26 =	sand.u32 $0x1, s25;
	s9 =	sadd.s32 @!p0 $0x800, s29  }
0xb9: {  	p5 =	slt.s32 s25, $0x1;
	p6 =	seq.s32 s26, $0x1;
	s9 =	sshrl.u32 @!p0 s9, $0x3  }
0xba: {  	s11 =	simm.s32 @!p0 $0x0;
	s13 =	simm.s32 @!p0 $0x400;
	s9 =	sadd.s32 @!p0 s2, s9  }
0xbb: {  	[tilespmem:s13], [sflag:$0x4] =	stream.linear.gather @!p0 [hbm4b:s9+s11], $0x400, $0x38;
	[tilespmem:$0x1D150] =	vst v63  }
0xbc: {  	s28 =	sshrl.u32 s25, $0x1F;
	p0 =	por !p5, !p6  }
0xbd: {  	s11 =	sadd.s32 s28, s25;
	s13 =	simm.s32 $0x1;
	p0 =	por !p0, !p0  }
0xbe: {  	s11 =	sshra.s32 s11, $0x1;
	s13 =	simm.s32 @!p0 $0x0  }
0xbf: {  	s15 =	ssub.s32 s11, s13  }
0xc0: {  	v3 =	vld [tilespmem:s15+$0x13000];
	_ =	sdelay $0x4  }
0xc1: {  	(v2sf) =	vpush v3, $0x0;
	_ =	sdelay $0xd  }
0xc2: {  	s20 =	sadd.s32 $0x400, s29  }
0xc3: {  	p1 =	slt.s32 s24, $0x140;
	s9 =	simm.s32 $0x140;
	s30 =	spop (v2sf)  }
0xc4: {  	s13 =	smov.u32 s24;
	s22 =	sadd.s32 $0x1, s15;
	p0 =	slt.s32 s30, s20  }
0xc5: {  	p2 =	sge.s32 s30, s20;
	s13 =	smov.u32 @p0 s22;
	s22 =	simm.s32 $0x140  }
0xc6: {  	s11 =	simm.s32 $0x8;
	s22 =	smov.u32 @p2 s15;
	s15 =	smov.u32 s24  }
.LBB2_13:
0xc7: {  	p0 =	seq.s32 s11, $0x1;
	s15 =	smov.u32 @p1 s13;
	s9 =	smov.u32 @p1 s22  }
0xc8: {  	s11 =	sadd.s32 $0xFFFFFFFF, s11;
	s13 =	sadd.s32 s15, s9  }
0xc9: {  	s22 =	sshrl.u32 s13, $0x1F;
	s23 =	sand.u32 $0x1, s13  }
0xca: {  	p1 =	slt.s32 s13, $0x1;
	s22 =	sadd.s32 s22, s13;
	p2 =	seq.s32 s23, $0x1  }
0xcb: {  	p1 =	por !p1, !p2  }
0xcc: {  	s13 =	sshra.s32 s22, $0x1;
	s22 =	simm.s32 $0x1;
	p1 =	por !p1, !p1  }
0xcd: {  	s22 =	simm.s32 @!p1 $0x0  }
0xce: {  	s23 =	ssub.s32 s13, s22  }
0xcf: {  	v3 =	vld [tilespmem:s23+$0x13000];
	_ =	sdelay $0x4  }
0xd0: {  	(v2sf) =	vpush v3, $0x0;
	_ =	sdelay $0xd  }
.Ltmp7:
0xd1: {  	(pc) =	sbr.rel @!p0 .LBB2_13-.Ltmp7, $4  }
0xd2: {  	s22 =	sadd.s32 $0x1, s23;
	s13 =	spop (v2sf)  }
0xd3: {  	p2 =	slt.s32 s13, s20;
	p3 =	sge.s32 s13, s20;
	s13 =	smov.u32 s15  }
0xd4: {  	s13 =	smov.u32 @p2 s22;
	s22 =	smov.u32 s9  }
0xd5: {  	p1 =	slt.s32 s15, s9;
	s22 =	smov.u32 @p3 s23  }
0xd6: {  	s15 =	smov.u32 @p1 s13  }
0xd7: {  	p0 =	sge.s32 s24, s15  }
.Ltmp8:
0xd8: {  	_ = 	snop;
	(pc) =	sbr.rel @p0 .LBB2_35-.Ltmp8, $1  }
0xd9: {  	_ =	sdelay $0x3  }
.Ltmp9:
0xda: {  	(pc) =	sbr.rel .LBB2_16-.Ltmp9, $4  }
0xdb: {  	_ = 	snop  }
0xdc: {  	s22 =	sshll.u32 s21, $0xA  }
0xdd: {  	s9 =	sadd.s32 s22, s17  }
0xde: {  	s21 =	smov.u32 s24;
	s23 =	ssub.s32 s9, s19  }
.LBB2_29:
0xdf: {  	v9 =	vmov v2  }
.LBB2_33:
0xe0: {  	v9 =	vadd.f32 @p0 v10, v9  }
0xe1: {  	v3 =	vadd.f32 v8, v3;
	v4 =	vadd.f32 v7, v4;
	_ =	sdelay $0x1  }
0xe2: {  	v3 =	vmax.f32 v3, $0.0e+00;
	v4 =	vmax.f32 v4, $0.0e+00;
	v2 =	vpsel p0, v9, v2  }
0xe3: {  	v1 =	vadd.f32 v3, v1;
	v2 =	vadd.f32 v4, v2  }
.LBB2_34:
0xe4: {  	p0 =	sgt.s32 s26, s20  }
0xe5: {  	s5 =	ssub.s32 @!p0 s26, s25  }
0xe6: {  	s9 =	scvt.s32.f32 @!p0 s5;
	_ =	sdelay $0x1  }
0xe7: {  	v3 =	vmov @!p0 s9  }
0xe8: {  	v3 =	vmax.f32 @!p0 v3, $1.000000000e+00  }
0xe9: {  	v3 =	vbroadcast @!p0 v3, $0x0;
	_ =	sdelay $0x1  }
0xea: {  	(erf) = vrcp.f32 @!p0 v3;
	_ =	sdelay $0x7  }
0xeb: {  	v1 =	vadd.f32 v1, v5  }
0xec: {  	v3 =	vpop @!p0 (erf)  }
0xed: {  	s9 =	sshll.u32 @!p0 s21, $0x9;
	v4 =	vmul.f32 @!p0 v1, v3  }
0xee: {  	p1 =	sgt.s32 @!p0 s5, $0x0;
	s9 =	sshra.s32 @!p0 s9, $0x2  }
0xef: {  	p1 =	por !p1, p0;
	s21 =	sadd.s32 $0x1, s21;
	[tilespmem:s9+$0x13150] =	vst @!p0 v4;
	v4 =	vimm.f32 @!p0 $1.000000000e+00  }
0xf0: {  	v2 =	vadd.f32 v2, v6;
	v4 =	vpsel p1, $0x0, v4;
	p1 =	sne.s32 s21, s15  }
.Ltmp10:
0xf1: {  	_ = 	snop;
	(pc) =	sbr.rel @!p1 .LBB2_35-.Ltmp10, $3  }
0xf2: {  	v3 =	vmul.f32 @!p0 v2, v3;
	_ =	sdelay $0x1  }
0xf3: {  	[tilespmem:s9+$0x13160] =	vst @!p0 v3  }
0xf4: {  	v2 =	vpsel !p0, $0x0, v2;
	v1 =	vpsel !p0, $0x0, v1;
	[tilespmem:s9+$0x13170] =	vst @!p0 v4  }
.LBB2_16:
0xf5: {  	v3 =	vld [tilespmem:s21+$0x13000]  }
0xf6: {  	v4 =	vld [tilespmem:s21+$0x13001];
	_ =	sdelay $0x3  }
0xf7: {  	(v2sf) =	vpush v3, $0x0  }
0xf8: {  	(v2sf) =	vpush v4, $0x0;
	_ =	sdelay $0xd  }
0xf9: {  	s25 =	spop (v2sf)  }
0xfa: {  	s19 =	smov.u32 s29;
	s26 =	spop (v2sf)  }
0xfb: {  	s11 =	smov.u32 s20;
	p0 =	sgt.s32 s25, s29;
	p1 =	slt.s32 s26, s20  }
0xfc: {  	s19 =	smov.u32 @p0 s25;
	s11 =	smov.u32 @p1 s26  }
0xfd: {  	s9 =	ssub.s32 s19, s29;
	s28 =	ssub.s32 s11, s29  }
0xfe: {  	p0 =	sne.s32 s11, s19;
	s11 =	simm.s32 $0x1;
	s13 =	ssub.s32 s28, s9  }
0xff: {  	s11 =	simm.s32 @!p0 $0x0;
	s30 =	sshra.s32 s13, $0x1F  }
0x100: {  	s5 =	sand.u32 $0x3, s13;
	s11 =	sor.u32 s11, s30  }
0x101: {  	p6 =	sne.s32 s5, $0x0;
	p5 =	sne.s32 s11, $0x1  }
0x102: {  	s11 =	sshrl.u32 s30, $0x1E;
	p0 =	por !p6, !p5  }
0x103: {  	s5 =	sadd.s32 s11, s13;
	s11 =	simm.s32 $0x1;
	p0 =	por !p0, !p0  }
0x104: {  	s5 =	sshra.s32 s5, $0x2;
	s11 =	simm.s32 @!p0 $0x0  }
0x105: {  	s30 =	sshll.u32 s21, $0x7;
	s11 =	ssub.s32 s5, s11  }
0x106: {  	s13 =	sshra.s32 s30, $0x2;
	p0 =	slt.s32 s11, $0x1  }
.Ltmp11:
0x107: {  	v3 =	vld [tilespmem:s13+$0x10800];
	(pc) =	sbr.rel @p0 .LBB2_17-.Ltmp11, $1  }
0x108: {  	v4 =	vld [tilespmem:s13+$0x10810];
	_ =	sdelay $0x3  }
0x109: {  	s5 =	sadd.s32 s22, s9  }
0x10a: {  	s5 =	sshll.u32 s5, $0x7  }
0x10b: {  	s5 =	sshra.s32 s5, $0x2  }
0x10c: {  	s13 =	sadd.s32 $0x840, s5  }
0x10d: {  	v6 =	vld [tilespmem:s13+$0x10]  }
0x10e: {  	p2 =	sne.s32 s11, $0x1;
	v13 =	vld [tilespmem:s13+$0x30]  }
.Ltmp12:
0x10f: {  	v11 =	vld [tilespmem:s13+$0xFFFFFFC0];
	(pc) =	sbr.rel @!p2 .LBB2_19-.Ltmp12, $4  }
0x110: {  	v7 =	vld [tilespmem:s13+$0xFFFFFFF0]  }
0x111: {  	v10 =	vld [tilespmem:s13+$0xFFFFFFE0]  }
0x112: {  	v12 =	vld [tilespmem:s13+$0xFFFFFFD0]  }
0x113: {  	v5 =	vimm.f32 $0.0e+00;
	s30 =	sadd.s32 $0xFFFFFFFF, s11;
	p0 =	por $0x0, $0x0;
	p1 =	por $0x0, $0x0;
	v9 =	vld [tilespmem:s13+$0x20];
	v8 =	vadd.f32 v6, v4;
	v6 =	vadd.f32 v13, v4  }
0x114: {  	v24 =	vld [tilespmem:s13+$0x0];
	s13 =	sadd.s32 $0x80, s13  }
0x115: {  	v13 =	vld [tilespmem:s13+$0x10]  }
0x116: {  	p2 =	sne.s32 s30, $0x1;
	v14 =	vld [tilespmem:s13+$0x30];
	v10 =	vadd.f32 v10, v3  }
.Ltmp13:
0x117: {  	v23 =	vadd.f32 v11, v3;
	v15 =	vadd.f32 v7, v4;
	v11 =	vld [tilespmem:s13+$0xFFFFFFC0];
	(pc) =	sbr.rel @!p2 .LBB2_21-.Ltmp13, $4  }
0x118: {  	v22 =	vmax.f32 v8, $0.0e+00;
	v7 =	vld [tilespmem:s13+$0xFFFFFFF0];
	v8 =	vadd.f32 v12, v4;
	v12 =	vmax.f32 v10, $0.0e+00  }
0x119: {  	v17 =	vmax.f32 v15, $0.0e+00;
	v16 =	vadd.f32 v9, v3;
	v10 =	vld [tilespmem:s13+$0xFFFFFFE0];
	v15 =	vadd.f32 v12, v5  }
0x11a: {  	v9 =	vld [tilespmem:s13+$0x20];
	v18 =	vmax.f32 v8, $0.0e+00;
	v8 =	vadd.f32 v13, v4;
	v13 =	vadd.f32 v17, v5  }
0x11b: {  	s30 =	sadd.s32 $0xFFFFFFFF, s30;
	p0 =	por $0x1, $0x1;
	v12 =	vld [tilespmem:s13+$0xFFFFFFD0];
	v26 =	vadd.f32 v14, v4;
	v14 =	vadd.f32 v18, v2;
	v17 =	vmax.f32 v6, $0.0e+00  }
0x11c: {  	v20 =	vadd.f32 v11, v3;
	v6 =	vadd.f32 v24, v3  }
0x11d: {  	v18 =	vld [tilespmem:s13+$0x0];
	s13 =	sadd.s32 $0x80, s13;
	v11 =	vmax.f32 v16, $0.0e+00;
	v16 =	vmax.f32 v23, $0.0e+00;
	v7 =	vadd.f32 v7, v4  }
0x11e: {  	v21 =	vmax.f32 v8, $0.0e+00;
	v24 =	vld [tilespmem:s13+$0x10];
	v8 =	vadd.f32 v11, v15;
	v19 =	vadd.f32 v16, v1  }
0x11f: {  	p2 =	sne.s32 s30, $0x1;
	v23 =	vld [tilespmem:s13+$0x30];
	v14 =	vadd.f32 v22, v14;
	v10 =	vadd.f32 v10, v3  }
.Ltmp14:
0x120: {  	v11 =	vld [tilespmem:s13+$0xFFFFFFC0];
	v16 =	vadd.f32 v9, v3;
	v9 =	vadd.f32 v17, v13;
	(pc) =	sbr.rel @!p2 .LBB2_23-.Ltmp14, $4  }
0x121: {  	v25 =	vmax.f32 v7, $0.0e+00;
	v7 =	vld [tilespmem:s13+$0xFFFFFFF0];
	v12 =	vadd.f32 v12, v4;
	v15 =	vmax.f32 v10, $0.0e+00  }
0x122: {  	v10 =	vld [tilespmem:s13+$0xFFFFFFE0];
	v15 =	vadd.f32 v15, v8;
	v13 =	vadd.f32 v25, v9  }
0x123: {  	v25 =	vmax.f32 v6, $0.0e+00;
	v17 =	vmax.f32 v12, $0.0e+00;
	v12 =	vld [tilespmem:s13+$0xFFFFFFD0];
	v8 =	vadd.f32 v24, v4  }
0x124: {  	s30 =	sadd.s32 $0xFFFFFFFF, s30;
	p1 =	por $0x1, $0x1;
	v9 =	vld [tilespmem:s13+$0x20];
	v6 =	vadd.f32 v23, v4;
	v14 =	vadd.f32 v17, v14;
	v17 =	vmax.f32 v26, $0.0e+00  }
.LBB2_24:
0x125: {  	p2 =	sne.s32 s30, $0x1;
	s30 =	sadd.s32 $0xFFFFFFFF, s30;
	v11 =	vadd.f32 v11, v3;
	v22 =	vadd.f32 v18, v3;
	v18 =	vld [tilespmem:s13+$0x0];
	s13 =	sadd.s32 $0x80, s13;
	v16 =	vmax.f32 v16, $0.0e+00  }
0x126: {  	v24 =	vmax.f32 v20, $0.0e+00;
	v19 =	vadd.f32 v25, v19;
	v23 =	vld [tilespmem:s13+$0x10];
	v7 =	vadd.f32 v7, v4  }
0x127: {  	v8 =	vmax.f32 v8, $0.0e+00;
	v15 =	vadd.f32 v16, v15;
	v26 =	vld [tilespmem:s13+$0x30];
	v10 =	vadd.f32 v10, v3;
	v20 =	vmovc v11  }
.Ltmp15:
0x128: {  	v19 =	vadd.f32 v24, v19;
	v11 =	vld [tilespmem:s13+$0xFFFFFFC0];
	v12 =	vadd.f32 v12, v4;
	v25 =	vmax.f32 v7, $0.0e+00;
	(pc) =	sbr.rel @p2 .LBB2_24-.Ltmp15, $4  }
0x129: {  	v7 =	vld [tilespmem:s13+$0xFFFFFFF0];
	v24 =	vmax.f32 v10, $0.0e+00;
	v16 =	vadd.f32 v9, v3;
	v9 =	vadd.f32 v17, v13  }
0x12a: {  	v14 =	vadd.f32 v21, v14;
	v21 =	vmovc v8;
	v10 =	vld [tilespmem:s13+$0xFFFFFFE0];
	v17 =	vmax.f32 v12, $0.0e+00;
	v15 =	vadd.f32 v24, v15  }
0x12b: {  	v12 =	vld [tilespmem:s13+$0xFFFFFFD0];
	v8 =	vadd.f32 v23, v4;
	v13 =	vadd.f32 v25, v9;
	v25 =	vmax.f32 v22, $0.0e+00  }
0x12c: {  	v14 =	vadd.f32 v17, v14;
	v17 =	vmax.f32 v6, $0.0e+00;
	v9 =	vld [tilespmem:s13+$0x20];
	v6 =	vadd.f32 v26, v4  }
0x12d: {  	v24 =	vmov v18;
	v23 =	vmov v20;
	v22 =	vmov v21  }
.LBB2_26:
0x12e: {  	v11 =	vadd.f32 v11, v3  }
0x12f: {  	v18 =	vadd.f32 @p0 v24, v3;
	v16 =	vmax.f32 @p0 v16, $0.0e+00;
	v19 =	vadd.f32 @p1 v25, v19  }
0x130: {  	v7 =	vadd.f32 v7, v4;
	v20 =	vmax.f32 @p0 v23, $0.0e+00;
	v13 =	vadd.f32 @p0 v17, v13  }
0x131: {  	v14 =	vadd.f32 @p0 v22, v14;
	v8 =	vmax.f32 v8, $0.0e+00;
	v10 =	vadd.f32 v10, v3  }
0x132: {  	v15 =	vadd.f32 @p0 v16, v15;
	v12 =	vadd.f32 v12, v4;
	v16 =	vpsel p1, v19, v1  }
0x133: {  	v62 =	vld [tilespmem:s13+$0x0];
	v7 =	vmax.f32 v7, $0.0e+00;
	v17 =	vmax.f32 @p0 v18, $0.0e+00;
	v16 =	vadd.f32 @p0 v20, v16  }
0x134: {  	v2 =	vpsel p0, v14, v2;
	v10 =	vmax.f32 v10, $0.0e+00;
	v15 =	vpsel p0, v15, v5  }
0x135: {  	v10 =	vadd.f32 v10, v15;
	v15 =	vpsel p0, v16, v0;
	v16 =	vpsel p0, v17, v0  }
0x136: {  	v9 =	vadd.f32 v9, v3;
	v5 =	vpsel p0, v13, v5;
	v13 =	vadd.f32 @p0 v16, v15  }
.Ltmp16:
0x137: {  	v12 =	vmax.f32 v12, $0.0e+00;
	v7 =	vadd.f32 v7, v5;
	v5 =	vmax.f32 v11, $0.0e+00;
	(pc) =	sbr.rel .LBB2_27-.Ltmp16, $4  }
0x138: {  	v2 =	vadd.f32 v12, v2;
	v63 =	vadd.f32 v62, v3;
	v1 =	vpsel p0, v13, v1  }
0x139: {  	v6 =	vmax.f32 v6, $0.0e+00;
	v9 =	vmax.f32 v9, $0.0e+00;
	v1 =	vadd.f32 v5, v1  }
0x13a: {  	v6 =	vadd.f32 v6, v7;
	v7 =	vmax.f32 v63, $0.0e+00;
	v2 =	vadd.f32 v8, v2  }
0x13b: {  	v5 =	vadd.f32 v9, v10;
	v1 =	vadd.f32 v7, v1  }
.LBB2_17:
0x13c: {  	v5 =	vimm.f32 $0.0e+00;
	v6 =	vimm.f32 $0.0e+00  }
.LBB2_27:
0x13d: {  	s11 =	sshll.u32 s11, $0x2  }
0x13e: {  	s9 =	sadd.s32 s9, s11  }
0x13f: {  	p0 =	sge.s32 s9, s28  }
.Ltmp17:
0x140: {  	_ = 	snop;
	(pc) =	sbr.rel @p0 .LBB2_34-.Ltmp17, $1  }
0x141: {  	_ =	sdelay $0x3  }
0x142: {  	s5 =	sadd.s32 s19, s23  }
0x143: {  	s5 =	sadd.s32 s11, s5  }
0x144: {  	s5 =	sshll.u32 s5, $0x7  }
0x145: {  	s9 =	sadd.s32 $0x1, s9;
	s5 =	sshra.s32 s5, $0x2  }
0x146: {  	p1 =	slt.s32 s9, s28;
	s11 =	sadd.s32 $0x810, s5  }
.Ltmp18:
0x147: {  	v8 =	vld [tilespmem:s11+$0xFFFFFFF0];
	(pc) =	sbr.rel @!p1 .LBB2_29-.Ltmp18, $2  }
0x148: {  	v7 =	vld [tilespmem:s11+$0x0];
	_ =	sdelay $0x2  }
0x149: {  	p0 =	por $0x0, $0x0  }
0x14a: {  	s9 =	sadd.s32 $0x1, s9  }
0x14b: {  	v9 =	vadd.f32 v8, v3;
	s11 =	sadd.s32 $0x20, s11;
	p1 =	slt.s32 s9, s28  }
.Ltmp19:
0x14c: {  	v8 =	vld [tilespmem:s11+$0xFFFFFFF0];
	(pc) =	sbr.rel @!p1 .LBB2_31-.Ltmp19, $2  }
0x14d: {  	v10 =	vadd.f32 v7, v4;
	v7 =	vld [tilespmem:s11+$0x0];
	v9 =	vmax.f32 v9, $0.0e+00;
	_ =	sdelay $0x2  }
0x14e: {  	p0 =	por $0x1, $0x1;
	v1 =	vadd.f32 v9, v1;
	v10 =	vmax.f32 v10, $0.0e+00;
	v9 =	vmov v2  }
.LBB2_32:
0x14f: {  	s9 =	sadd.s32 $0x1, s9  }
0x150: {  	v9 =	vadd.f32 v10, v9;
	p1 =	slt.s32 s9, s28  }
.Ltmp20:
0x151: {  	(pc) =	sbr.rel @p1 .LBB2_32-.Ltmp20, $4  }
0x152: {  	v10 =	vadd.f32 v8, v3;
	s11 =	sadd.s32 $0x20, s11  }
0x153: {  	v11 =	vadd.f32 v7, v4;
	v8 =	vld [tilespmem:s11+$0xFFFFFFF0]  }
0x154: {  	v10 =	vmax.f32 v10, $0.0e+00;
	v7 =	vld [tilespmem:s11+$0x0]  }
0x155: {  	v1 =	vadd.f32 v10, v1;
	v10 =	vmax.f32 v11, $0.0e+00  }
.Ltmp21:
0x156: {  	_ = 	snop;
	(pc) =	sbr.rel .LBB2_33-.Ltmp21, $1  }
0x157: {  	_ =	sdelay $0x3  }
.LBB2_19:
.Ltmp22:
0x158: {  	(pc) =	sbr.rel .LBB2_26-.Ltmp22, $2  }
0x159: {  	_ =	sdelay $0x2  }
0x15a: {  	_ = 	snop  }
.LBB2_21:
.Ltmp23:
0x15b: {  	(pc) =	sbr.rel .LBB2_26-.Ltmp23, $2  }
0x15c: {  	_ =	sdelay $0x2  }
0x15d: {  	v6 =	vmov v26  }
.LBB2_23:
.Ltmp24:
0x15e: {  	(pc) =	sbr.rel .LBB2_26-.Ltmp24, $2  }
0x15f: {  	_ =	sdelay $0x2  }
0x160: {  	v24 =	vmov v18;
	v23 =	vmov v20;
	v22 =	vmov v21  }
.LBB2_31:
.Ltmp25:
0x161: {  	(pc) =	sbr.rel .LBB2_33-.Ltmp25, $2  }
0x162: {  	_ =	sdelay $0x2  }
0x163: {  	v9 =	vmov v2  }
.LBB2_5:
0x164: {  	p0 =	sgt.s32 s24, $0x13F  }
.Ltmp26:
0x165: {  	_ = 	snop;
	(pc) =	sbr.rel @p0 .LBB2_9-.Ltmp26, $1  }
0x166: {  	_ =	sdelay $0x3  }
.LBB2_6:
0x167: {  	s1 =	ssub.s32 $0x140, s24  }
0x168: {  	p0 =	sne.s32 s1, $0x1  }
.Ltmp27:
0x169: {  	s0 =	sshll.u32 s24, $0x9;
	(pc) =	sbr.rel @!p0 .LBB2_8-.Ltmp27, $4  }
0x16a: {  	s0 =	sshra.s32 s0, $0x2  }
0x16b: {  	s0 =	sadd.s32 $0x13170, s0  }
0x16c: {  	[tilespmem:s0+$0xFFFFFFE0] =	vst v0  }
0x16d: {  	s1 =	sadd.s32 $0xFFFFFFFF, s1;
	[tilespmem:s0+$0x0] =	vst v0  }
.LBB2_7:
0x16e: {  	p0 =	sne.s32 s1, $0x1;
	s1 =	sadd.s32 $0xFFFFFFFF, s1;
	[tilespmem:s0+$0xFFFFFFF0] =	vst v0;
	s0 =	sadd.s32 $0x80, s0  }
.Ltmp28:
0x16f: {  	[tilespmem:s0+$0xFFFFFFE0] =	vst v0;
	(pc) =	sbr.rel @p0 .LBB2_7-.Ltmp28, $2  }
0x170: {  	_ =	sdelay $0x2  }
0x171: {  	[tilespmem:s0+$0x0] =	vst v0  }
.Ltmp29:
0x172: {  	_ = 	snop;
	(pc) =	sbr.rel .LBB2_8-.Ltmp29, $1  }
0x173: {  	_ =	sdelay $0x3  }
.LBB2_10:
0x174: {  	_ =	sfence.sel $0x180000  }
0x175: {  	[bflag:$0x0] =	sbarrier.arrive $0xFFFF  }
0x176: {  	_ =	strace $0x90000047  }
0x177: {  	s0 =	stileid.u32;
	[bflag:$0x2] =	sbarrier.arrive $0xFFFF  }
0x178: {  	p0 =	sne.s32 s0, $0x0;
	s0 =	rddreg [dreg:$0x2]  }
0x179: {  	s0 =	sadd.s32 @!p0 $0x100000, s0  }
0x17a: {  	[sflag:s0] =	ssyncadd.tile.s32 @!p0 $0x1;
	_ =	shalt  }
.Lfunc_end2:
_tile_overlayer_lowered:
.L_overlay_start_2:
0x17b: {  	(tag) =	ssettag $0x2  }
0x17c: {  	s0 =	rddreg [dreg:$0x0];
	s2 =	stileid.u32  }
0x17d: {  	s1 =	rddreg [dreg:$0x1];
	p0 =	sne.s32 s2, $0x0  }
0x17e: {  	s3 =	rddreg [dreg:$0x2];
	[bflag:$0x3] =	sbarrier.arrive $0xFFFF;
	s2 =	simm.s32 @!p0 $0x1C05  }
0x17f: {  	[timem:s3], [sflag:s2] =	dma.local @!p0 [hbm:s0], s1  }
0x180: {  	s0 =	simm.s32 @!p0 $0x5  }
0x181: {  	_ =	swait.ge @!p0 [sflag:s0], s1  }
0x182: {  	s1 =	ssub.s32 @!p0 $0x0, s1;
	[sflag:s0] =	ssyncset.done @!p0 $0x0  }
0x183: {  	[sflag:s0] =	ssyncadd.s32 @!p0 s1  }
0x184: {  	[bflag:$0x3] =	sbarrier.arrive $0xFFFF  }
0x185: {  	_ =	shalt  }

</sc_bundles>
